<compile_context>
chip_gen: v7x
topology: tpu7x:2x2x1
jax: 0.10.2.dev20260603
libtpu: 0.0.44.dev20260713+nightly
codegen_flags: <defaults>
</compile_context>

<pallas_src>
import functools

import jax
import jax.numpy as jnp
from jax import lax
from jax.experimental import pallas as pl
from jax.experimental.pallas import tpu as pltpu
from jax.experimental.pallas import tpu_sc as plsc


def _make_scatter(E, N, D, NC, NS, K, NB, RK=80):
    W = NC * NS
    EPW = E // W
    C = EPW // K
    T = EPW - C * K
    NG = (C + NB - 1) // NB
    RCH = N // RK
    mesh = plsc.VectorSubcoreMesh(core_axis_name="c", subcore_axis_name="s")

    @functools.partial(
        pl.kernel,
        out_type=jax.ShapeDtypeStruct((NC, N, D), jnp.float32),
        mesh=mesh,
        scratch_types=[
            pltpu.VMEM((NB, K), jnp.int32),
            pltpu.VMEM((NB, K, D), jnp.float32),
            pltpu.VMEM((16,), jnp.int32),
            pltpu.VMEM((RK, D), jnp.float32),
            pltpu.VMEM_SHARED((N, D), jnp.float32),
            pltpu.SemaphoreType.DMA((NB,)),
            pltpu.SemaphoreType.DMA((NB,)),
        ],
    )
    def scatter_kernel(col_hbm, ea_hbm, out_hbm, idx_v, rows_v, idx_t, zbuf,
                       acc, load_sem, sc_sem):
        c = lax.axis_index("c")
        s = lax.axis_index("s")
        wid = c * NS + s
        rbase = wid * EPW
        cbase = E + rbase

        def issue_loads(j, b):
            c0 = pl.multiple_of(cbase + j * K, 8)
            r0 = pl.multiple_of(rbase + j * K, 8)
            pltpu.async_copy(col_hbm.at[pl.ds(c0, K)], idx_v.at[b],
                             load_sem.at[b])
            pltpu.async_copy(ea_hbm.at[pl.ds(r0, K)], rows_v.at[b],
                             load_sem.at[b])

        def wait_loads(b):
            pltpu.make_async_copy(col_hbm.at[pl.ds(0, K)], idx_v.at[b],
                                  load_sem.at[b]).wait()
            pltpu.make_async_copy(ea_hbm.at[pl.ds(0, K)], rows_v.at[b],
                                  load_sem.at[b]).wait()

        def wait_scatter(b):
            pltpu.make_async_copy(rows_v.at[b], acc.at[idx_v.at[b]],
                                  sc_sem.at[b]).wait()

        for b in range(NB):
            issue_loads(b, b)

        z = jnp.zeros((16,), jnp.float32)

        def zero_row(r, carry):
            def zero_col(j, carry2):
                zbuf[r, pl.ds(j * 16, 16)] = z
                return carry2
            return lax.fori_loop(0, D // 16, zero_col, carry)

        lax.fori_loop(0, RK, zero_row, 0)

        nch = (RCH - s + NS - 1) // NS

        def zero_piece(p, carry):
            r0 = pl.multiple_of((s + p * NS) * RK, 8)
            pltpu.async_copy(zbuf, acc.at[pl.ds(r0, RK)], sc_sem.at[0])
            return carry

        def zero_drain(p, carry):
            pltpu.make_async_copy(zbuf, acc.at[pl.ds(0, RK)],
                                  sc_sem.at[0]).wait()
            return carry

        lax.fori_loop(0, nch, zero_piece, 0)
        lax.fori_loop(0, nch, zero_drain, 0)
        plsc.subcore_barrier()

        def group(g, carry):
            for b in range(NB):
                j = g * NB + b

                @pl.when(j < C)
                def _():
                    wait_loads(b)
                    pltpu.async_copy(rows_v.at[b], acc.at[idx_v.at[b]],
                                     sc_sem.at[b], add=True)
            for b in range(NB):
                j = g * NB + b
                jn = (g + 1) * NB + b

                @pl.when(j < C)
                def _():
                    wait_scatter(b)

                @pl.when(jn < C)
                def _():
                    issue_loads(jn, b)
            return carry

        lax.fori_loop(0, NG, group, 0)

        if T:
            e0 = pl.multiple_of(cbase + C * K, 8)
            r0 = pl.multiple_of(rbase + C * K, 8)
            pltpu.sync_copy(col_hbm.at[pl.ds(e0, T)], idx_t)
            pltpu.sync_copy(ea_hbm.at[pl.ds(r0, T)], zbuf.at[pl.ds(0, T)])
            pltpu.sync_copy(zbuf.at[pl.ds(0, T)], acc.at[idx_t], add=True)

        plsc.subcore_barrier()

        def write_piece(p, carry):
            r0 = pl.multiple_of((s + p * NS) * RK, 8)
            pltpu.async_copy(acc.at[pl.ds(r0, RK)], out_hbm.at[c, pl.ds(r0, RK)],
                             sc_sem.at[0])
            return carry

        def write_drain(p, carry):
            pltpu.make_async_copy(acc.at[pl.ds(0, RK)],
                                  out_hbm.at[c, pl.ds(0, RK)],
                                  sc_sem.at[0]).wait()
            return carry

        lax.fori_loop(0, nch, write_piece, 0)
        lax.fori_loop(0, nch, write_drain, 0)

    return scatter_kernel


def _mlp(x, partial, W1, b1, W2, b2):
    N, Din = x.shape
    H = W1.shape[1]
    Dout = W2.shape[1]
    R = 1000

    def body(x_ref, p_ref, w1_ref, b1_ref, w2_ref, b2_ref, o_ref):
        out1 = p_ref[0] + p_ref[1]
        hcat = jnp.concatenate([x_ref[...], out1], axis=1)
        h = jnp.dot(hcat, w1_ref[...], preferred_element_type=jnp.float32)
        h = jnp.maximum(h + b1_ref[...], 0.0)
        h = jnp.dot(h, w2_ref[...], preferred_element_type=jnp.float32)
        o_ref[...] = h + b2_ref[...] + x_ref[...]

    return pl.pallas_call(
        body,
        grid=(N // R,),
        in_specs=[
            pl.BlockSpec((R, Din), lambda i: (i, 0)),
            pl.BlockSpec((2, R, Din), lambda i: (0, i, 0)),
            pl.BlockSpec((2 * Din, H), lambda i: (0, 0)),
            pl.BlockSpec((1, H), lambda i: (0, 0)),
            pl.BlockSpec((H, Dout), lambda i: (0, 0)),
            pl.BlockSpec((1, Dout), lambda i: (0, 0)),
        ],
        out_specs=pl.BlockSpec((R, Dout), lambda i: (i, 0)),
        out_shape=jax.ShapeDtypeStruct((N, Dout), jnp.float32),
    )(x, partial, W1, b1.reshape(1, H), W2, b2.reshape(1, Dout))


def kernel(x, edge_index, edge_attr, u, batch, W1, b1, W2, b2):
    E, D = edge_attr.shape
    N = x.shape[0]
    info = plsc.get_sparse_core_info()
    NC, NS = info.num_cores, info.num_subcores
    scatter = _make_scatter(E, N, D, NC, NS, K=40, NB=8, RK=40)
    partial = scatter(edge_index.reshape(-1), edge_attr)
    return _mlp(x, partial, W1, b1, W2, b2)

# --- scband reference (transcript-rebuilt; emitter-appended) ---
"""Pipeline reference for scband-node-model-84928683311959 (READ-ONLY COPY).

The authoritative reference and input builder live on the scoring server;
editing this copy changes nothing except your own understanding.
"""

import jax, jax.numpy as jnp
import numpy as np


def setup_inputs(seed: int = 0) -> dict:
    key = jax.random.key(seed)
    ks = jax.random.split(key, 8)
    n_nodes = 10000
    n_edges = 320000
    node_in = 128
    node_out = 128
    edge_out = 128
    hid = 256
    x = jax.random.normal(ks[0], (n_nodes, node_in), dtype=jnp.float32)
    edge_index = jax.random.randint(ks[1], (2, n_edges), 0, n_nodes, dtype=jnp.int32)
    edge_attr = jax.random.normal(ks[2], (n_edges, edge_out), dtype=jnp.float32)
    u = jax.random.normal(ks[3], (1, 64), dtype=jnp.float32)
    batch = jnp.zeros((n_nodes,), dtype=jnp.int32)
    W1 = jax.random.normal(ks[4], (node_in + edge_out, hid), dtype=jnp.float32) * 0.05
    b1 = jnp.zeros((hid,), dtype=jnp.float32)
    W2 = jax.random.normal(ks[5], (hid, node_out), dtype=jnp.float32) * 0.05
    b2 = jnp.zeros((node_out,), dtype=jnp.float32)
    return {"x": x, "edge_index": edge_index, "edge_attr": edge_attr, "u": u, "batch": batch,
            "W1": W1, "b1": b1, "W2": W2, "b2": b2}


def reference(x, edge_index, edge_attr, u, batch, W1, b1, W2, b2):
    # row, col = edge_index; scatter_add edge_attr into destination nodes (col)
    col = edge_index[1]
    out1 = jax.ops.segment_sum(edge_attr, col, num_segments=x.shape[0])
    h = jnp.concatenate([x, out1], axis=1)
    h = jnp.maximum(h @ W1 + b1, 0.0)
    h = h @ W2 + b2
    # residuals=True
    out = h + x
    return out

if __name__ == "__main__":
    import jax
    _d = setup_inputs()
    print(jax.jit(kernel)(*tuple(_d.values())))

</pallas_src>

<mosaic_0001>
#map = affine_map<(d0, d1) -> (0)>
#map1 = affine_map<(d0, d1) -> (0, 0)>
#map2 = affine_map<(d0, d1) -> (0, 0, 0)>
module attributes {stable_mosaic.version = 14 : i64} {
  func.func @scatter_kernel(%arg0: i32, %arg1: i32, %arg2: memref<640000xi32, #tpu.memory_space<hbm>>, %arg3: memref<320000x128xf32, #tpu.memory_space<hbm>>, %arg4: memref<2x10000x128xf32, #tpu.memory_space<hbm>>, %arg5: memref<8x40xi32, #tpu.memory_space<vmem>>, %arg6: memref<8x40x128xf32, #tpu.memory_space<vmem>>, %arg7: memref<16xi32, #tpu.memory_space<vmem>>, %arg8: memref<40x128xf32, #tpu.memory_space<vmem>>, %arg9: memref<10000x128xf32, #tpu.memory_space<vmem_shared>>, %arg10: memref<8x!tpu.dma_semaphore, #tpu.memory_space<semaphore_mem>>, %arg11: memref<8x!tpu.dma_semaphore, #tpu.memory_space<semaphore_mem>>) attributes {dimension_semantics = [#tpu.dimension_semantics<core_parallel>, #tpu.dimension_semantics<subcore_parallel>], iteration_bounds = array<i64: 2, 16>, scalar_prefetch = 0 : i64, scratch_operands = 7 : i64, tpu.core_type = #tpu.core_type<sc_vector_subcore>, window_params = [{transform_indices = #map}, {transform_indices = #map1}, {transform_indices = #map2}]} {
    %mul3A = arith.constant 16 : i32
    %mul3A_0 = arith.muli %arg0, %mul3A : i32
    %add3A = arith.addi %mul3A_0, %arg1 : i32
    %mul3A_1 = arith.constant 10000 : i32
    %mul3A_2 = arith.muli %add3A, %mul3A_1 : i32
    %add3A_3 = arith.constant 320000 : i32
    %add3A_4 = arith.addi %add3A_3, %mul3A_2 : i32
    %add3A_5 = arith.constant 0 : i32
    %add3A_6 = arith.addi %add3A_4, %add3A_5 : i32
    %multiple_of3A = tpu.assume_multiple %add3A_6, 8 : i32
    %add3A_7 = arith.constant 0 : i32
    %add3A_8 = arith.addi %mul3A_2, %add3A_7 : i32
    %multiple_of3A_9 = tpu.assume_multiple %add3A_8, 8 : i32
    %dma_start3A = arith.constant 0 : i32
    %dma_start3A_10 = arith.constant 0 : i32
    %dma_start3A_11 = arith.constant 0 : i32
    %dma_start3A_12 = tpu.memref_slice %arg5[%dma_start3A, %dma_start3A_11] : memref<8x40xi32, #tpu.memory_space<vmem>> -> memref<1x40xi32, #tpu.memory_space<vmem>>
    %dma_start3A_13 = tpu.memref_squeeze %dma_start3A_12 : memref<1x40xi32, #tpu.memory_space<vmem>> -> memref<40xi32, #tpu.memory_space<vmem>>
    %dma_start3A_14 = tpu.memref_slice %arg2[%multiple_of3A] : memref<640000xi32, #tpu.memory_space<hbm>> -> memref<40xi32, #tpu.memory_space<hbm>>
    %dma_start3A_15 = tpu.memref_slice %arg10[%dma_start3A_10] : memref<8x!tpu.dma_semaphore, #tpu.memory_space<semaphore_mem>> -> memref<1x!tpu.dma_semaphore, #tpu.memory_space<semaphore_mem>>
    %dma_start3A_16 = tpu.memref_squeeze %dma_start3A_15 : memref<1x!tpu.dma_semaphore, #tpu.memory_space<semaphore_mem>> -> memref<!tpu.dma_semaphore, #tpu.memory_space<semaphore_mem>>
    %dma_start3A_17 = arith.constant 0 : i32
    %dma_start3A_18 = tpu.memref_slice %arg5[%dma_start3A, %dma_start3A_17] : memref<8x40xi32, #tpu.memory_space<vmem>> -> memref<1x40xi32, #tpu.memory_space<vmem>>
    %dma_start3A_19 = tpu.memref_squeeze %dma_start3A_18 : memref<1x40xi32, #tpu.memory_space<vmem>> -> memref<40xi32, #tpu.memory_space<vmem>>
    %dma_start3A_20 = tpu.memref_slice %arg2[%multiple_of3A] : memref<640000xi32, #tpu.memory_space<hbm>> -> memref<40xi32, #tpu.memory_space<hbm>>
    tpu.enqueue_dma source(%dma_start3A_20 : memref<40xi32, #tpu.memory_space<hbm>>) target(%dma_start3A_19 : memref<40xi32, #tpu.memory_space<vmem>>) target_semaphore(%dma_start3A_16 : memref<!tpu.dma_semaphore, #tpu.memory_space<semaphore_mem>>)
    %dma_start3A_21 = arith.constant 0 : i32
    %dma_start3A_22 = arith.constant 0 : i32
    %dma_start3A_23 = arith.constant 0 : i32
    %dma_start3A_24 = arith.constant 0 : i32
    %dma_start3A_25 = tpu.memref_slice %arg6[%dma_start3A_21, %dma_start3A_23, %dma_start3A_24] : memref<8x40x128xf32, #tpu.memory_space<vmem>> -> memref<1x40x128xf32, #tpu.memory_space<vmem>>
    %dma_start3A_26 = tpu.memref_squeeze %dma_start3A_25 : memref<1x40x128xf32, #tpu.memory_space<vmem>> -> memref<40x128xf32, #tpu.memory_space<vmem>>
    %dma_start3A_27 = arith.constant 0 : i32
    %dma_start3A_28 = tpu.memref_slice %arg3[%multiple_of3A_9, %dma_start3A_27] : memref<320000x128xf32, #tpu.memory_space<hbm>> -> memref<40x128xf32, #tpu.memory_space<hbm>>
    %dma_start3A_29 = tpu.memref_slice %arg10[%dma_start3A_22] : memref<8x!tpu.dma_semaphore, #tpu.memory_space<semaphore_mem>> -> memref<1x!tpu.dma_semaphore, #tpu.memory_space<semaphore_mem>>
    %dma_start3A_30 = tpu.memref_squeeze %dma_start3A_29 : memref<1x!tpu.dma_semaphore, #tpu.memory_space<semaphore_mem>> -> memref<!tpu.dma_semaphore, #tpu.memory_space<semaphore_mem>>
    %dma_start3A_31 = arith.constant 0 : i32
    %dma_start3A_32 = arith.constant 0 : i32
    %dma_start3A_33 = tpu.memref_slice %arg6[%dma_start3A_21, %dma_start3A_31, %dma_start3A_32] : memref<8x40x128xf32, #tpu.memory_space<vmem>> -> memref<1x40x128xf32, #tpu.memory_space<vmem>>
    %dma_start3A_34 = tpu.memref_squeeze %dma_start3A_33 : memref<1x40x128xf32, #tpu.memory_space<vmem>> -> memref<40x128xf32, #tpu.memory_space<vmem>>
    %dma_start3A_35 = arith.constant 0 : i32
    %dma_start3A_36 = tpu.memref_slice %arg3[%multiple_of3A_9, %dma_start3A_35] : memref<320000x128xf32, #tpu.memory_space<hbm>> -> memref<40x128xf32, #tpu.memory_space<hbm>>
    tpu.enqueue_dma source(%dma_start3A_36 : memref<40x128xf32, #tpu.memory_space<hbm>>) target(%dma_start3A_34 : memref<40x128xf32, #tpu.memory_space<vmem>>) target_semaphore(%dma_start3A_30 : memref<!tpu.dma_semaphore, #tpu.memory_space<semaphore_mem>>)
    %add3A_37 = arith.constant 40 : i32
    %add3A_38 = arith.addi %add3A_4, %add3A_37 : i32
    %multiple_of3A_39 = tpu.assume_multiple %add3A_38, 8 : i32
    %add3A_40 = arith.constant 40 : i32
    %add3A_41 = arith.addi %mul3A_2, %add3A_40 : i32
    %multiple_of3A_42 = tpu.assume_multiple %add3A_41, 8 : i32
    %dma_start3A_43 = arith.constant 1 : i32
    %dma_start3A_44 = arith.constant 1 : i32
    %dma_start3A_45 = arith.constant 0 : i32
    %dma_start3A_46 = tpu.memref_slice %arg5[%dma_start3A_43, %dma_start3A_45] : memref<8x40xi32, #tpu.memory_space<vmem>> -> memref<1x40xi32, #tpu.memory_space<vmem>>
    %dma_start3A_47 = tpu.memref_squeeze %dma_start3A_46 : memref<1x40xi32, #tpu.memory_space<vmem>> -> memref<40xi32, #tpu.memory_space<vmem>>
    %dma_start3A_48 = tpu.memref_slice %arg2[%multiple_of3A_39] : memref<640000xi32, #tpu.memory_space<hbm>> -> memref<40xi32, #tpu.memory_space<hbm>>
    %dma_start3A_49 = tpu.memref_slice %arg10[%dma_start3A_44] : memref<8x!tpu.dma_semaphore, #tpu.memory_space<semaphore_mem>> -> memref<1x!tpu.dma_semaphore, #tpu.memory_space<semaphore_mem>>
    %dma_start3A_50 = tpu.memref_squeeze %dma_start3A_49 : memref<1x!tpu.dma_semaphore, #tpu.memory_space<semaphore_mem>> -> memref<!tpu.dma_semaphore, #tpu.memory_space<semaphore_mem>>
    %dma_start3A_51 = arith.constant 0 : i32
    %dma_start3A_52 = tpu.memref_slice %arg5[%dma_start3A_43, %dma_start3A_51] : memref<8x40xi32, #tpu.memory_space<vmem>> -> memref<1x40xi32, #tpu.memory_space<vmem>>
    %dma_start3A_53 = tpu.memref_squeeze %dma_start3A_52 : memref<1x40xi32, #tpu.memory_space<vmem>> -> memref<40xi32, #tpu.memory_space<vmem>>
    %dma_start3A_54 = tpu.memref_slice %arg2[%multiple_of3A_39] : memref<640000xi32, #tpu.memory_space<hbm>> -> memref<40xi32, #tpu.memory_space<hbm>>
    tpu.enqueue_dma source(%dma_start3A_54 : memref<40xi32, #tpu.memory_space<hbm>>) target(%dma_start3A_53 : memref<40xi32, #tpu.memory_space<vmem>>) target_semaphore(%dma_start3A_50 : memref<!tpu.dma_semaphore, #tpu.memory_space<semaphore_mem>>)
    %dma_start3A_55 = arith.constant 1 : i32
    %dma_start3A_56 = arith.constant 1 : i32
    %dma_start3A_57 = arith.constant 0 : i32
    %dma_start3A_58 = arith.constant 0 : i32
    %dma_start3A_59 = tpu.memref_slice %arg6[%dma_start3A_55, %dma_start3A_57, %dma_start3A_58] : memref<8x40x128xf32, #tpu.memory_space<vmem>> -> memref<1x40x128xf32, #tpu.memory_space<vmem>>
    %dma_start3A_60 = tpu.memref_squeeze %dma_start3A_59 : memref<1x40x128xf32, #tpu.memory_space<vmem>> -> memref<40x128xf32, #tpu.memory_space<vmem>>
    %dma_start3A_61 = arith.constant 0 : i32
    %dma_start3A_62 = tpu.memref_slice %arg3[%multiple_of3A_42, %dma_start3A_61] : memref<320000x128xf32, #tpu.memory_space<hbm>> -> memref<40x128xf32, #tpu.memory_space<hbm>>
    %dma_start3A_63 = tpu.memref_slice %arg10[%dma_start3A_56] : memref<8x!tpu.dma_semaphore, #tpu.memory_space<semaphore_mem>> -> memref<1x!tpu.dma_semaphore, #tpu.memory_space<semaphore_mem>>
    %dma_start3A_64 = tpu.memref_squeeze %dma_start3A_63 : memref<1x!tpu.dma_semaphore, #tpu.memory_space<semaphore_mem>> -> memref<!tpu.dma_semaphore, #tpu.memory_space<semaphore_mem>>
    %dma_start3A_65 = arith.constant 0 : i32
    %dma_start3A_66 = arith.constant 0 : i32
    %dma_start3A_67 = tpu.memref_slice %arg6[%dma_start3A_55, %dma_start3A_65, %dma_start3A_66] : memref<8x40x128xf32, #tpu.memory_space<vmem>> -> memref<1x40x128xf32, #tpu.memory_space<vmem>>
    %dma_start3A_68 = tpu.memref_squeeze %dma_start3A_67 : memref<1x40x128xf32, #tpu.memory_space<vmem>> -> memref<40x128xf32, #tpu.memory_space<vmem>>
    %dma_start3A_69 = arith.constant 0 : i32
    %dma_start3A_70 = tpu.memref_slice %arg3[%multiple_of3A_42, %dma_start3A_69] : memref<320000x128xf32, #tpu.memory_space<hbm>> -> memref<40x128xf32, #tpu.memory_space<hbm>>
    tpu.enqueue_dma source(%dma_start3A_70 : memref<40x128xf32, #tpu.memory_space<hbm>>) target(%dma_start3A_68 : memref<40x128xf32, #tpu.memory_space<vmem>>) target_semaphore(%dma_start3A_64 : memref<!tpu.dma_semaphore, #tpu.memory_space<semaphore_mem>>)
    %add3A_71 = arith.constant 80 : i32
    %add3A_72 = arith.addi %add3A_4, %add3A_71 : i32
    %multiple_of3A_73 = tpu.assume_multiple %add3A_72, 8 : i32
    %add3A_74 = arith.constant 80 : i32
    %add3A_75 = arith.addi %mul3A_2, %add3A_74 : i32
    %multiple_of3A_76 = tpu.assume_multiple %add3A_75, 8 : i32
    %dma_start3A_77 = arith.constant 2 : i32
    %dma_start3A_78 = arith.constant 2 : i32
    %dma_start3A_79 = arith.constant 0 : i32
    %dma_start3A_80 = tpu.memref_slice %arg5[%dma_start3A_77, %dma_start3A_79] : memref<8x40xi32, #tpu.memory_space<vmem>> -> memref<1x40xi32, #tpu.memory_space<vmem>>
    %dma_start3A_81 = tpu.memref_squeeze %dma_start3A_80 : memref<1x40xi32, #tpu.memory_space<vmem>> -> memref<40xi32, #tpu.memory_space<vmem>>
    %dma_start3A_82 = tpu.memref_slice %arg2[%multiple_of3A_73] : memref<640000xi32, #tpu.memory_space<hbm>> -> memref<40xi32, #tpu.memory_space<hbm>>
    %dma_start3A_83 = tpu.memref_slice %arg10[%dma_start3A_78] : memref<8x!tpu.dma_semaphore, #tpu.memory_space<semaphore_mem>> -> memref<1x!tpu.dma_semaphore, #tpu.memory_space<semaphore_mem>>
    %dma_start3A_84 = tpu.memref_squeeze %dma_start3A_83 : memref<1x!tpu.dma_semaphore, #tpu.memory_space<semaphore_mem>> -> memref<!tpu.dma_semaphore, #tpu.memory_space<semaphore_mem>>
    %dma_start3A_85 = arith.constant 0 : i32
    %dma_start3A_86 = tpu.memref_slice %arg5[%dma_start3A_77, %dma_start3A_85] : memref<8x40xi32, #tpu.memory_space<vmem>> -> memref<1x40xi32, #tpu.memory_space<vmem>>
    %dma_start3A_87 = tpu.memref_squeeze %dma_start3A_86 : memref<1x40xi32, #tpu.memory_space<vmem>> -> memref<40xi32, #tpu.memory_space<vmem>>
    %dma_start3A_88 = tpu.memref_slice %arg2[%multiple_of3A_73] : memref<640000xi32, #tpu.memory_space<hbm>> -> memref<40xi32, #tpu.memory_space<hbm>>
    tpu.enqueue_dma source(%dma_start3A_88 : memref<40xi32, #tpu.memory_space<hbm>>) target(%dma_start3A_87 : memref<40xi32, #tpu.memory_space<vmem>>) target_semaphore(%dma_start3A_84 : memref<!tpu.dma_semaphore, #tpu.memory_space<semaphore_mem>>)
    %dma_start3A_89 = arith.constant 2 : i32
    %dma_start3A_90 = arith.constant 2 : i32
    %dma_start3A_91 = arith.constant 0 : i32
    %dma_start3A_92 = arith.constant 0 : i32
    %dma_start3A_93 = tpu.memref_slice %arg6[%dma_start3A_89, %dma_start3A_91, %dma_start3A_92] : memref<8x40x128xf32, #tpu.memory_space<vmem>> -> memref<1x40x128xf32, #tpu.memory_space<vmem>>
    %dma_start3A_94 = tpu.memref_squeeze %dma_start3A_93 : memref<1x40x128xf32, #tpu.memory_space<vmem>> -> memref<40x128xf32, #tpu.memory_space<vmem>>
    %dma_start3A_95 = arith.constant 0 : i32
    %dma_start3A_96 = tpu.memref_slice %arg3[%multiple_of3A_76, %dma_start3A_95] : memref<320000x128xf32, #tpu.memory_space<hbm>> -> memref<40x128xf32, #tpu.memory_space<hbm>>
    %dma_start3A_97 = tpu.memref_slice %arg10[%dma_start3A_90] : memref<8x!tpu.dma_semaphore, #tpu.memory_space<semaphore_mem>> -> memref<1x!tpu.dma_semaphore, #tpu.memory_space<semaphore_mem>>
    %dma_start3A_98 = tpu.memref_squeeze %dma_start3A_97 : memref<1x!tpu.dma_semaphore, #tpu.memory_space<semaphore_mem>> -> memref<!tpu.dma_semaphore, #tpu.memory_space<semaphore_mem>>
    %dma_start3A_99 = arith.constant 0 : i32
    %dma_start3A_100 = arith.constant 0 : i32
    %dma_start3A_101 = tpu.memref_slice %arg6[%dma_start3A_89, %dma_start3A_99, %dma_start3A_100] : memref<8x40x128xf32, #tpu.memory_space<vmem>> -> memref<1x40x128xf32, #tpu.memory_space<vmem>>
    %dma_start3A_102 = tpu.memref_squeeze %dma_start3A_101 : memref<1x40x128xf32, #tpu.memory_space<vmem>> -> memref<40x128xf32, #tpu.memory_space<vmem>>
    %dma_start3A_103 = arith.constant 0 : i32
    %dma_start3A_104 = tpu.memref_slice %arg3[%multiple_of3A_76, %dma_start3A_103] : memref<320000x128xf32, #tpu.memory_space<hbm>> -> memref<40x128xf32, #tpu.memory_space<hbm>>
    tpu.enqueue_dma source(%dma_start3A_104 : memref<40x128xf32, #tpu.memory_space<hbm>>) target(%dma_start3A_102 : memref<40x128xf32, #tpu.memory_space<vmem>>) target_semaphore(%dma_start3A_98 : memref<!tpu.dma_semaphore, #tpu.memory_space<semaphore_mem>>)
    %add3A_105 = arith.constant 120 : i32
    %add3A_106 = arith.addi %add3A_4, %add3A_105 : i32
    %multiple_of3A_107 = tpu.assume_multiple %add3A_106, 8 : i32
    %add3A_108 = arith.constant 120 : i32
    %add3A_109 = arith.addi %mul3A_2, %add3A_108 : i32
    %multiple_of3A_110 = tpu.assume_multiple %add3A_109, 8 : i32
    %dma_start3A_111 = arith.constant 3 : i32
    %dma_start3A_112 = arith.constant 3 : i32
    %dma_start3A_113 = arith.constant 0 : i32
    %dma_start3A_114 = tpu.memref_slice %arg5[%dma_start3A_111, %dma_start3A_113] : memref<8x40xi32, #tpu.memory_space<vmem>> -> memref<1x40xi32, #tpu.memory_space<vmem>>
    %dma_start3A_115 = tpu.memref_squeeze %dma_start3A_114 : memref<1x40xi32, #tpu.memory_space<vmem>> -> memref<40xi32, #tpu.memory_space<vmem>>
    %dma_start3A_116 = tpu.memref_slice %arg2[%multiple_of3A_107] : memref<640000xi32, #tpu.memory_space<hbm>> -> memref<40xi32, #tpu.memory_space<hbm>>
    %dma_start3A_117 = tpu.memref_slice %arg10[%dma_start3A_112] : memref<8x!tpu.dma_semaphore, #tpu.memory_space<semaphore_mem>> -> memref<1x!tpu.dma_semaphore, #tpu.memory_space<semaphore_mem>>
    %dma_start3A_118 = tpu.memref_squeeze %dma_start3A_117 : memref<1x!tpu.dma_semaphore, #tpu.memory_space<semaphore_mem>> -> memref<!tpu.dma_semaphore, #tpu.memory_space<semaphore_mem>>
    %dma_start3A_119 = arith.constant 0 : i32
    %dma_start3A_120 = tpu.memref_slice %arg5[%dma_start3A_111, %dma_start3A_119] : memref<8x40xi32, #tpu.memory_space<vmem>> -> memref<1x40xi32, #tpu.memory_space<vmem>>
    %dma_start3A_121 = tpu.memref_squeeze %dma_start3A_120 : memref<1x40xi32, #tpu.memory_space<vmem>> -> memref<40xi32, #tpu.memory_space<vmem>>
    %dma_start3A_122 = tpu.memref_slice %arg2[%multiple_of3A_107] : memref<640000xi32, #tpu.memory_space<hbm>> -> memref<40xi32, #tpu.memory_space<hbm>>
    tpu.enqueue_dma source(%dma_start3A_122 : memref<40xi32, #tpu.memory_space<hbm>>) target(%dma_start3A_121 : memref<40xi32, #tpu.memory_space<vmem>>) target_semaphore(%dma_start3A_118 : memref<!tpu.dma_semaphore, #tpu.memory_space<semaphore_mem>>)
    %dma_start3A_123 = arith.constant 3 : i32
    %dma_start3A_124 = arith.constant 3 : i32
    %dma_start3A_125 = arith.constant 0 : i32
    %dma_start3A_126 = arith.constant 0 : i32
    %dma_start3A_127 = tpu.memref_slice %arg6[%dma_start3A_123, %dma_start3A_125, %dma_start3A_126] : memref<8x40x128xf32, #tpu.memory_space<vmem>> -> memref<1x40x128xf32, #tpu.memory_space<vmem>>
    %dma_start3A_128 = tpu.memref_squeeze %dma_start3A_127 : memref<1x40x128xf32, #tpu.memory_space<vmem>> -> memref<40x128xf32, #tpu.memory_space<vmem>>
    %dma_start3A_129 = arith.constant 0 : i32
    %dma_start3A_130 = tpu.memref_slice %arg3[%multiple_of3A_110, %dma_start3A_129] : memref<320000x128xf32, #tpu.memory_space<hbm>> -> memref<40x128xf32, #tpu.memory_space<hbm>>
    %dma_start3A_131 = tpu.memref_slice %arg10[%dma_start3A_124] : memref<8x!tpu.dma_semaphore, #tpu.memory_space<semaphore_mem>> -> memref<1x!tpu.dma_semaphore, #tpu.memory_space<semaphore_mem>>
    %dma_start3A_132 = tpu.memref_squeeze %dma_start3A_131 : memref<1x!tpu.dma_semaphore, #tpu.memory_space<semaphore_mem>> -> memref<!tpu.dma_semaphore, #tpu.memory_space<semaphore_mem>>
    %dma_start3A_133 = arith.constant 0 : i32
    %dma_start3A_134 = arith.constant 0 : i32
    %dma_start3A_135 = tpu.memref_slice %arg6[%dma_start3A_123, %dma_start3A_133, %dma_start3A_134] : memref<8x40x128xf32, #tpu.memory_space<vmem>> -> memref<1x40x128xf32, #tpu.memory_space<vmem>>
    %dma_start3A_136 = tpu.memref_squeeze %dma_start3A_135 : memref<1x40x128xf32, #tpu.memory_space<vmem>> -> memref<40x128xf32, #tpu.memory_space<vmem>>
    %dma_start3A_137 = arith.constant 0 : i32
    %dma_start3A_138 = tpu.memref_slice %arg3[%multiple_of3A_110, %dma_start3A_137] : memref<320000x128xf32, #tpu.memory_space<hbm>> -> memref<40x128xf32, #tpu.memory_space<hbm>>
    tpu.enqueue_dma source(%dma_start3A_138 : memref<40x128xf32, #tpu.memory_space<hbm>>) target(%dma_start3A_136 : memref<40x128xf32, #tpu.memory_space<vmem>>) target_semaphore(%dma_start3A_132 : memref<!tpu.dma_semaphore, #tpu.memory_space<semaphore_mem>>)
    %add3A_139 = arith.constant 160 : i32
    %add3A_140 = arith.addi %add3A_4, %add3A_139 : i32
    %multiple_of3A_141 = tpu.assume_multiple %add3A_140, 8 : i32
    %add3A_142 = arith.constant 160 : i32
    %add3A_143 = arith.addi %mul3A_2, %add3A_142 : i32
    %multiple_of3A_144 = tpu.assume_multiple %add3A_143, 8 : i32
    %dma_start3A_145 = arith.constant 4 : i32
    %dma_start3A_146 = arith.constant 4 : i32
    %dma_start3A_147 = arith.constant 0 : i32
    %dma_start3A_148 = tpu.memref_slice %arg5[%dma_start3A_145, %dma_start3A_147] : memref<8x40xi32, #tpu.memory_space<vmem>> -> memref<1x40xi32, #tpu.memory_space<vmem>>
    %dma_start3A_149 = tpu.memref_squeeze %dma_start3A_148 : memref<1x40xi32, #tpu.memory_space<vmem>> -> memref<40xi32, #tpu.memory_space<vmem>>
    %dma_start3A_150 = tpu.memref_slice %arg2[%multiple_of3A_141] : memref<640000xi32, #tpu.memory_space<hbm>> -> memref<40xi32, #tpu.memory_space<hbm>>
    %dma_start3A_151 = tpu.memref_slice %arg10[%dma_start3A_146] : memref<8x!tpu.dma_semaphore, #tpu.memory_space<semaphore_mem>> -> memref<1x!tpu.dma_semaphore, #tpu.memory_space<semaphore_mem>>
    %dma_start3A_152 = tpu.memref_squeeze %dma_start3A_151 : memref<1x!tpu.dma_semaphore, #tpu.memory_space<semaphore_mem>> -> memref<!tpu.dma_semaphore, #tpu.memory_space<semaphore_mem>>
    %dma_start3A_153 = arith.constant 0 : i32
    %dma_start3A_154 = tpu.memref_slice %arg5[%dma_start3A_145, %dma_start3A_153] : memref<8x40xi32, #tpu.memory_space<vmem>> -> memref<1x40xi32, #tpu.memory_space<vmem>>
    %dma_start3A_155 = tpu.memref_squeeze %dma_start3A_154 : memref<1x40xi32, #tpu.memory_space<vmem>> -> memref<40xi32, #tpu.memory_space<vmem>>
    %dma_start3A_156 = tpu.memref_slice %arg2[%multiple_of3A_141] : memref<640000xi32, #tpu.memory_space<hbm>> -> memref<40xi32, #tpu.memory_space<hbm>>
    tpu.enqueue_dma source(%dma_start3A_156 : memref<40xi32, #tpu.memory_space<hbm>>) target(%dma_start3A_155 : memref<40xi32, #tpu.memory_space<vmem>>) target_semaphore(%dma_start3A_152 : memref<!tpu.dma_semaphore, #tpu.memory_space<semaphore_mem>>)
    %dma_start3A_157 = arith.constant 4 : i32
    %dma_start3A_158 = arith.constant 4 : i32
    %dma_start3A_159 = arith.constant 0 : i32
    %dma_start3A_160 = arith.constant 0 : i32
    %dma_start3A_161 = tpu.memref_slice %arg6[%dma_start3A_157, %dma_start3A_159, %dma_start3A_160] : memref<8x40x128xf32, #tpu.memory_space<vmem>> -> memref<1x40x128xf32, #tpu.memory_space<vmem>>
    %dma_start3A_162 = tpu.memref_squeeze %dma_start3A_161 : memref<1x40x128xf32, #tpu.memory_space<vmem>> -> memref<40x128xf32, #tpu.memory_space<vmem>>
    %dma_start3A_163 = arith.constant 0 : i32
    %dma_start3A_164 = tpu.memref_slice %arg3[%multiple_of3A_144, %dma_start3A_163] : memref<320000x128xf32, #tpu.memory_space<hbm>> -> memref<40x128xf32, #tpu.memory_space<hbm>>
    %dma_start3A_165 = tpu.memref_slice %arg10[%dma_start3A_158] : memref<8x!tpu.dma_semaphore, #tpu.memory_space<semaphore_mem>> -> memref<1x!tpu.dma_semaphore, #tpu.memory_space<semaphore_mem>>
    %dma_start3A_166 = tpu.memref_squeeze %dma_start3A_165 : memref<1x!tpu.dma_semaphore, #tpu.memory_space<semaphore_mem>> -> memref<!tpu.dma_semaphore, #tpu.memory_space<semaphore_mem>>
    %dma_start3A_167 = arith.constant 0 : i32
    %dma_start3A_168 = arith.constant 0 : i32
    %dma_start3A_169 = tpu.memref_slice %arg6[%dma_start3A_157, %dma_start3A_167, %dma_start3A_168] : memref<8x40x128xf32, #tpu.memory_space<vmem>> -> memref<1x40x128xf32, #tpu.memory_space<vmem>>
    %dma_start3A_170 = tpu.memref_squeeze %dma_start3A_169 : memref<1x40x128xf32, #tpu.memory_space<vmem>> -> memref<40x128xf32, #tpu.memory_space<vmem>>
    %dma_start3A_171 = arith.constant 0 : i32
    %dma_start3A_172 = tpu.memref_slice %arg3[%multiple_of3A_144, %dma_start3A_171] : memref<320000x128xf32, #tpu.memory_space<hbm>> -> memref<40x128xf32, #tpu.memory_space<hbm>>
    tpu.enqueue_dma source(%dma_start3A_172 : memref<40x128xf32, #tpu.memory_space<hbm>>) target(%dma_start3A_170 : memref<40x128xf32, #tpu.memory_space<vmem>>) target_semaphore(%dma_start3A_166 : memref<!tpu.dma_semaphore, #tpu.memory_space<semaphore_mem>>)
    %add3A_173 = arith.constant 200 : i32
    %add3A_174 = arith.addi %add3A_4, %add3A_173 : i32
    %multiple_of3A_175 = tpu.assume_multiple %add3A_174, 8 : i32
    %add3A_176 = arith.constant 200 : i32
    %add3A_177 = arith.addi %mul3A_2, %add3A_176 : i32
    %multiple_of3A_178 = tpu.assume_multiple %add3A_177, 8 : i32
    %dma_start3A_179 = arith.constant 5 : i32
    %dma_start3A_180 = arith.constant 5 : i32
    %dma_start3A_181 = arith.constant 0 : i32
    %dma_start3A_182 = tpu.memref_slice %arg5[%dma_start3A_179, %dma_start3A_181] : memref<8x40xi32, #tpu.memory_space<vmem>> -> memref<1x40xi32, #tpu.memory_space<vmem>>
    %dma_start3A_183 = tpu.memref_squeeze %dma_start3A_182 : memref<1x40xi32, #tpu.memory_space<vmem>> -> memref<40xi32, #tpu.memory_space<vmem>>
    %dma_start3A_184 = tpu.memref_slice %arg2[%multiple_of3A_175] : memref<640000xi32, #tpu.memory_space<hbm>> -> memref<40xi32, #tpu.memory_space<hbm>>
    %dma_start3A_185 = tpu.memref_slice %arg10[%dma_start3A_180] : memref<8x!tpu.dma_semaphore, #tpu.memory_space<semaphore_mem>> -> memref<1x!tpu.dma_semaphore, #tpu.memory_space<semaphore_mem>>
    %dma_start3A_186 = tpu.memref_squeeze %dma_start3A_185 : memref<1x!tpu.dma_semaphore, #tpu.memory_space<semaphore_mem>> -> memref<!tpu.dma_semaphore, #tpu.memory_space<semaphore_mem>>
    %dma_start3A_187 = arith.constant 0 : i32
    %dma_start3A_188 = tpu.memref_slice %arg5[%dma_start3A_179, %dma_start3A_187] : memref<8x40xi32, #tpu.memory_space<vmem>> -> memref<1x40xi32, #tpu.memory_space<vmem>>
    %dma_start3A_189 = tpu.memref_squeeze %dma_start3A_188 : memref<1x40xi32, #tpu.memory_space<vmem>> -> memref<40xi32, #tpu.memory_space<vmem>>
    %dma_start3A_190 = tpu.memref_slice %arg2[%multiple_of3A_175] : memref<640000xi32, #tpu.memory_space<hbm>> -> memref<40xi32, #tpu.memory_space<hbm>>
    tpu.enqueue_dma source(%dma_start3A_190 : memref<40xi32, #tpu.memory_space<hbm>>) target(%dma_start3A_189 : memref<40xi32, #tpu.memory_space<vmem>>) target_semaphore(%dma_start3A_186 : memref<!tpu.dma_semaphore, #tpu.memory_space<semaphore_mem>>)
    %dma_start3A_191 = arith.constant 5 : i32
    %dma_start3A_192 = arith.constant 5 : i32
    %dma_start3A_193 = arith.constant 0 : i32
    %dma_start3A_194 = arith.constant 0 : i32
    %dma_start3A_195 = tpu.memref_slice %arg6[%dma_start3A_191, %dma_start3A_193, %dma_start3A_194] : memref<8x40x128xf32, #tpu.memory_space<vmem>> -> memref<1x40x128xf32, #tpu.memory_space<vmem>>
    %dma_start3A_196 = tpu.memref_squeeze %dma_start3A_195 : memref<1x40x128xf32, #tpu.memory_space<vmem>> -> memref<40x128xf32, #tpu.memory_space<vmem>>
    %dma_start3A_197 = arith.constant 0 : i32
    %dma_start3A_198 = tpu.memref_slice %arg3[%multiple_of3A_178, %dma_start3A_197] : memref<320000x128xf32, #tpu.memory_space<hbm>> -> memref<40x128xf32, #tpu.memory_space<hbm>>
    %dma_start3A_199 = tpu.memref_slice %arg10[%dma_start3A_192] : memref<8x!tpu.dma_semaphore, #tpu.memory_space<semaphore_mem>> -> memref<1x!tpu.dma_semaphore, #tpu.memory_space<semaphore_mem>>
    %dma_start3A_200 = tpu.memref_squeeze %dma_start3A_199 : memref<1x!tpu.dma_semaphore, #tpu.memory_space<semaphore_mem>> -> memref<!tpu.dma_semaphore, #tpu.memory_space<semaphore_mem>>
    %dma_start3A_201 = arith.constant 0 : i32
    %dma_start3A_202 = arith.constant 0 : i32
    %dma_start3A_203 = tpu.memref_slice %arg6[%dma_start3A_191, %dma_start3A_201, %dma_start3A_202] : memref<8x40x128xf32, #tpu.memory_space<vmem>> -> memref<1x40x128xf32, #tpu.memory_space<vmem>>
    %dma_start3A_204 = tpu.memref_squeeze %dma_start3A_203 : memref<1x40x128xf32, #tpu.memory_space<vmem>> -> memref<40x128xf32, #tpu.memory_space<vmem>>
    %dma_start3A_205 = arith.constant 0 : i32
    %dma_start3A_206 = tpu.memref_slice %arg3[%multiple_of3A_178, %dma_start3A_205] : memref<320000x128xf32, #tpu.memory_space<hbm>> -> memref<40x128xf32, #tpu.memory_space<hbm>>
    tpu.enqueue_dma source(%dma_start3A_206 : memref<40x128xf32, #tpu.memory_space<hbm>>) target(%dma_start3A_204 : memref<40x128xf32, #tpu.memory_space<vmem>>) target_semaphore(%dma_start3A_200 : memref<!tpu.dma_semaphore, #tpu.memory_space<semaphore_mem>>)
    %add3A_207 = arith.constant 240 : i32
    %add3A_208 = arith.addi %add3A_4, %add3A_207 : i32
    %multiple_of3A_209 = tpu.assume_multiple %add3A_208, 8 : i32
    %add3A_210 = arith.constant 240 : i32
    %add3A_211 = arith.addi %mul3A_2, %add3A_210 : i32
    %multiple_of3A_212 = tpu.assume_multiple %add3A_211, 8 : i32
    %dma_start3A_213 = arith.constant 6 : i32
    %dma_start3A_214 = arith.constant 6 : i32
    %dma_start3A_215 = arith.constant 0 : i32
    %dma_start3A_216 = tpu.memref_slice %arg5[%dma_start3A_213, %dma_start3A_215] : memref<8x40xi32, #tpu.memory_space<vmem>> -> memref<1x40xi32, #tpu.memory_space<vmem>>
    %dma_start3A_217 = tpu.memref_squeeze %dma_start3A_216 : memref<1x40xi32, #tpu.memory_space<vmem>> -> memref<40xi32, #tpu.memory_space<vmem>>
    %dma_start3A_218 = tpu.memref_slice %arg2[%multiple_of3A_209] : memref<640000xi32, #tpu.memory_space<hbm>> -> memref<40xi32, #tpu.memory_space<hbm>>
    %dma_start3A_219 = tpu.memref_slice %arg10[%dma_start3A_214] : memref<8x!tpu.dma_semaphore, #tpu.memory_space<semaphore_mem>> -> memref<1x!tpu.dma_semaphore, #tpu.memory_space<semaphore_mem>>
    %dma_start3A_220 = tpu.memref_squeeze %dma_start3A_219 : memref<1x!tpu.dma_semaphore, #tpu.memory_space<semaphore_mem>> -> memref<!tpu.dma_semaphore, #tpu.memory_space<semaphore_mem>>
    %dma_start3A_221 = arith.constant 0 : i32
    %dma_start3A_222 = tpu.memref_slice %arg5[%dma_start3A_213, %dma_start3A_221] : memref<8x40xi32, #tpu.memory_space<vmem>> -> memref<1x40xi32, #tpu.memory_space<vmem>>
    %dma_start3A_223 = tpu.memref_squeeze %dma_start3A_222 : memref<1x40xi32, #tpu.memory_space<vmem>> -> memref<40xi32, #tpu.memory_space<vmem>>
    %dma_start3A_224 = tpu.memref_slice %arg2[%multiple_of3A_209] : memref<640000xi32, #tpu.memory_space<hbm>> -> memref<40xi32, #tpu.memory_space<hbm>>
    tpu.enqueue_dma source(%dma_start3A_224 : memref<40xi32, #tpu.memory_space<hbm>>) target(%dma_start3A_223 : memref<40xi32, #tpu.memory_space<vmem>>) target_semaphore(%dma_start3A_220 : memref<!tpu.dma_semaphore, #tpu.memory_space<semaphore_mem>>)
    %dma_start3A_225 = arith.constant 6 : i32
    %dma_start3A_226 = arith.constant 6 : i32
    %dma_start3A_227 = arith.constant 0 : i32
    %dma_start3A_228 = arith.constant 0 : i32
    %dma_start3A_229 = tpu.memref_slice %arg6[%dma_start3A_225, %dma_start3A_227, %dma_start3A_228] : memref<8x40x128xf32, #tpu.memory_space<vmem>> -> memref<1x40x128xf32, #tpu.memory_space<vmem>>
    %dma_start3A_230 = tpu.memref_squeeze %dma_start3A_229 : memref<1x40x128xf32, #tpu.memory_space<vmem>> -> memref<40x128xf32, #tpu.memory_space<vmem>>
    %dma_start3A_231 = arith.constant 0 : i32
    %dma_start3A_232 = tpu.memref_slice %arg3[%multiple_of3A_212, %dma_start3A_231] : memref<320000x128xf32, #tpu.memory_space<hbm>> -> memref<40x128xf32, #tpu.memory_space<hbm>>
    %dma_start3A_233 = tpu.memref_slice %arg10[%dma_start3A_226] : memref<8x!tpu.dma_semaphore, #tpu.memory_space<semaphore_mem>> -> memref<1x!tpu.dma_semaphore, #tpu.memory_space<semaphore_mem>>
    %dma_start3A_234 = tpu.memref_squeeze %dma_start3A_233 : memref<1x!tpu.dma_semaphore, #tpu.memory_space<semaphore_mem>> -> memref<!tpu.dma_semaphore, #tpu.memory_space<semaphore_mem>>
    %dma_start3A_235 = arith.constant 0 : i32
    %dma_start3A_236 = arith.constant 0 : i32
    %dma_start3A_237 = tpu.memref_slice %arg6[%dma_start3A_225, %dma_start3A_235, %dma_start3A_236] : memref<8x40x128xf32, #tpu.memory_space<vmem>> -> memref<1x40x128xf32, #tpu.memory_space<vmem>>
    %dma_start3A_238 = tpu.memref_squeeze %dma_start3A_237 : memref<1x40x128xf32, #tpu.memory_space<vmem>> -> memref<40x128xf32, #tpu.memory_space<vmem>>
    %dma_start3A_239 = arith.constant 0 : i32
    %dma_start3A_240 = tpu.memref_slice %arg3[%multiple_of3A_212, %dma_start3A_239] : memref<320000x128xf32, #tpu.memory_space<hbm>> -> memref<40x128xf32, #tpu.memory_space<hbm>>
    tpu.enqueue_dma source(%dma_start3A_240 : memref<40x128xf32, #tpu.memory_space<hbm>>) target(%dma_start3A_238 : memref<40x128xf32, #tpu.memory_space<vmem>>) target_semaphore(%dma_start3A_234 : memref<!tpu.dma_semaphore, #tpu.memory_space<semaphore_mem>>)
    %add3A_241 = arith.constant 280 : i32
    %add3A_242 = arith.addi %add3A_4, %add3A_241 : i32
    %multiple_of3A_243 = tpu.assume_multiple %add3A_242, 8 : i32
    %add3A_244 = arith.constant 280 : i32
    %add3A_245 = arith.addi %mul3A_2, %add3A_244 : i32
    %multiple_of3A_246 = tpu.assume_multiple %add3A_245, 8 : i32
    %dma_start3A_247 = arith.constant 7 : i32
    %dma_start3A_248 = arith.constant 7 : i32
    %dma_start3A_249 = arith.constant 0 : i32
    %dma_start3A_250 = tpu.memref_slice %arg5[%dma_start3A_247, %dma_start3A_249] : memref<8x40xi32, #tpu.memory_space<vmem>> -> memref<1x40xi32, #tpu.memory_space<vmem>>
    %dma_start3A_251 = tpu.memref_squeeze %dma_start3A_250 : memref<1x40xi32, #tpu.memory_space<vmem>> -> memref<40xi32, #tpu.memory_space<vmem>>
    %dma_start3A_252 = tpu.memref_slice %arg2[%multiple_of3A_243] : memref<640000xi32, #tpu.memory_space<hbm>> -> memref<40xi32, #tpu.memory_space<hbm>>
    %dma_start3A_253 = tpu.memref_slice %arg10[%dma_start3A_248] : memref<8x!tpu.dma_semaphore, #tpu.memory_space<semaphore_mem>> -> memref<1x!tpu.dma_semaphore, #tpu.memory_space<semaphore_mem>>
    %dma_start3A_254 = tpu.memref_squeeze %dma_start3A_253 : memref<1x!tpu.dma_semaphore, #tpu.memory_space<semaphore_mem>> -> memref<!tpu.dma_semaphore, #tpu.memory_space<semaphore_mem>>
    %dma_start3A_255 = arith.constant 0 : i32
    %dma_start3A_256 = tpu.memref_slice %arg5[%dma_start3A_247, %dma_start3A_255] : memref<8x40xi32, #tpu.memory_space<vmem>> -> memref<1x40xi32, #tpu.memory_space<vmem>>
    %dma_start3A_257 = tpu.memref_squeeze %dma_start3A_256 : memref<1x40xi32, #tpu.memory_space<vmem>> -> memref<40xi32, #tpu.memory_space<vmem>>
    %dma_start3A_258 = tpu.memref_slice %arg2[%multiple_of3A_243] : memref<640000xi32, #tpu.memory_space<hbm>> -> memref<40xi32, #tpu.memory_space<hbm>>
    tpu.enqueue_dma source(%dma_start3A_258 : memref<40xi32, #tpu.memory_space<hbm>>) target(%dma_start3A_257 : memref<40xi32, #tpu.memory_space<vmem>>) target_semaphore(%dma_start3A_254 : memref<!tpu.dma_semaphore, #tpu.memory_space<semaphore_mem>>)
    %dma_start3A_259 = arith.constant 7 : i32
    %dma_start3A_260 = arith.constant 7 : i32
    %dma_start3A_261 = arith.constant 0 : i32
    %dma_start3A_262 = arith.constant 0 : i32
    %dma_start3A_263 = tpu.memref_slice %arg6[%dma_start3A_259, %dma_start3A_261, %dma_start3A_262] : memref<8x40x128xf32, #tpu.memory_space<vmem>> -> memref<1x40x128xf32, #tpu.memory_space<vmem>>
    %dma_start3A_264 = tpu.memref_squeeze %dma_start3A_263 : memref<1x40x128xf32, #tpu.memory_space<vmem>> -> memref<40x128xf32, #tpu.memory_space<vmem>>
    %dma_start3A_265 = arith.constant 0 : i32
    %dma_start3A_266 = tpu.memref_slice %arg3[%multiple_of3A_246, %dma_start3A_265] : memref<320000x128xf32, #tpu.memory_space<hbm>> -> memref<40x128xf32, #tpu.memory_space<hbm>>
    %dma_start3A_267 = tpu.memref_slice %arg10[%dma_start3A_260] : memref<8x!tpu.dma_semaphore, #tpu.memory_space<semaphore_mem>> -> memref<1x!tpu.dma_semaphore, #tpu.memory_space<semaphore_mem>>
    %dma_start3A_268 = tpu.memref_squeeze %dma_start3A_267 : memref<1x!tpu.dma_semaphore, #tpu.memory_space<semaphore_mem>> -> memref<!tpu.dma_semaphore, #tpu.memory_space<semaphore_mem>>
    %dma_start3A_269 = arith.constant 0 : i32
    %dma_start3A_270 = arith.constant 0 : i32
    %dma_start3A_271 = tpu.memref_slice %arg6[%dma_start3A_259, %dma_start3A_269, %dma_start3A_270] : memref<8x40x128xf32, #tpu.memory_space<vmem>> -> memref<1x40x128xf32, #tpu.memory_space<vmem>>
    %dma_start3A_272 = tpu.memref_squeeze %dma_start3A_271 : memref<1x40x128xf32, #tpu.memory_space<vmem>> -> memref<40x128xf32, #tpu.memory_space<vmem>>
    %dma_start3A_273 = arith.constant 0 : i32
    %dma_start3A_274 = tpu.memref_slice %arg3[%multiple_of3A_246, %dma_start3A_273] : memref<320000x128xf32, #tpu.memory_space<hbm>> -> memref<40x128xf32, #tpu.memory_space<hbm>>
    tpu.enqueue_dma source(%dma_start3A_274 : memref<40x128xf32, #tpu.memory_space<hbm>>) target(%dma_start3A_272 : memref<40x128xf32, #tpu.memory_space<vmem>>) target_semaphore(%dma_start3A_268 : memref<!tpu.dma_semaphore, #tpu.memory_space<semaphore_mem>>)
    %broadcast_in_dim3A = arith.constant 0.000000e+00 : f32
    %broadcast_in_dim3A_275 = vector.broadcast %broadcast_in_dim3A : f32 to vector<16xf32>
    %scan3A = arith.constant 0 : i32
    %scan3A_276 = arith.constant 0 : i32
    %scan3A_277 = arith.constant 40 : i32
    %scan3A_278 = arith.addi %scan3A_276, %scan3A_277 : i32
    %scan3A_279 = arith.constant 1 : i32
    scf.for %scan3A_349 = %scan3A_276 to %scan3A_278 step %scan3A_279  : i32 {
      %scan3A_350 = arith.constant 0 : i32
      %scan3A_351 = arith.constant 8 : i32
      %scan3A_352 = arith.addi %scan3A_350, %scan3A_351 : i32
      %scan3A_353 = arith.constant 1 : i32
      scf.for %scan3A_355 = %scan3A_350 to %scan3A_352 step %scan3A_353  : i32 {
        %mul3A_356 = arith.constant 16 : i32
        %mul3A_357 = arith.muli %scan3A_355, %mul3A_356 : i32
        %swap3A = arith.index_cast %scan3A_349 : i32 to index
        %swap3A_358 = arith.index_cast %mul3A_357 : i32 to index
        %swap3A_359 = tpu.vector_load %arg8[%swap3A, %swap3A_358] {strides = array<i32>} : memref<40x128xf32, #tpu.memory_space<vmem>>, vector<1x16xf32>,
        %swap3A_360 = vector.shape_cast %swap3A_359 : vector<1x16xf32> to vector<16xf32>
        %swap3A_361 = vector.shape_cast %broadcast_in_dim3A_275 : vector<16xf32> to vector<1x16xf32>
        tpu.vector_store %arg8[%swap3A, %swap3A_358], %swap3A_361 {strides = array<i32>} : memref<40x128xf32, #tpu.memory_space<vmem>>, vector<1x16xf32>,
      }
      %scan3A_354 = arith.constant 8 : i32
    }
    %scan3A_280 = arith.constant 40 : i32
    %sub3A = arith.constant 250 : i32
    %sub3A_281 = arith.subi %sub3A, %arg1 : i32
    %add3A_282 = arith.constant 16 : i32
    %add3A_283 = arith.addi %sub3A_281, %add3A_282 : i32
    %sub3A_284 = arith.constant 1 : i32
    %sub3A_285 = arith.subi %add3A_283, %sub3A_284 : i32
    %jit3A = arith.constant 16 : i32
    %div3A = arith.divsi %sub3A_285, %jit3A : i32
    %sign3A = arith.constant 0 : i32
    %sign3A_286 = arith.cmpi sgt, %sub3A_285, %sign3A : i32
    %sign3A_287 = arith.extui %sign3A_286 : i1 to i32
    %sign3A_288 = arith.constant 0 : i32
    %sign3A_289 = arith.cmpi slt, %sub3A_285, %sign3A_288 : i32
    %sign3A_290 = arith.extui %sign3A_289 : i1 to i32
    %sign3A_291 = arith.subi %sign3A_287, %sign3A_290 : i32
    %sign3A_292 = arith.constant 0 : i32
    %sign3A_293 = arith.cmpi sgt, %jit3A, %sign3A_292 : i32
    %sign3A_294 = arith.extui %sign3A_293 : i1 to i32
    %sign3A_295 = arith.constant 0 : i32
    %sign3A_296 = arith.cmpi slt, %jit3A, %sign3A_295 : i32
    %sign3A_297 = arith.extui %sign3A_296 : i1 to i32
    %sign3A_298 = arith.subi %sign3A_294, %sign3A_297 : i32
    %ne3A = arith.cmpi ne, %sign3A_291, %sign3A_298 : i32
    %rem3A = arith.remsi %sub3A_285, %jit3A : i32
    %ne3A_299 = arith.constant 0 : i32
    %ne3A_300 = arith.cmpi ne, %rem3A, %ne3A_299 : i32
    %and3A = arith.andi %ne3A, %ne3A_300 : i1
    %sub3A_301 = arith.constant 1 : i32
    %sub3A_302 = arith.subi %div3A, %sub3A_301 : i32
    %select_n3A = arith.select %and3A, %sub3A_302, %div3A : i32
    %while3A = arith.constant 0 : i32
    %while3A_303 = arith.constant 0 : i32
    %while3A_304 = arith.subi %select_n3A, %while3A_303 : i32
    %while3A_305 = arith.addi %while3A_303, %while3A_304 : i32
    %while3A_306 = arith.constant 1 : i32
    %while3A_307 = arith.divsi %while3A_304, %while3A_306 : i32
    %while3A_308 = arith.muli %while3A_307, %while3A_306 : i32
    %while3A_309 = arith.addi %while3A_303, %while3A_308 : i32
    %while3A_310 = arith.constant 1 : i32
    scf.for %while3A_349 = %while3A_303 to %while3A_309 step %while3A_310  : i32 {
      %mul3A_350 = arith.constant 16 : i32
      %mul3A_351 = arith.muli %while3A_349, %mul3A_350 : i32
      %add3A_352 = arith.addi %arg1, %mul3A_351 : i32
      %mul3A_353 = arith.constant 40 : i32
      %mul3A_354 = arith.muli %add3A_352, %mul3A_353 : i32
      %multiple_of3A_355 = tpu.assume_multiple %mul3A_354, 8 : i32
      %dma_start3A_356 = arith.constant 0 : i32
      %dma_start3A_357 = arith.constant 0 : i32
      %dma_start3A_358 = tpu.memref_slice %arg9[%multiple_of3A_355, %dma_start3A_357] : memref<10000x128xf32, #tpu.memory_space<vmem_shared>> -> memref<40x128xf32, #tpu.memory_space<vmem_shared>>
      %dma_start3A_359 = tpu.memref_slice %arg11[%dma_start3A_356] : memref<8x!tpu.dma_semaphore, #tpu.memory_space<semaphore_mem>> -> memref<1x!tpu.dma_semaphore, #tpu.memory_space<semaphore_mem>>
      %dma_start3A_360 = tpu.memref_squeeze %dma_start3A_359 : memref<1x!tpu.dma_semaphore, #tpu.memory_space<semaphore_mem>> -> memref<!tpu.dma_semaphore, #tpu.memory_space<semaphore_mem>>
      %dma_start3A_361 = arith.constant 0 : i32
      %dma_start3A_362 = tpu.memref_slice %arg9[%multiple_of3A_355, %dma_start3A_361] : memref<10000x128xf32, #tpu.memory_space<vmem_shared>> -> memref<40x128xf32, #tpu.memory_space<vmem_shared>>
      tpu.enqueue_dma source(%arg8 : memref<40x128xf32, #tpu.memory_space<vmem>>) target(%dma_start3A_362 : memref<40x128xf32, #tpu.memory_space<vmem_shared>>) target_semaphore(%dma_start3A_360 : memref<!tpu.dma_semaphore, #tpu.memory_space<semaphore_mem>>)
    }
    %while3A_311 = arith.constant 1 : i32
    scf.for %while3A_349 = %while3A_309 to %while3A_305 step %while3A_311  : i32 {
      %mul3A_350 = arith.constant 16 : i32
      %mul3A_351 = arith.muli %while3A_349, %mul3A_350 : i32
      %add3A_352 = arith.addi %arg1, %mul3A_351 : i32
      %mul3A_353 = arith.constant 40 : i32
      %mul3A_354 = arith.muli %add3A_352, %mul3A_353 : i32
      %multiple_of3A_355 = tpu.assume_multiple %mul3A_354, 8 : i32
      %dma_start3A_356 = arith.constant 0 : i32
      %dma_start3A_357 = arith.constant 0 : i32
      %dma_start3A_358 = tpu.memref_slice %arg9[%multiple_of3A_355, %dma_start3A_357] : memref<10000x128xf32, #tpu.memory_space<vmem_shared>> -> memref<40x128xf32, #tpu.memory_space<vmem_shared>>
      %dma_start3A_359 = tpu.memref_slice %arg11[%dma_start3A_356] : memref<8x!tpu.dma_semaphore, #tpu.memory_space<semaphore_mem>> -> memref<1x!tpu.dma_semaphore, #tpu.memory_space<semaphore_mem>>
      %dma_start3A_360 = tpu.memref_squeeze %dma_start3A_359 : memref<1x!tpu.dma_semaphore, #tpu.memory_space<semaphore_mem>> -> memref<!tpu.dma_semaphore, #tpu.memory_space<semaphore_mem>>
      %dma_start3A_361 = arith.constant 0 : i32
      %dma_start3A_362 = tpu.memref_slice %arg9[%multiple_of3A_355, %dma_start3A_361] : memref<10000x128xf32, #tpu.memory_space<vmem_shared>> -> memref<40x128xf32, #tpu.memory_space<vmem_shared>>
      tpu.enqueue_dma source(%arg8 : memref<40x128xf32, #tpu.memory_space<vmem>>) target(%dma_start3A_362 : memref<40x128xf32, #tpu.memory_space<vmem_shared>>) target_semaphore(%dma_start3A_360 : memref<!tpu.dma_semaphore, #tpu.memory_space<semaphore_mem>>)
    }
    %while3A_312 = arith.constant 0 : i32
    %while3A_313 = arith.constant 0 : i32
    %while3A_314 = arith.subi %select_n3A, %while3A_313 : i32
    %while3A_315 = arith.addi %while3A_313, %while3A_314 : i32
    %while3A_316 = arith.constant 1 : i32
    %while3A_317 = arith.divsi %while3A_314, %while3A_316 : i32
    %while3A_318 = arith.muli %while3A_317, %while3A_316 : i32
    %while3A_319 = arith.addi %while3A_313, %while3A_318 : i32
    %while3A_320 = arith.constant 1 : i32
    scf.for %while3A_349 = %while3A_313 to %while3A_319 step %while3A_320  : i32 {
      %dma_wait3A = arith.constant 0 : i32
      %dma_wait3A_350 = arith.constant 0 : i32
      %dma_wait3A_351 = arith.constant 0 : i32
      %dma_wait3A_352 = tpu.memref_slice %arg9[%dma_wait3A_350, %dma_wait3A_351] : memref<10000x128xf32, #tpu.memory_space<vmem_shared>> -> memref<40x128xf32, #tpu.memory_space<vmem_shared>>
      %dma_wait3A_353 = tpu.memref_slice %arg11[%dma_wait3A] : memref<8x!tpu.dma_semaphore, #tpu.memory_space<semaphore_mem>> -> memref<1x!tpu.dma_semaphore, #tpu.memory_space<semaphore_mem>>
      %dma_wait3A_354 = tpu.memref_squeeze %dma_wait3A_353 : memref<1x!tpu.dma_semaphore, #tpu.memory_space<semaphore_mem>> -> memref<!tpu.dma_semaphore, #tpu.memory_space<semaphore_mem>>
      %dma_wait3A_355 = arith.constant 0 : i32
      %dma_wait3A_356 = arith.constant 0 : i32
      %dma_wait3A_357 = tpu.memref_slice %arg9[%dma_wait3A_355, %dma_wait3A_356] : memref<10000x128xf32, #tpu.memory_space<vmem_shared>> -> memref<40x128xf32, #tpu.memory_space<vmem_shared>>
      tpu.wait_dma2 semaphore(%dma_wait3A_354 : memref<!tpu.dma_semaphore, #tpu.memory_space<semaphore_mem>>) src(%arg8 : memref<40x128xf32, #tpu.memory_space<vmem>>) dst(%dma_wait3A_357 : memref<40x128xf32, #tpu.memory_space<vmem_shared>>)
    }
    %while3A_321 = arith.constant 1 : i32
    scf.for %while3A_349 = %while3A_319 to %while3A_315 step %while3A_321  : i32 {
      %dma_wait3A = arith.constant 0 : i32
      %dma_wait3A_350 = arith.constant 0 : i32
      %dma_wait3A_351 = arith.constant 0 : i32
      %dma_wait3A_352 = tpu.memref_slice %arg9[%dma_wait3A_350, %dma_wait3A_351] : memref<10000x128xf32, #tpu.memory_space<vmem_shared>> -> memref<40x128xf32, #tpu.memory_space<vmem_shared>>
      %dma_wait3A_353 = tpu.memref_slice %arg11[%dma_wait3A] : memref<8x!tpu.dma_semaphore, #tpu.memory_space<semaphore_mem>> -> memref<1x!tpu.dma_semaphore, #tpu.memory_space<semaphore_mem>>
      %dma_wait3A_354 = tpu.memref_squeeze %dma_wait3A_353 : memref<1x!tpu.dma_semaphore, #tpu.memory_space<semaphore_mem>> -> memref<!tpu.dma_semaphore, #tpu.memory_space<semaphore_mem>>
      %dma_wait3A_355 = arith.constant 0 : i32
      %dma_wait3A_356 = arith.constant 0 : i32
      %dma_wait3A_357 = tpu.memref_slice %arg9[%dma_wait3A_355, %dma_wait3A_356] : memref<10000x128xf32, #tpu.memory_space<vmem_shared>> -> memref<40x128xf32, #tpu.memory_space<vmem_shared>>
      tpu.wait_dma2 semaphore(%dma_wait3A_354 : memref<!tpu.dma_semaphore, #tpu.memory_space<semaphore_mem>>) src(%arg8 : memref<40x128xf32, #tpu.memory_space<vmem>>) dst(%dma_wait3A_357 : memref<40x128xf32, #tpu.memory_space<vmem_shared>>)
    }
    %barrier3A = arith.constant 0 : index
    tpu.barrier barrier_id(%barrier3A)
    %scan3A_322 = arith.constant 0 : i32
    %scan3A_323 = arith.constant 0 : i32
    %scan3A_324 = arith.constant 32 : i32
    %scan3A_325 = arith.addi %scan3A_323, %scan3A_324 : i32
    %scan3A_326 = arith.constant 1 : i32
    scf.for %scan3A_349 = %scan3A_323 to %scan3A_325 step %scan3A_326  : i32 {
      %mul3A_350 = arith.constant 8 : i32
      %mul3A_351 = arith.muli %scan3A_349, %mul3A_350 : i32
      %add3A_352 = arith.constant 0 : i32
      %add3A_353 = arith.addi %mul3A_351, %add3A_352 : i32
      %lt3A = arith.constant 250 : i32
      %lt3A_354 = arith.cmpi slt, %add3A_353, %lt3A : i32
      %convert_element_type3A = arith.extui %lt3A_354 : i1 to i32
      %cond3A = arith.constant 0 : i32
      %cond3A_355 = arith.cmpi ne, %convert_element_type3A, %cond3A : i32
      scf.if %cond3A_355 {
        %dma_wait3A = arith.constant 0 : i32
        %dma_wait3A_579 = arith.constant 0 : i32
        %dma_wait3A_580 = arith.constant 0 : i32
        %dma_wait3A_581 = tpu.memref_slice %arg5[%dma_wait3A, %dma_wait3A_580] : memref<8x40xi32, #tpu.memory_space<vmem>> -> memref<1x40xi32, #tpu.memory_space<vmem>>
        %dma_wait3A_582 = tpu.memref_squeeze %dma_wait3A_581 : memref<1x40xi32, #tpu.memory_space<vmem>> -> memref<40xi32, #tpu.memory_space<vmem>>
        %dma_wait3A_583 = arith.constant 0 : i32
        %dma_wait3A_584 = tpu.memref_slice %arg2[%dma_wait3A_583] : memref<640000xi32, #tpu.memory_space<hbm>> -> memref<40xi32, #tpu.memory_space<hbm>>
        %dma_wait3A_585 = tpu.memref_slice %arg10[%dma_wait3A_579] : memref<8x!tpu.dma_semaphore, #tpu.memory_space<semaphore_mem>> -> memref<1x!tpu.dma_semaphore, #tpu.memory_space<semaphore_mem>>
        %dma_wait3A_586 = tpu.memref_squeeze %dma_wait3A_585 : memref<1x!tpu.dma_semaphore, #tpu.memory_space<semaphore_mem>> -> memref<!tpu.dma_semaphore, #tpu.memory_space<semaphore_mem>>
        %dma_wait3A_587 = arith.constant 0 : i32
        %dma_wait3A_588 = tpu.memref_slice %arg5[%dma_wait3A, %dma_wait3A_587] : memref<8x40xi32, #tpu.memory_space<vmem>> -> memref<1x40xi32, #tpu.memory_space<vmem>>
        %dma_wait3A_589 = tpu.memref_squeeze %dma_wait3A_588 : memref<1x40xi32, #tpu.memory_space<vmem>> -> memref<40xi32, #tpu.memory_space<vmem>>
        %dma_wait3A_590 = arith.constant 0 : i32
        %dma_wait3A_591 = tpu.memref_slice %arg2[%dma_wait3A_590] : memref<640000xi32, #tpu.memory_space<hbm>> -> memref<40xi32, #tpu.memory_space<hbm>>
        tpu.wait_dma2 semaphore(%dma_wait3A_586 : memref<!tpu.dma_semaphore, #tpu.memory_space<semaphore_mem>>) src(%dma_wait3A_591 : memref<40xi32, #tpu.memory_space<hbm>>) dst(%dma_wait3A_589 : memref<40xi32, #tpu.memory_space<vmem>>)
        %dma_wait3A_592 = arith.constant 0 : i32
        %dma_wait3A_593 = arith.constant 0 : i32
        %dma_wait3A_594 = arith.constant 0 : i32
        %dma_wait3A_595 = arith.constant 0 : i32
        %dma_wait3A_596 = tpu.memref_slice %arg6[%dma_wait3A_592, %dma_wait3A_594, %dma_wait3A_595] : memref<8x40x128xf32, #tpu.memory_space<vmem>> -> memref<1x40x128xf32, #tpu.memory_space<vmem>>
        %dma_wait3A_597 = tpu.memref_squeeze %dma_wait3A_596 : memref<1x40x128xf32, #tpu.memory_space<vmem>> -> memref<40x128xf32, #tpu.memory_space<vmem>>
        %dma_wait3A_598 = arith.constant 0 : i32
        %dma_wait3A_599 = arith.constant 0 : i32
        %dma_wait3A_600 = tpu.memref_slice %arg3[%dma_wait3A_598, %dma_wait3A_599] : memref<320000x128xf32, #tpu.memory_space<hbm>> -> memref<40x128xf32, #tpu.memory_space<hbm>>
        %dma_wait3A_601 = tpu.memref_slice %arg10[%dma_wait3A_593] : memref<8x!tpu.dma_semaphore, #tpu.memory_space<semaphore_mem>> -> memref<1x!tpu.dma_semaphore, #tpu.memory_space<semaphore_mem>>
        %dma_wait3A_602 = tpu.memref_squeeze %dma_wait3A_601 : memref<1x!tpu.dma_semaphore, #tpu.memory_space<semaphore_mem>> -> memref<!tpu.dma_semaphore, #tpu.memory_space<semaphore_mem>>
        %dma_wait3A_603 = arith.constant 0 : i32
        %dma_wait3A_604 = arith.constant 0 : i32
        %dma_wait3A_605 = tpu.memref_slice %arg6[%dma_wait3A_592, %dma_wait3A_603, %dma_wait3A_604] : memref<8x40x128xf32, #tpu.memory_space<vmem>> -> memref<1x40x128xf32, #tpu.memory_space<vmem>>
        %dma_wait3A_606 = tpu.memref_squeeze %dma_wait3A_605 : memref<1x40x128xf32, #tpu.memory_space<vmem>> -> memref<40x128xf32, #tpu.memory_space<vmem>>
        %dma_wait3A_607 = arith.constant 0 : i32
        %dma_wait3A_608 = arith.constant 0 : i32
        %dma_wait3A_609 = tpu.memref_slice %arg3[%dma_wait3A_607, %dma_wait3A_608] : memref<320000x128xf32, #tpu.memory_space<hbm>> -> memref<40x128xf32, #tpu.memory_space<hbm>>
        tpu.wait_dma2 semaphore(%dma_wait3A_602 : memref<!tpu.dma_semaphore, #tpu.memory_space<semaphore_mem>>) src(%dma_wait3A_609 : memref<40x128xf32, #tpu.memory_space<hbm>>) dst(%dma_wait3A_606 : memref<40x128xf32, #tpu.memory_space<vmem>>)
        %dma_start3A_610 = arith.constant 0 : i32
        %dma_start3A_611 = arith.constant 0 : i32
        %dma_start3A_612 = arith.constant 0 : i32
        %dma_start3A_613 = arith.constant 0 : i32
        %dma_start3A_614 = arith.constant 0 : i32
        %dma_start3A_615 = tpu.memref_slice %arg6[%dma_start3A_610, %dma_start3A_613, %dma_start3A_614] : memref<8x40x128xf32, #tpu.memory_space<vmem>> -> memref<1x40x128xf32, #tpu.memory_space<vmem>>
        %dma_start3A_616 = tpu.memref_squeeze %dma_start3A_615 : memref<1x40x128xf32, #tpu.memory_space<vmem>> -> memref<40x128xf32, #tpu.memory_space<vmem>>
        %dma_start3A_617 = arith.constant 0 : i32
        %dma_start3A_618 = tpu.memref_slice %arg5[%dma_start3A_611, %dma_start3A_617] : memref<8x40xi32, #tpu.memory_space<vmem>> -> memref<1x40xi32, #tpu.memory_space<vmem>>
        %dma_start3A_619 = tpu.memref_squeeze %dma_start3A_618 : memref<1x40xi32, #tpu.memory_space<vmem>> -> memref<40xi32, #tpu.memory_space<vmem>>
        %dma_start3A_620 = arith.constant 0 : i32
        %dma_start3A_621 = arith.constant 0 : i32
        %dma_start3A_622 = tpu.memref_slice %arg9[%dma_start3A_620, %dma_start3A_621] : memref<10000x128xf32, #tpu.memory_space<vmem_shared>> -> memref<10000x128xf32, #tpu.memory_space<vmem_shared>>
        %dma_start3A_623 = tpu.memref_slice %arg11[%dma_start3A_612] : memref<8x!tpu.dma_semaphore, #tpu.memory_space<semaphore_mem>> -> memref<1x!tpu.dma_semaphore, #tpu.memory_space<semaphore_mem>>
        %dma_start3A_624 = tpu.memref_squeeze %dma_start3A_623 : memref<1x!tpu.dma_semaphore, #tpu.memory_space<semaphore_mem>> -> memref<!tpu.dma_semaphore, #tpu.memory_space<semaphore_mem>>
        tpu.enqueue_indirect_dma source(%dma_start3A_616 : memref<40x128xf32, #tpu.memory_space<vmem>>) target(%dma_start3A_622 : memref<10000x128xf32, #tpu.memory_space<vmem_shared>>) offsets(%dma_start3A_619 : memref<40xi32, #tpu.memory_space<vmem>>) semaphore(%dma_start3A_624 : memref<!tpu.dma_semaphore, #tpu.memory_space<semaphore_mem>>) {add = true}
      } else {
      }
      %mul3A_356 = arith.constant 8 : i32
      %mul3A_357 = arith.muli %scan3A_349, %mul3A_356 : i32
      %add3A_358 = arith.constant 1 : i32
      %add3A_359 = arith.addi %mul3A_357, %add3A_358 : i32
      %lt3A_360 = arith.constant 250 : i32
      %lt3A_361 = arith.cmpi slt, %add3A_359, %lt3A_360 : i32
      %convert_element_type3A_362 = arith.extui %lt3A_361 : i1 to i32
      %cond3A_363 = arith.constant 0 : i32
      %cond3A_364 = arith.cmpi ne, %convert_element_type3A_362, %cond3A_363 : i32
      scf.if %cond3A_364 {
        %dma_wait3A = arith.constant 1 : i32
        %dma_wait3A_579 = arith.constant 1 : i32
        %dma_wait3A_580 = arith.constant 0 : i32
        %dma_wait3A_581 = tpu.memref_slice %arg5[%dma_wait3A, %dma_wait3A_580] : memref<8x40xi32, #tpu.memory_space<vmem>> -> memref<1x40xi32, #tpu.memory_space<vmem>>
        %dma_wait3A_582 = tpu.memref_squeeze %dma_wait3A_581 : memref<1x40xi32, #tpu.memory_space<vmem>> -> memref<40xi32, #tpu.memory_space<vmem>>
        %dma_wait3A_583 = arith.constant 0 : i32
        %dma_wait3A_584 = tpu.memref_slice %arg2[%dma_wait3A_583] : memref<640000xi32, #tpu.memory_space<hbm>> -> memref<40xi32, #tpu.memory_space<hbm>>
        %dma_wait3A_585 = tpu.memref_slice %arg10[%dma_wait3A_579] : memref<8x!tpu.dma_semaphore, #tpu.memory_space<semaphore_mem>> -> memref<1x!tpu.dma_semaphore, #tpu.memory_space<semaphore_mem>>
        %dma_wait3A_586 = tpu.memref_squeeze %dma_wait3A_585 : memref<1x!tpu.dma_semaphore, #tpu.memory_space<semaphore_mem>> -> memref<!tpu.dma_semaphore, #tpu.memory_space<semaphore_mem>>
        %dma_wait3A_587 = arith.constant 0 : i32
        %dma_wait3A_588 = tpu.memref_slice %arg5[%dma_wait3A, %dma_wait3A_587] : memref<8x40xi32, #tpu.memory_space<vmem>> -> memref<1x40xi32, #tpu.memory_space<vmem>>
        %dma_wait3A_589 = tpu.memref_squeeze %dma_wait3A_588 : memref<1x40xi32, #tpu.memory_space<vmem>> -> memref<40xi32, #tpu.memory_space<vmem>>
        %dma_wait3A_590 = arith.constant 0 : i32
        %dma_wait3A_591 = tpu.memref_slice %arg2[%dma_wait3A_590] : memref<640000xi32, #tpu.memory_space<hbm>> -> memref<40xi32, #tpu.memory_space<hbm>>
        tpu.wait_dma2 semaphore(%dma_wait3A_586 : memref<!tpu.dma_semaphore, #tpu.memory_space<semaphore_mem>>) src(%dma_wait3A_591 : memref<40xi32, #tpu.memory_space<hbm>>) dst(%dma_wait3A_589 : memref<40xi32, #tpu.memory_space<vmem>>)
        %dma_wait3A_592 = arith.constant 1 : i32
        %dma_wait3A_593 = arith.constant 1 : i32
        %dma_wait3A_594 = arith.constant 0 : i32
        %dma_wait3A_595 = arith.constant 0 : i32
        %dma_wait3A_596 = tpu.memref_slice %arg6[%dma_wait3A_592, %dma_wait3A_594, %dma_wait3A_595] : memref<8x40x128xf32, #tpu.memory_space<vmem>> -> memref<1x40x128xf32, #tpu.memory_space<vmem>>
        %dma_wait3A_597 = tpu.memref_squeeze %dma_wait3A_596 : memref<1x40x128xf32, #tpu.memory_space<vmem>> -> memref<40x128xf32, #tpu.memory_space<vmem>>
        %dma_wait3A_598 = arith.constant 0 : i32
        %dma_wait3A_599 = arith.constant 0 : i32
        %dma_wait3A_600 = tpu.memref_slice %arg3[%dma_wait3A_598, %dma_wait3A_599] : memref<320000x128xf32, #tpu.memory_space<hbm>> -> memref<40x128xf32, #tpu.memory_space<hbm>>
        %dma_wait3A_601 = tpu.memref_slice %arg10[%dma_wait3A_593] : memref<8x!tpu.dma_semaphore, #tpu.memory_space<semaphore_mem>> -> memref<1x!tpu.dma_semaphore, #tpu.memory_space<semaphore_mem>>
        %dma_wait3A_602 = tpu.memref_squeeze %dma_wait3A_601 : memref<1x!tpu.dma_semaphore, #tpu.memory_space<semaphore_mem>> -> memref<!tpu.dma_semaphore, #tpu.memory_space<semaphore_mem>>
        %dma_wait3A_603 = arith.constant 0 : i32
        %dma_wait3A_604 = arith.constant 0 : i32
        %dma_wait3A_605 = tpu.memref_slice %arg6[%dma_wait3A_592, %dma_wait3A_603, %dma_wait3A_604] : memref<8x40x128xf32, #tpu.memory_space<vmem>> -> memref<1x40x128xf32, #tpu.memory_space<vmem>>
        %dma_wait3A_606 = tpu.memref_squeeze %dma_wait3A_605 : memref<1x40x128xf32, #tpu.memory_space<vmem>> -> memref<40x128xf32, #tpu.memory_space<vmem>>
        %dma_wait3A_607 = arith.constant 0 : i32
        %dma_wait3A_608 = arith.constant 0 : i32
        %dma_wait3A_609 = tpu.memref_slice %arg3[%dma_wait3A_607, %dma_wait3A_608] : memref<320000x128xf32, #tpu.memory_space<hbm>> -> memref<40x128xf32, #tpu.memory_space<hbm>>
        tpu.wait_dma2 semaphore(%dma_wait3A_602 : memref<!tpu.dma_semaphore, #tpu.memory_space<semaphore_mem>>) src(%dma_wait3A_609 : memref<40x128xf32, #tpu.memory_space<hbm>>) dst(%dma_wait3A_606 : memref<40x128xf32, #tpu.memory_space<vmem>>)
        %dma_start3A_610 = arith.constant 1 : i32
        %dma_start3A_611 = arith.constant 1 : i32
        %dma_start3A_612 = arith.constant 1 : i32
        %dma_start3A_613 = arith.constant 0 : i32
        %dma_start3A_614 = arith.constant 0 : i32
        %dma_start3A_615 = tpu.memref_slice %arg6[%dma_start3A_610, %dma_start3A_613, %dma_start3A_614] : memref<8x40x128xf32, #tpu.memory_space<vmem>> -> memref<1x40x128xf32, #tpu.memory_space<vmem>>
        %dma_start3A_616 = tpu.memref_squeeze %dma_start3A_615 : memref<1x40x128xf32, #tpu.memory_space<vmem>> -> memref<40x128xf32, #tpu.memory_space<vmem>>
        %dma_start3A_617 = arith.constant 0 : i32
        %dma_start3A_618 = tpu.memref_slice %arg5[%dma_start3A_611, %dma_start3A_617] : memref<8x40xi32, #tpu.memory_space<vmem>> -> memref<1x40xi32, #tpu.memory_space<vmem>>
        %dma_start3A_619 = tpu.memref_squeeze %dma_start3A_618 : memref<1x40xi32, #tpu.memory_space<vmem>> -> memref<40xi32, #tpu.memory_space<vmem>>
        %dma_start3A_620 = arith.constant 0 : i32
        %dma_start3A_621 = arith.constant 0 : i32
        %dma_start3A_622 = tpu.memref_slice %arg9[%dma_start3A_620, %dma_start3A_621] : memref<10000x128xf32, #tpu.memory_space<vmem_shared>> -> memref<10000x128xf32, #tpu.memory_space<vmem_shared>>
        %dma_start3A_623 = tpu.memref_slice %arg11[%dma_start3A_612] : memref<8x!tpu.dma_semaphore, #tpu.memory_space<semaphore_mem>> -> memref<1x!tpu.dma_semaphore, #tpu.memory_space<semaphore_mem>>
        %dma_start3A_624 = tpu.memref_squeeze %dma_start3A_623 : memref<1x!tpu.dma_semaphore, #tpu.memory_space<semaphore_mem>> -> memref<!tpu.dma_semaphore, #tpu.memory_space<semaphore_mem>>
        tpu.enqueue_indirect_dma source(%dma_start3A_616 : memref<40x128xf32, #tpu.memory_space<vmem>>) target(%dma_start3A_622 : memref<10000x128xf32, #tpu.memory_space<vmem_shared>>) offsets(%dma_start3A_619 : memref<40xi32, #tpu.memory_space<vmem>>) semaphore(%dma_start3A_624 : memref<!tpu.dma_semaphore, #tpu.memory_space<semaphore_mem>>) {add = true}
      } else {
      }
      %mul3A_365 = arith.constant 8 : i32
      %mul3A_366 = arith.muli %scan3A_349, %mul3A_365 : i32
      %add3A_367 = arith.constant 2 : i32
      %add3A_368 = arith.addi %mul3A_366, %add3A_367 : i32
      %lt3A_369 = arith.constant 250 : i32
      %lt3A_370 = arith.cmpi slt, %add3A_368, %lt3A_369 : i32
      %convert_element_type3A_371 = arith.extui %lt3A_370 : i1 to i32
      %cond3A_372 = arith.constant 0 : i32
      %cond3A_373 = arith.cmpi ne, %convert_element_type3A_371, %cond3A_372 : i32
      scf.if %cond3A_373 {
        %dma_wait3A = arith.constant 2 : i32
        %dma_wait3A_579 = arith.constant 2 : i32
        %dma_wait3A_580 = arith.constant 0 : i32
        %dma_wait3A_581 = tpu.memref_slice %arg5[%dma_wait3A, %dma_wait3A_580] : memref<8x40xi32, #tpu.memory_space<vmem>> -> memref<1x40xi32, #tpu.memory_space<vmem>>
        %dma_wait3A_582 = tpu.memref_squeeze %dma_wait3A_581 : memref<1x40xi32, #tpu.memory_space<vmem>> -> memref<40xi32, #tpu.memory_space<vmem>>
        %dma_wait3A_583 = arith.constant 0 : i32
        %dma_wait3A_584 = tpu.memref_slice %arg2[%dma_wait3A_583] : memref<640000xi32, #tpu.memory_space<hbm>> -> memref<40xi32, #tpu.memory_space<hbm>>
        %dma_wait3A_585 = tpu.memref_slice %arg10[%dma_wait3A_579] : memref<8x!tpu.dma_semaphore, #tpu.memory_space<semaphore_mem>> -> memref<1x!tpu.dma_semaphore, #tpu.memory_space<semaphore_mem>>
        %dma_wait3A_586 = tpu.memref_squeeze %dma_wait3A_585 : memref<1x!tpu.dma_semaphore, #tpu.memory_space<semaphore_mem>> -> memref<!tpu.dma_semaphore, #tpu.memory_space<semaphore_mem>>
        %dma_wait3A_587 = arith.constant 0 : i32
        %dma_wait3A_588 = tpu.memref_slice %arg5[%dma_wait3A, %dma_wait3A_587] : memref<8x40xi32, #tpu.memory_space<vmem>> -> memref<1x40xi32, #tpu.memory_space<vmem>>
        %dma_wait3A_589 = tpu.memref_squeeze %dma_wait3A_588 : memref<1x40xi32, #tpu.memory_space<vmem>> -> memref<40xi32, #tpu.memory_space<vmem>>
        %dma_wait3A_590 = arith.constant 0 : i32
        %dma_wait3A_591 = tpu.memref_slice %arg2[%dma_wait3A_590] : memref<640000xi32, #tpu.memory_space<hbm>> -> memref<40xi32, #tpu.memory_space<hbm>>
        tpu.wait_dma2 semaphore(%dma_wait3A_586 : memref<!tpu.dma_semaphore, #tpu.memory_space<semaphore_mem>>) src(%dma_wait3A_591 : memref<40xi32, #tpu.memory_space<hbm>>) dst(%dma_wait3A_589 : memref<40xi32, #tpu.memory_space<vmem>>)
        %dma_wait3A_592 = arith.constant 2 : i32
        %dma_wait3A_593 = arith.constant 2 : i32
        %dma_wait3A_594 = arith.constant 0 : i32
        %dma_wait3A_595 = arith.constant 0 : i32
        %dma_wait3A_596 = tpu.memref_slice %arg6[%dma_wait3A_592, %dma_wait3A_594, %dma_wait3A_595] : memref<8x40x128xf32, #tpu.memory_space<vmem>> -> memref<1x40x128xf32, #tpu.memory_space<vmem>>
        %dma_wait3A_597 = tpu.memref_squeeze %dma_wait3A_596 : memref<1x40x128xf32, #tpu.memory_space<vmem>> -> memref<40x128xf32, #tpu.memory_space<vmem>>
        %dma_wait3A_598 = arith.constant 0 : i32
        %dma_wait3A_599 = arith.constant 0 : i32
        %dma_wait3A_600 = tpu.memref_slice %arg3[%dma_wait3A_598, %dma_wait3A_599] : memref<320000x128xf32, #tpu.memory_space<hbm>> -> memref<40x128xf32, #tpu.memory_space<hbm>>
        %dma_wait3A_601 = tpu.memref_slice %arg10[%dma_wait3A_593] : memref<8x!tpu.dma_semaphore, #tpu.memory_space<semaphore_mem>> -> memref<1x!tpu.dma_semaphore, #tpu.memory_space<semaphore_mem>>
        %dma_wait3A_602 = tpu.memref_squeeze %dma_wait3A_601 : memref<1x!tpu.dma_semaphore, #tpu.memory_space<semaphore_mem>> -> memref<!tpu.dma_semaphore, #tpu.memory_space<semaphore_mem>>
        %dma_wait3A_603 = arith.constant 0 : i32
        %dma_wait3A_604 = arith.constant 0 : i32
        %dma_wait3A_605 = tpu.memref_slice %arg6[%dma_wait3A_592, %dma_wait3A_603, %dma_wait3A_604] : memref<8x40x128xf32, #tpu.memory_space<vmem>> -> memref<1x40x128xf32, #tpu.memory_space<vmem>>
        %dma_wait3A_606 = tpu.memref_squeeze %dma_wait3A_605 : memref<1x40x128xf32, #tpu.memory_space<vmem>> -> memref<40x128xf32, #tpu.memory_space<vmem>>
        %dma_wait3A_607 = arith.constant 0 : i32
        %dma_wait3A_608 = arith.constant 0 : i32
        %dma_wait3A_609 = tpu.memref_slice %arg3[%dma_wait3A_607, %dma_wait3A_608] : memref<320000x128xf32, #tpu.memory_space<hbm>> -> memref<40x128xf32, #tpu.memory_space<hbm>>
        tpu.wait_dma2 semaphore(%dma_wait3A_602 : memref<!tpu.dma_semaphore, #tpu.memory_space<semaphore_mem>>) src(%dma_wait3A_609 : memref<40x128xf32, #tpu.memory_space<hbm>>) dst(%dma_wait3A_606 : memref<40x128xf32, #tpu.memory_space<vmem>>)
        %dma_start3A_610 = arith.constant 2 : i32
        %dma_start3A_611 = arith.constant 2 : i32
        %dma_start3A_612 = arith.constant 2 : i32
        %dma_start3A_613 = arith.constant 0 : i32
        %dma_start3A_614 = arith.constant 0 : i32
        %dma_start3A_615 = tpu.memref_slice %arg6[%dma_start3A_610, %dma_start3A_613, %dma_start3A_614] : memref<8x40x128xf32, #tpu.memory_space<vmem>> -> memref<1x40x128xf32, #tpu.memory_space<vmem>>
        %dma_start3A_616 = tpu.memref_squeeze %dma_start3A_615 : memref<1x40x128xf32, #tpu.memory_space<vmem>> -> memref<40x128xf32, #tpu.memory_space<vmem>>
        %dma_start3A_617 = arith.constant 0 : i32
        %dma_start3A_618 = tpu.memref_slice %arg5[%dma_start3A_611, %dma_start3A_617] : memref<8x40xi32, #tpu.memory_space<vmem>> -> memref<1x40xi32, #tpu.memory_space<vmem>>
        %dma_start3A_619 = tpu.memref_squeeze %dma_start3A_618 : memref<1x40xi32, #tpu.memory_space<vmem>> -> memref<40xi32, #tpu.memory_space<vmem>>
        %dma_start3A_620 = arith.constant 0 : i32
        %dma_start3A_621 = arith.constant 0 : i32
        %dma_start3A_622 = tpu.memref_slice %arg9[%dma_start3A_620, %dma_start3A_621] : memref<10000x128xf32, #tpu.memory_space<vmem_shared>> -> memref<10000x128xf32, #tpu.memory_space<vmem_shared>>
        %dma_start3A_623 = tpu.memref_slice %arg11[%dma_start3A_612] : memref<8x!tpu.dma_semaphore, #tpu.memory_space<semaphore_mem>> -> memref<1x!tpu.dma_semaphore, #tpu.memory_space<semaphore_mem>>
        %dma_start3A_624 = tpu.memref_squeeze %dma_start3A_623 : memref<1x!tpu.dma_semaphore, #tpu.memory_space<semaphore_mem>> -> memref<!tpu.dma_semaphore, #tpu.memory_space<semaphore_mem>>
        tpu.enqueue_indirect_dma source(%dma_start3A_616 : memref<40x128xf32, #tpu.memory_space<vmem>>) target(%dma_start3A_622 : memref<10000x128xf32, #tpu.memory_space<vmem_shared>>) offsets(%dma_start3A_619 : memref<40xi32, #tpu.memory_space<vmem>>) semaphore(%dma_start3A_624 : memref<!tpu.dma_semaphore, #tpu.memory_space<semaphore_mem>>) {add = true}
      } else {
      }
      %mul3A_374 = arith.constant 8 : i32
      %mul3A_375 = arith.muli %scan3A_349, %mul3A_374 : i32
      %add3A_376 = arith.constant 3 : i32
      %add3A_377 = arith.addi %mul3A_375, %add3A_376 : i32
      %lt3A_378 = arith.constant 250 : i32
      %lt3A_379 = arith.cmpi slt, %add3A_377, %lt3A_378 : i32
      %convert_element_type3A_380 = arith.extui %lt3A_379 : i1 to i32
      %cond3A_381 = arith.constant 0 : i32
      %cond3A_382 = arith.cmpi ne, %convert_element_type3A_380, %cond3A_381 : i32
      scf.if %cond3A_382 {
        %dma_wait3A = arith.constant 3 : i32
        %dma_wait3A_579 = arith.constant 3 : i32
        %dma_wait3A_580 = arith.constant 0 : i32
        %dma_wait3A_581 = tpu.memref_slice %arg5[%dma_wait3A, %dma_wait3A_580] : memref<8x40xi32, #tpu.memory_space<vmem>> -> memref<1x40xi32, #tpu.memory_space<vmem>>
        %dma_wait3A_582 = tpu.memref_squeeze %dma_wait3A_581 : memref<1x40xi32, #tpu.memory_space<vmem>> -> memref<40xi32, #tpu.memory_space<vmem>>
        %dma_wait3A_583 = arith.constant 0 : i32
        %dma_wait3A_584 = tpu.memref_slice %arg2[%dma_wait3A_583] : memref<640000xi32, #tpu.memory_space<hbm>> -> memref<40xi32, #tpu.memory_space<hbm>>
        %dma_wait3A_585 = tpu.memref_slice %arg10[%dma_wait3A_579] : memref<8x!tpu.dma_semaphore, #tpu.memory_space<semaphore_mem>> -> memref<1x!tpu.dma_semaphore, #tpu.memory_space<semaphore_mem>>
        %dma_wait3A_586 = tpu.memref_squeeze %dma_wait3A_585 : memref<1x!tpu.dma_semaphore, #tpu.memory_space<semaphore_mem>> -> memref<!tpu.dma_semaphore, #tpu.memory_space<semaphore_mem>>
        %dma_wait3A_587 = arith.constant 0 : i32
        %dma_wait3A_588 = tpu.memref_slice %arg5[%dma_wait3A, %dma_wait3A_587] : memref<8x40xi32, #tpu.memory_space<vmem>> -> memref<1x40xi32, #tpu.memory_space<vmem>>
        %dma_wait3A_589 = tpu.memref_squeeze %dma_wait3A_588 : memref<1x40xi32, #tpu.memory_space<vmem>> -> memref<40xi32, #tpu.memory_space<vmem>>
        %dma_wait3A_590 = arith.constant 0 : i32
        %dma_wait3A_591 = tpu.memref_slice %arg2[%dma_wait3A_590] : memref<640000xi32, #tpu.memory_space<hbm>> -> memref<40xi32, #tpu.memory_space<hbm>>
        tpu.wait_dma2 semaphore(%dma_wait3A_586 : memref<!tpu.dma_semaphore, #tpu.memory_space<semaphore_mem>>) src(%dma_wait3A_591 : memref<40xi32, #tpu.memory_space<hbm>>) dst(%dma_wait3A_589 : memref<40xi32, #tpu.memory_space<vmem>>)
        %dma_wait3A_592 = arith.constant 3 : i32
        %dma_wait3A_593 = arith.constant 3 : i32
        %dma_wait3A_594 = arith.constant 0 : i32
        %dma_wait3A_595 = arith.constant 0 : i32
        %dma_wait3A_596 = tpu.memref_slice %arg6[%dma_wait3A_592, %dma_wait3A_594, %dma_wait3A_595] : memref<8x40x128xf32, #tpu.memory_space<vmem>> -> memref<1x40x128xf32, #tpu.memory_space<vmem>>
        %dma_wait3A_597 = tpu.memref_squeeze %dma_wait3A_596 : memref<1x40x128xf32, #tpu.memory_space<vmem>> -> memref<40x128xf32, #tpu.memory_space<vmem>>
        %dma_wait3A_598 = arith.constant 0 : i32
        %dma_wait3A_599 = arith.constant 0 : i32
        %dma_wait3A_600 = tpu.memref_slice %arg3[%dma_wait3A_598, %dma_wait3A_599] : memref<320000x128xf32, #tpu.memory_space<hbm>> -> memref<40x128xf32, #tpu.memory_space<hbm>>
        %dma_wait3A_601 = tpu.memref_slice %arg10[%dma_wait3A_593] : memref<8x!tpu.dma_semaphore, #tpu.memory_space<semaphore_mem>> -> memref<1x!tpu.dma_semaphore, #tpu.memory_space<semaphore_mem>>
        %dma_wait3A_602 = tpu.memref_squeeze %dma_wait3A_601 : memref<1x!tpu.dma_semaphore, #tpu.memory_space<semaphore_mem>> -> memref<!tpu.dma_semaphore, #tpu.memory_space<semaphore_mem>>
        %dma_wait3A_603 = arith.constant 0 : i32
        %dma_wait3A_604 = arith.constant 0 : i32
        %dma_wait3A_605 = tpu.memref_slice %arg6[%dma_wait3A_592, %dma_wait3A_603, %dma_wait3A_604] : memref<8x40x128xf32, #tpu.memory_space<vmem>> -> memref<1x40x128xf32, #tpu.memory_space<vmem>>
        %dma_wait3A_606 = tpu.memref_squeeze %dma_wait3A_605 : memref<1x40x128xf32, #tpu.memory_space<vmem>> -> memref<40x128xf32, #tpu.memory_space<vmem>>
        %dma_wait3A_607 = arith.constant 0 : i32
        %dma_wait3A_608 = arith.constant 0 : i32
        %dma_wait3A_609 = tpu.memref_slice %arg3[%dma_wait3A_607, %dma_wait3A_608] : memref<320000x128xf32, #tpu.memory_space<hbm>> -> memref<40x128xf32, #tpu.memory_space<hbm>>
        tpu.wait_dma2 semaphore(%dma_wait3A_602 : memref<!tpu.dma_semaphore, #tpu.memory_space<semaphore_mem>>) src(%dma_wait3A_609 : memref<40x128xf32, #tpu.memory_space<hbm>>) dst(%dma_wait3A_606 : memref<40x128xf32, #tpu.memory_space<vmem>>)
        %dma_start3A_610 = arith.constant 3 : i32
        %dma_start3A_611 = arith.constant 3 : i32
        %dma_start3A_612 = arith.constant 3 : i32
        %dma_start3A_613 = arith.constant 0 : i32
        %dma_start3A_614 = arith.constant 0 : i32
        %dma_start3A_615 = tpu.memref_slice %arg6[%dma_start3A_610, %dma_start3A_613, %dma_start3A_614] : memref<8x40x128xf32, #tpu.memory_space<vmem>> -> memref<1x40x128xf32, #tpu.memory_space<vmem>>
        %dma_start3A_616 = tpu.memref_squeeze %dma_start3A_615 : memref<1x40x128xf32, #tpu.memory_space<vmem>> -> memref<40x128xf32, #tpu.memory_space<vmem>>
        %dma_start3A_617 = arith.constant 0 : i32
        %dma_start3A_618 = tpu.memref_slice %arg5[%dma_start3A_611, %dma_start3A_617] : memref<8x40xi32, #tpu.memory_space<vmem>> -> memref<1x40xi32, #tpu.memory_space<vmem>>
        %dma_start3A_619 = tpu.memref_squeeze %dma_start3A_618 : memref<1x40xi32, #tpu.memory_space<vmem>> -> memref<40xi32, #tpu.memory_space<vmem>>
        %dma_start3A_620 = arith.constant 0 : i32
        %dma_start3A_621 = arith.constant 0 : i32
        %dma_start3A_622 = tpu.memref_slice %arg9[%dma_start3A_620, %dma_start3A_621] : memref<10000x128xf32, #tpu.memory_space<vmem_shared>> -> memref<10000x128xf32, #tpu.memory_space<vmem_shared>>
        %dma_start3A_623 = tpu.memref_slice %arg11[%dma_start3A_612] : memref<8x!tpu.dma_semaphore, #tpu.memory_space<semaphore_mem>> -> memref<1x!tpu.dma_semaphore, #tpu.memory_space<semaphore_mem>>
        %dma_start3A_624 = tpu.memref_squeeze %dma_start3A_623 : memref<1x!tpu.dma_semaphore, #tpu.memory_space<semaphore_mem>> -> memref<!tpu.dma_semaphore, #tpu.memory_space<semaphore_mem>>
        tpu.enqueue_indirect_dma source(%dma_start3A_616 : memref<40x128xf32, #tpu.memory_space<vmem>>) target(%dma_start3A_622 : memref<10000x128xf32, #tpu.memory_space<vmem_shared>>) offsets(%dma_start3A_619 : memref<40xi32, #tpu.memory_space<vmem>>) semaphore(%dma_start3A_624 : memref<!tpu.dma_semaphore, #tpu.memory_space<semaphore_mem>>) {add = true}
      } else {
      }
      %mul3A_383 = arith.constant 8 : i32
      %mul3A_384 = arith.muli %scan3A_349, %mul3A_383 : i32
      %add3A_385 = arith.constant 4 : i32
      %add3A_386 = arith.addi %mul3A_384, %add3A_385 : i32
      %lt3A_387 = arith.constant 250 : i32
      %lt3A_388 = arith.cmpi slt, %add3A_386, %lt3A_387 : i32
      %convert_element_type3A_389 = arith.extui %lt3A_388 : i1 to i32
      %cond3A_390 = arith.constant 0 : i32
      %cond3A_391 = arith.cmpi ne, %convert_element_type3A_389, %cond3A_390 : i32
      scf.if %cond3A_391 {
        %dma_wait3A = arith.constant 4 : i32
        %dma_wait3A_579 = arith.constant 4 : i32
        %dma_wait3A_580 = arith.constant 0 : i32
        %dma_wait3A_581 = tpu.memref_slice %arg5[%dma_wait3A, %dma_wait3A_580] : memref<8x40xi32, #tpu.memory_space<vmem>> -> memref<1x40xi32, #tpu.memory_space<vmem>>
        %dma_wait3A_582 = tpu.memref_squeeze %dma_wait3A_581 : memref<1x40xi32, #tpu.memory_space<vmem>> -> memref<40xi32, #tpu.memory_space<vmem>>
        %dma_wait3A_583 = arith.constant 0 : i32
        %dma_wait3A_584 = tpu.memref_slice %arg2[%dma_wait3A_583] : memref<640000xi32, #tpu.memory_space<hbm>> -> memref<40xi32, #tpu.memory_space<hbm>>
        %dma_wait3A_585 = tpu.memref_slice %arg10[%dma_wait3A_579] : memref<8x!tpu.dma_semaphore, #tpu.memory_space<semaphore_mem>> -> memref<1x!tpu.dma_semaphore, #tpu.memory_space<semaphore_mem>>
        %dma_wait3A_586 = tpu.memref_squeeze %dma_wait3A_585 : memref<1x!tpu.dma_semaphore, #tpu.memory_space<semaphore_mem>> -> memref<!tpu.dma_semaphore, #tpu.memory_space<semaphore_mem>>
        %dma_wait3A_587 = arith.constant 0 : i32
        %dma_wait3A_588 = tpu.memref_slice %arg5[%dma_wait3A, %dma_wait3A_587] : memref<8x40xi32, #tpu.memory_space<vmem>> -> memref<1x40xi32, #tpu.memory_space<vmem>>
        %dma_wait3A_589 = tpu.memref_squeeze %dma_wait3A_588 : memref<1x40xi32, #tpu.memory_space<vmem>> -> memref<40xi32, #tpu.memory_space<vmem>>
        %dma_wait3A_590 = arith.constant 0 : i32
        %dma_wait3A_591 = tpu.memref_slice %arg2[%dma_wait3A_590] : memref<640000xi32, #tpu.memory_space<hbm>> -> memref<40xi32, #tpu.memory_space<hbm>>
        tpu.wait_dma2 semaphore(%dma_wait3A_586 : memref<!tpu.dma_semaphore, #tpu.memory_space<semaphore_mem>>) src(%dma_wait3A_591 : memref<40xi32, #tpu.memory_space<hbm>>) dst(%dma_wait3A_589 : memref<40xi32, #tpu.memory_space<vmem>>)
        %dma_wait3A_592 = arith.constant 4 : i32
        %dma_wait3A_593 = arith.constant 4 : i32
        %dma_wait3A_594 = arith.constant 0 : i32
        %dma_wait3A_595 = arith.constant 0 : i32
        %dma_wait3A_596 = tpu.memref_slice %arg6[%dma_wait3A_592, %dma_wait3A_594, %dma_wait3A_595] : memref<8x40x128xf32, #tpu.memory_space<vmem>> -> memref<1x40x128xf32, #tpu.memory_space<vmem>>
        %dma_wait3A_597 = tpu.memref_squeeze %dma_wait3A_596 : memref<1x40x128xf32, #tpu.memory_space<vmem>> -> memref<40x128xf32, #tpu.memory_space<vmem>>
        %dma_wait3A_598 = arith.constant 0 : i32
        %dma_wait3A_599 = arith.constant 0 : i32
        %dma_wait3A_600 = tpu.memref_slice %arg3[%dma_wait3A_598, %dma_wait3A_599] : memref<320000x128xf32, #tpu.memory_space<hbm>> -> memref<40x128xf32, #tpu.memory_space<hbm>>
        %dma_wait3A_601 = tpu.memref_slice %arg10[%dma_wait3A_593] : memref<8x!tpu.dma_semaphore, #tpu.memory_space<semaphore_mem>> -> memref<1x!tpu.dma_semaphore, #tpu.memory_space<semaphore_mem>>
        %dma_wait3A_602 = tpu.memref_squeeze %dma_wait3A_601 : memref<1x!tpu.dma_semaphore, #tpu.memory_space<semaphore_mem>> -> memref<!tpu.dma_semaphore, #tpu.memory_space<semaphore_mem>>
        %dma_wait3A_603 = arith.constant 0 : i32
        %dma_wait3A_604 = arith.constant 0 : i32
        %dma_wait3A_605 = tpu.memref_slice %arg6[%dma_wait3A_592, %dma_wait3A_603, %dma_wait3A_604] : memref<8x40x128xf32, #tpu.memory_space<vmem>> -> memref<1x40x128xf32, #tpu.memory_space<vmem>>
        %dma_wait3A_606 = tpu.memref_squeeze %dma_wait3A_605 : memref<1x40x128xf32, #tpu.memory_space<vmem>> -> memref<40x128xf32, #tpu.memory_space<vmem>>
        %dma_wait3A_607 = arith.constant 0 : i32
        %dma_wait3A_608 = arith.constant 0 : i32
        %dma_wait3A_609 = tpu.memref_slice %arg3[%dma_wait3A_607, %dma_wait3A_608] : memref<320000x128xf32, #tpu.memory_space<hbm>> -> memref<40x128xf32, #tpu.memory_space<hbm>>
        tpu.wait_dma2 semaphore(%dma_wait3A_602 : memref<!tpu.dma_semaphore, #tpu.memory_space<semaphore_mem>>) src(%dma_wait3A_609 : memref<40x128xf32, #tpu.memory_space<hbm>>) dst(%dma_wait3A_606 : memref<40x128xf32, #tpu.memory_space<vmem>>)
        %dma_start3A_610 = arith.constant 4 : i32
        %dma_start3A_611 = arith.constant 4 : i32
        %dma_start3A_612 = arith.constant 4 : i32
        %dma_start3A_613 = arith.constant 0 : i32
        %dma_start3A_614 = arith.constant 0 : i32
        %dma_start3A_615 = tpu.memref_slice %arg6[%dma_start3A_610, %dma_start3A_613, %dma_start3A_614] : memref<8x40x128xf32, #tpu.memory_space<vmem>> -> memref<1x40x128xf32, #tpu.memory_space<vmem>>
        %dma_start3A_616 = tpu.memref_squeeze %dma_start3A_615 : memref<1x40x128xf32, #tpu.memory_space<vmem>> -> memref<40x128xf32, #tpu.memory_space<vmem>>
        %dma_start3A_617 = arith.constant 0 : i32
        %dma_start3A_618 = tpu.memref_slice %arg5[%dma_start3A_611, %dma_start3A_617] : memref<8x40xi32, #tpu.memory_space<vmem>> -> memref<1x40xi32, #tpu.memory_space<vmem>>
        %dma_start3A_619 = tpu.memref_squeeze %dma_start3A_618 : memref<1x40xi32, #tpu.memory_space<vmem>> -> memref<40xi32, #tpu.memory_space<vmem>>
        %dma_start3A_620 = arith.constant 0 : i32
        %dma_start3A_621 = arith.constant 0 : i32
        %dma_start3A_622 = tpu.memref_slice %arg9[%dma_start3A_620, %dma_start3A_621] : memref<10000x128xf32, #tpu.memory_space<vmem_shared>> -> memref<10000x128xf32, #tpu.memory_space<vmem_shared>>
        %dma_start3A_623 = tpu.memref_slice %arg11[%dma_start3A_612] : memref<8x!tpu.dma_semaphore, #tpu.memory_space<semaphore_mem>> -> memref<1x!tpu.dma_semaphore, #tpu.memory_space<semaphore_mem>>
        %dma_start3A_624 = tpu.memref_squeeze %dma_start3A_623 : memref<1x!tpu.dma_semaphore, #tpu.memory_space<semaphore_mem>> -> memref<!tpu.dma_semaphore, #tpu.memory_space<semaphore_mem>>
        tpu.enqueue_indirect_dma source(%dma_start3A_616 : memref<40x128xf32, #tpu.memory_space<vmem>>) target(%dma_start3A_622 : memref<10000x128xf32, #tpu.memory_space<vmem_shared>>) offsets(%dma_start3A_619 : memref<40xi32, #tpu.memory_space<vmem>>) semaphore(%dma_start3A_624 : memref<!tpu.dma_semaphore, #tpu.memory_space<semaphore_mem>>) {add = true}
      } else {
      }
      %mul3A_392 = arith.constant 8 : i32
      %mul3A_393 = arith.muli %scan3A_349, %mul3A_392 : i32
      %add3A_394 = arith.constant 5 : i32
      %add3A_395 = arith.addi %mul3A_393, %add3A_394 : i32
      %lt3A_396 = arith.constant 250 : i32
      %lt3A_397 = arith.cmpi slt, %add3A_395, %lt3A_396 : i32
      %convert_element_type3A_398 = arith.extui %lt3A_397 : i1 to i32
      %cond3A_399 = arith.constant 0 : i32
      %cond3A_400 = arith.cmpi ne, %convert_element_type3A_398, %cond3A_399 : i32
      scf.if %cond3A_400 {
        %dma_wait3A = arith.constant 5 : i32
        %dma_wait3A_579 = arith.constant 5 : i32
        %dma_wait3A_580 = arith.constant 0 : i32
        %dma_wait3A_581 = tpu.memref_slice %arg5[%dma_wait3A, %dma_wait3A_580] : memref<8x40xi32, #tpu.memory_space<vmem>> -> memref<1x40xi32, #tpu.memory_space<vmem>>
        %dma_wait3A_582 = tpu.memref_squeeze %dma_wait3A_581 : memref<1x40xi32, #tpu.memory_space<vmem>> -> memref<40xi32, #tpu.memory_space<vmem>>
        %dma_wait3A_583 = arith.constant 0 : i32
        %dma_wait3A_584 = tpu.memref_slice %arg2[%dma_wait3A_583] : memref<640000xi32, #tpu.memory_space<hbm>> -> memref<40xi32, #tpu.memory_space<hbm>>
        %dma_wait3A_585 = tpu.memref_slice %arg10[%dma_wait3A_579] : memref<8x!tpu.dma_semaphore, #tpu.memory_space<semaphore_mem>> -> memref<1x!tpu.dma_semaphore, #tpu.memory_space<semaphore_mem>>
        %dma_wait3A_586 = tpu.memref_squeeze %dma_wait3A_585 : memref<1x!tpu.dma_semaphore, #tpu.memory_space<semaphore_mem>> -> memref<!tpu.dma_semaphore, #tpu.memory_space<semaphore_mem>>
        %dma_wait3A_587 = arith.constant 0 : i32
        %dma_wait3A_588 = tpu.memref_slice %arg5[%dma_wait3A, %dma_wait3A_587] : memref<8x40xi32, #tpu.memory_space<vmem>> -> memref<1x40xi32, #tpu.memory_space<vmem>>
        %dma_wait3A_589 = tpu.memref_squeeze %dma_wait3A_588 : memref<1x40xi32, #tpu.memory_space<vmem>> -> memref<40xi32, #tpu.memory_space<vmem>>
        %dma_wait3A_590 = arith.constant 0 : i32
        %dma_wait3A_591 = tpu.memref_slice %arg2[%dma_wait3A_590] : memref<640000xi32, #tpu.memory_space<hbm>> -> memref<40xi32, #tpu.memory_space<hbm>>
        tpu.wait_dma2 semaphore(%dma_wait3A_586 : memref<!tpu.dma_semaphore, #tpu.memory_space<semaphore_mem>>) src(%dma_wait3A_591 : memref<40xi32, #tpu.memory_space<hbm>>) dst(%dma_wait3A_589 : memref<40xi32, #tpu.memory_space<vmem>>)
        %dma_wait3A_592 = arith.constant 5 : i32
        %dma_wait3A_593 = arith.constant 5 : i32
        %dma_wait3A_594 = arith.constant 0 : i32
        %dma_wait3A_595 = arith.constant 0 : i32
        %dma_wait3A_596 = tpu.memref_slice %arg6[%dma_wait3A_592, %dma_wait3A_594, %dma_wait3A_595] : memref<8x40x128xf32, #tpu.memory_space<vmem>> -> memref<1x40x128xf32, #tpu.memory_space<vmem>>
        %dma_wait3A_597 = tpu.memref_squeeze %dma_wait3A_596 : memref<1x40x128xf32, #tpu.memory_space<vmem>> -> memref<40x128xf32, #tpu.memory_space<vmem>>
        %dma_wait3A_598 = arith.constant 0 : i32
        %dma_wait3A_599 = arith.constant 0 : i32
        %dma_wait3A_600 = tpu.memref_slice %arg3[%dma_wait3A_598, %dma_wait3A_599] : memref<320000x128xf32, #tpu.memory_space<hbm>> -> memref<40x128xf32, #tpu.memory_space<hbm>>
        %dma_wait3A_601 = tpu.memref_slice %arg10[%dma_wait3A_593] : memref<8x!tpu.dma_semaphore, #tpu.memory_space<semaphore_mem>> -> memref<1x!tpu.dma_semaphore, #tpu.memory_space<semaphore_mem>>
        %dma_wait3A_602 = tpu.memref_squeeze %dma_wait3A_601 : memref<1x!tpu.dma_semaphore, #tpu.memory_space<semaphore_mem>> -> memref<!tpu.dma_semaphore, #tpu.memory_space<semaphore_mem>>
        %dma_wait3A_603 = arith.constant 0 : i32
        %dma_wait3A_604 = arith.constant 0 : i32
        %dma_wait3A_605 = tpu.memref_slice %arg6[%dma_wait3A_592, %dma_wait3A_603, %dma_wait3A_604] : memref<8x40x128xf32, #tpu.memory_space<vmem>> -> memref<1x40x128xf32, #tpu.memory_space<vmem>>
        %dma_wait3A_606 = tpu.memref_squeeze %dma_wait3A_605 : memref<1x40x128xf32, #tpu.memory_space<vmem>> -> memref<40x128xf32, #tpu.memory_space<vmem>>
        %dma_wait3A_607 = arith.constant 0 : i32
        %dma_wait3A_608 = arith.constant 0 : i32
        %dma_wait3A_609 = tpu.memref_slice %arg3[%dma_wait3A_607, %dma_wait3A_608] : memref<320000x128xf32, #tpu.memory_space<hbm>> -> memref<40x128xf32, #tpu.memory_space<hbm>>
        tpu.wait_dma2 semaphore(%dma_wait3A_602 : memref<!tpu.dma_semaphore, #tpu.memory_space<semaphore_mem>>) src(%dma_wait3A_609 : memref<40x128xf32, #tpu.memory_space<hbm>>) dst(%dma_wait3A_606 : memref<40x128xf32, #tpu.memory_space<vmem>>)
        %dma_start3A_610 = arith.constant 5 : i32
        %dma_start3A_611 = arith.constant 5 : i32
        %dma_start3A_612 = arith.constant 5 : i32
        %dma_start3A_613 = arith.constant 0 : i32
        %dma_start3A_614 = arith.constant 0 : i32
        %dma_start3A_615 = tpu.memref_slice %arg6[%dma_start3A_610, %dma_start3A_613, %dma_start3A_614] : memref<8x40x128xf32, #tpu.memory_space<vmem>> -> memref<1x40x128xf32, #tpu.memory_space<vmem>>
        %dma_start3A_616 = tpu.memref_squeeze %dma_start3A_615 : memref<1x40x128xf32, #tpu.memory_space<vmem>> -> memref<40x128xf32, #tpu.memory_space<vmem>>
        %dma_start3A_617 = arith.constant 0 : i32
        %dma_start3A_618 = tpu.memref_slice %arg5[%dma_start3A_611, %dma_start3A_617] : memref<8x40xi32, #tpu.memory_space<vmem>> -> memref<1x40xi32, #tpu.memory_space<vmem>>
        %dma_start3A_619 = tpu.memref_squeeze %dma_start3A_618 : memref<1x40xi32, #tpu.memory_space<vmem>> -> memref<40xi32, #tpu.memory_space<vmem>>
        %dma_start3A_620 = arith.constant 0 : i32
        %dma_start3A_621 = arith.constant 0 : i32
        %dma_start3A_622 = tpu.memref_slice %arg9[%dma_start3A_620, %dma_start3A_621] : memref<10000x128xf32, #tpu.memory_space<vmem_shared>> -> memref<10000x128xf32, #tpu.memory_space<vmem_shared>>
        %dma_start3A_623 = tpu.memref_slice %arg11[%dma_start3A_612] : memref<8x!tpu.dma_semaphore, #tpu.memory_space<semaphore_mem>> -> memref<1x!tpu.dma_semaphore, #tpu.memory_space<semaphore_mem>>
        %dma_start3A_624 = tpu.memref_squeeze %dma_start3A_623 : memref<1x!tpu.dma_semaphore, #tpu.memory_space<semaphore_mem>> -> memref<!tpu.dma_semaphore, #tpu.memory_space<semaphore_mem>>
        tpu.enqueue_indirect_dma source(%dma_start3A_616 : memref<40x128xf32, #tpu.memory_space<vmem>>) target(%dma_start3A_622 : memref<10000x128xf32, #tpu.memory_space<vmem_shared>>) offsets(%dma_start3A_619 : memref<40xi32, #tpu.memory_space<vmem>>) semaphore(%dma_start3A_624 : memref<!tpu.dma_semaphore, #tpu.memory_space<semaphore_mem>>) {add = true}
      } else {
      }
      %mul3A_401 = arith.constant 8 : i32
      %mul3A_402 = arith.muli %scan3A_349, %mul3A_401 : i32
      %add3A_403 = arith.constant 6 : i32
      %add3A_404 = arith.addi %mul3A_402, %add3A_403 : i32
      %lt3A_405 = arith.constant 250 : i32
      %lt3A_406 = arith.cmpi slt, %add3A_404, %lt3A_405 : i32
      %convert_element_type3A_407 = arith.extui %lt3A_406 : i1 to i32
      %cond3A_408 = arith.constant 0 : i32
      %cond3A_409 = arith.cmpi ne, %convert_element_type3A_407, %cond3A_408 : i32
      scf.if %cond3A_409 {
        %dma_wait3A = arith.constant 6 : i32
        %dma_wait3A_579 = arith.constant 6 : i32
        %dma_wait3A_580 = arith.constant 0 : i32
        %dma_wait3A_581 = tpu.memref_slice %arg5[%dma_wait3A, %dma_wait3A_580] : memref<8x40xi32, #tpu.memory_space<vmem>> -> memref<1x40xi32, #tpu.memory_space<vmem>>
        %dma_wait3A_582 = tpu.memref_squeeze %dma_wait3A_581 : memref<1x40xi32, #tpu.memory_space<vmem>> -> memref<40xi32, #tpu.memory_space<vmem>>
        %dma_wait3A_583 = arith.constant 0 : i32
        %dma_wait3A_584 = tpu.memref_slice %arg2[%dma_wait3A_583] : memref<640000xi32, #tpu.memory_space<hbm>> -> memref<40xi32, #tpu.memory_space<hbm>>
        %dma_wait3A_585 = tpu.memref_slice %arg10[%dma_wait3A_579] : memref<8x!tpu.dma_semaphore, #tpu.memory_space<semaphore_mem>> -> memref<1x!tpu.dma_semaphore, #tpu.memory_space<semaphore_mem>>
        %dma_wait3A_586 = tpu.memref_squeeze %dma_wait3A_585 : memref<1x!tpu.dma_semaphore, #tpu.memory_space<semaphore_mem>> -> memref<!tpu.dma_semaphore, #tpu.memory_space<semaphore_mem>>
        %dma_wait3A_587 = arith.constant 0 : i32
        %dma_wait3A_588 = tpu.memref_slice %arg5[%dma_wait3A, %dma_wait3A_587] : memref<8x40xi32, #tpu.memory_space<vmem>> -> memref<1x40xi32, #tpu.memory_space<vmem>>
        %dma_wait3A_589 = tpu.memref_squeeze %dma_wait3A_588 : memref<1x40xi32, #tpu.memory_space<vmem>> -> memref<40xi32, #tpu.memory_space<vmem>>
        %dma_wait3A_590 = arith.constant 0 : i32
        %dma_wait3A_591 = tpu.memref_slice %arg2[%dma_wait3A_590] : memref<640000xi32, #tpu.memory_space<hbm>> -> memref<40xi32, #tpu.memory_space<hbm>>
        tpu.wait_dma2 semaphore(%dma_wait3A_586 : memref<!tpu.dma_semaphore, #tpu.memory_space<semaphore_mem>>) src(%dma_wait3A_591 : memref<40xi32, #tpu.memory_space<hbm>>) dst(%dma_wait3A_589 : memref<40xi32, #tpu.memory_space<vmem>>)
        %dma_wait3A_592 = arith.constant 6 : i32
        %dma_wait3A_593 = arith.constant 6 : i32
        %dma_wait3A_594 = arith.constant 0 : i32
        %dma_wait3A_595 = arith.constant 0 : i32
        %dma_wait3A_596 = tpu.memref_slice %arg6[%dma_wait3A_592, %dma_wait3A_594, %dma_wait3A_595] : memref<8x40x128xf32, #tpu.memory_space<vmem>> -> memref<1x40x128xf32, #tpu.memory_space<vmem>>
        %dma_wait3A_597 = tpu.memref_squeeze %dma_wait3A_596 : memref<1x40x128xf32, #tpu.memory_space<vmem>> -> memref<40x128xf32, #tpu.memory_space<vmem>>
        %dma_wait3A_598 = arith.constant 0 : i32
        %dma_wait3A_599 = arith.constant 0 : i32
        %dma_wait3A_600 = tpu.memref_slice %arg3[%dma_wait3A_598, %dma_wait3A_599] : memref<320000x128xf32, #tpu.memory_space<hbm>> -> memref<40x128xf32, #tpu.memory_space<hbm>>
        %dma_wait3A_601 = tpu.memref_slice %arg10[%dma_wait3A_593] : memref<8x!tpu.dma_semaphore, #tpu.memory_space<semaphore_mem>> -> memref<1x!tpu.dma_semaphore, #tpu.memory_space<semaphore_mem>>
        %dma_wait3A_602 = tpu.memref_squeeze %dma_wait3A_601 : memref<1x!tpu.dma_semaphore, #tpu.memory_space<semaphore_mem>> -> memref<!tpu.dma_semaphore, #tpu.memory_space<semaphore_mem>>
        %dma_wait3A_603 = arith.constant 0 : i32
        %dma_wait3A_604 = arith.constant 0 : i32
        %dma_wait3A_605 = tpu.memref_slice %arg6[%dma_wait3A_592, %dma_wait3A_603, %dma_wait3A_604] : memref<8x40x128xf32, #tpu.memory_space<vmem>> -> memref<1x40x128xf32, #tpu.memory_space<vmem>>
        %dma_wait3A_606 = tpu.memref_squeeze %dma_wait3A_605 : memref<1x40x128xf32, #tpu.memory_space<vmem>> -> memref<40x128xf32, #tpu.memory_space<vmem>>
        %dma_wait3A_607 = arith.constant 0 : i32
        %dma_wait3A_608 = arith.constant 0 : i32
        %dma_wait3A_609 = tpu.memref_slice %arg3[%dma_wait3A_607, %dma_wait3A_608] : memref<320000x128xf32, #tpu.memory_space<hbm>> -> memref<40x128xf32, #tpu.memory_space<hbm>>
        tpu.wait_dma2 semaphore(%dma_wait3A_602 : memref<!tpu.dma_semaphore, #tpu.memory_space<semaphore_mem>>) src(%dma_wait3A_609 : memref<40x128xf32, #tpu.memory_space<hbm>>) dst(%dma_wait3A_606 : memref<40x128xf32, #tpu.memory_space<vmem>>)
        %dma_start3A_610 = arith.constant 6 : i32
        %dma_start3A_611 = arith.constant 6 : i32
        %dma_start3A_612 = arith.constant 6 : i32
        %dma_start3A_613 = arith.constant 0 : i32
        %dma_start3A_614 = arith.constant 0 : i32
        %dma_start3A_615 = tpu.memref_slice %arg6[%dma_start3A_610, %dma_start3A_613, %dma_start3A_614] : memref<8x40x128xf32, #tpu.memory_space<vmem>> -> memref<1x40x128xf32, #tpu.memory_space<vmem>>
        %dma_start3A_616 = tpu.memref_squeeze %dma_start3A_615 : memref<1x40x128xf32, #tpu.memory_space<vmem>> -> memref<40x128xf32, #tpu.memory_space<vmem>>
        %dma_start3A_617 = arith.constant 0 : i32
        %dma_start3A_618 = tpu.memref_slice %arg5[%dma_start3A_611, %dma_start3A_617] : memref<8x40xi32, #tpu.memory_space<vmem>> -> memref<1x40xi32, #tpu.memory_space<vmem>>
        %dma_start3A_619 = tpu.memref_squeeze %dma_start3A_618 : memref<1x40xi32, #tpu.memory_space<vmem>> -> memref<40xi32, #tpu.memory_space<vmem>>
        %dma_start3A_620 = arith.constant 0 : i32
        %dma_start3A_621 = arith.constant 0 : i32
        %dma_start3A_622 = tpu.memref_slice %arg9[%dma_start3A_620, %dma_start3A_621] : memref<10000x128xf32, #tpu.memory_space<vmem_shared>> -> memref<10000x128xf32, #tpu.memory_space<vmem_shared>>
        %dma_start3A_623 = tpu.memref_slice %arg11[%dma_start3A_612] : memref<8x!tpu.dma_semaphore, #tpu.memory_space<semaphore_mem>> -> memref<1x!tpu.dma_semaphore, #tpu.memory_space<semaphore_mem>>
        %dma_start3A_624 = tpu.memref_squeeze %dma_start3A_623 : memref<1x!tpu.dma_semaphore, #tpu.memory_space<semaphore_mem>> -> memref<!tpu.dma_semaphore, #tpu.memory_space<semaphore_mem>>
        tpu.enqueue_indirect_dma source(%dma_start3A_616 : memref<40x128xf32, #tpu.memory_space<vmem>>) target(%dma_start3A_622 : memref<10000x128xf32, #tpu.memory_space<vmem_shared>>) offsets(%dma_start3A_619 : memref<40xi32, #tpu.memory_space<vmem>>) semaphore(%dma_start3A_624 : memref<!tpu.dma_semaphore, #tpu.memory_space<semaphore_mem>>) {add = true}
      } else {
      }
      %mul3A_410 = arith.constant 8 : i32
      %mul3A_411 = arith.muli %scan3A_349, %mul3A_410 : i32
      %add3A_412 = arith.constant 7 : i32
      %add3A_413 = arith.addi %mul3A_411, %add3A_412 : i32
      %lt3A_414 = arith.constant 250 : i32
      %lt3A_415 = arith.cmpi slt, %add3A_413, %lt3A_414 : i32
      %convert_element_type3A_416 = arith.extui %lt3A_415 : i1 to i32
      %cond3A_417 = arith.constant 0 : i32
      %cond3A_418 = arith.cmpi ne, %convert_element_type3A_416, %cond3A_417 : i32
      scf.if %cond3A_418 {
        %dma_wait3A = arith.constant 7 : i32
        %dma_wait3A_579 = arith.constant 7 : i32
        %dma_wait3A_580 = arith.constant 0 : i32
        %dma_wait3A_581 = tpu.memref_slice %arg5[%dma_wait3A, %dma_wait3A_580] : memref<8x40xi32, #tpu.memory_space<vmem>> -> memref<1x40xi32, #tpu.memory_space<vmem>>
        %dma_wait3A_582 = tpu.memref_squeeze %dma_wait3A_581 : memref<1x40xi32, #tpu.memory_space<vmem>> -> memref<40xi32, #tpu.memory_space<vmem>>
        %dma_wait3A_583 = arith.constant 0 : i32
        %dma_wait3A_584 = tpu.memref_slice %arg2[%dma_wait3A_583] : memref<640000xi32, #tpu.memory_space<hbm>> -> memref<40xi32, #tpu.memory_space<hbm>>
        %dma_wait3A_585 = tpu.memref_slice %arg10[%dma_wait3A_579] : memref<8x!tpu.dma_semaphore, #tpu.memory_space<semaphore_mem>> -> memref<1x!tpu.dma_semaphore, #tpu.memory_space<semaphore_mem>>
        %dma_wait3A_586 = tpu.memref_squeeze %dma_wait3A_585 : memref<1x!tpu.dma_semaphore, #tpu.memory_space<semaphore_mem>> -> memref<!tpu.dma_semaphore, #tpu.memory_space<semaphore_mem>>
        %dma_wait3A_587 = arith.constant 0 : i32
        %dma_wait3A_588 = tpu.memref_slice %arg5[%dma_wait3A, %dma_wait3A_587] : memref<8x40xi32, #tpu.memory_space<vmem>> -> memref<1x40xi32, #tpu.memory_space<vmem>>
        %dma_wait3A_589 = tpu.memref_squeeze %dma_wait3A_588 : memref<1x40xi32, #tpu.memory_space<vmem>> -> memref<40xi32, #tpu.memory_space<vmem>>
        %dma_wait3A_590 = arith.constant 0 : i32
        %dma_wait3A_591 = tpu.memref_slice %arg2[%dma_wait3A_590] : memref<640000xi32, #tpu.memory_space<hbm>> -> memref<40xi32, #tpu.memory_space<hbm>>
        tpu.wait_dma2 semaphore(%dma_wait3A_586 : memref<!tpu.dma_semaphore, #tpu.memory_space<semaphore_mem>>) src(%dma_wait3A_591 : memref<40xi32, #tpu.memory_space<hbm>>) dst(%dma_wait3A_589 : memref<40xi32, #tpu.memory_space<vmem>>)
        %dma_wait3A_592 = arith.constant 7 : i32
        %dma_wait3A_593 = arith.constant 7 : i32
        %dma_wait3A_594 = arith.constant 0 : i32
        %dma_wait3A_595 = arith.constant 0 : i32
        %dma_wait3A_596 = tpu.memref_slice %arg6[%dma_wait3A_592, %dma_wait3A_594, %dma_wait3A_595] : memref<8x40x128xf32, #tpu.memory_space<vmem>> -> memref<1x40x128xf32, #tpu.memory_space<vmem>>
        %dma_wait3A_597 = tpu.memref_squeeze %dma_wait3A_596 : memref<1x40x128xf32, #tpu.memory_space<vmem>> -> memref<40x128xf32, #tpu.memory_space<vmem>>
        %dma_wait3A_598 = arith.constant 0 : i32
        %dma_wait3A_599 = arith.constant 0 : i32
        %dma_wait3A_600 = tpu.memref_slice %arg3[%dma_wait3A_598, %dma_wait3A_599] : memref<320000x128xf32, #tpu.memory_space<hbm>> -> memref<40x128xf32, #tpu.memory_space<hbm>>
        %dma_wait3A_601 = tpu.memref_slice %arg10[%dma_wait3A_593] : memref<8x!tpu.dma_semaphore, #tpu.memory_space<semaphore_mem>> -> memref<1x!tpu.dma_semaphore, #tpu.memory_space<semaphore_mem>>
        %dma_wait3A_602 = tpu.memref_squeeze %dma_wait3A_601 : memref<1x!tpu.dma_semaphore, #tpu.memory_space<semaphore_mem>> -> memref<!tpu.dma_semaphore, #tpu.memory_space<semaphore_mem>>
        %dma_wait3A_603 = arith.constant 0 : i32
        %dma_wait3A_604 = arith.constant 0 : i32
        %dma_wait3A_605 = tpu.memref_slice %arg6[%dma_wait3A_592, %dma_wait3A_603, %dma_wait3A_604] : memref<8x40x128xf32, #tpu.memory_space<vmem>> -> memref<1x40x128xf32, #tpu.memory_space<vmem>>
        %dma_wait3A_606 = tpu.memref_squeeze %dma_wait3A_605 : memref<1x40x128xf32, #tpu.memory_space<vmem>> -> memref<40x128xf32, #tpu.memory_space<vmem>>
        %dma_wait3A_607 = arith.constant 0 : i32
        %dma_wait3A_608 = arith.constant 0 : i32
        %dma_wait3A_609 = tpu.memref_slice %arg3[%dma_wait3A_607, %dma_wait3A_608] : memref<320000x128xf32, #tpu.memory_space<hbm>> -> memref<40x128xf32, #tpu.memory_space<hbm>>
        tpu.wait_dma2 semaphore(%dma_wait3A_602 : memref<!tpu.dma_semaphore, #tpu.memory_space<semaphore_mem>>) src(%dma_wait3A_609 : memref<40x128xf32, #tpu.memory_space<hbm>>) dst(%dma_wait3A_606 : memref<40x128xf32, #tpu.memory_space<vmem>>)
        %dma_start3A_610 = arith.constant 7 : i32
        %dma_start3A_611 = arith.constant 7 : i32
        %dma_start3A_612 = arith.constant 7 : i32
        %dma_start3A_613 = arith.constant 0 : i32
        %dma_start3A_614 = arith.constant 0 : i32
        %dma_start3A_615 = tpu.memref_slice %arg6[%dma_start3A_610, %dma_start3A_613, %dma_start3A_614] : memref<8x40x128xf32, #tpu.memory_space<vmem>> -> memref<1x40x128xf32, #tpu.memory_space<vmem>>
        %dma_start3A_616 = tpu.memref_squeeze %dma_start3A_615 : memref<1x40x128xf32, #tpu.memory_space<vmem>> -> memref<40x128xf32, #tpu.memory_space<vmem>>
        %dma_start3A_617 = arith.constant 0 : i32
        %dma_start3A_618 = tpu.memref_slice %arg5[%dma_start3A_611, %dma_start3A_617] : memref<8x40xi32, #tpu.memory_space<vmem>> -> memref<1x40xi32, #tpu.memory_space<vmem>>
        %dma_start3A_619 = tpu.memref_squeeze %dma_start3A_618 : memref<1x40xi32, #tpu.memory_space<vmem>> -> memref<40xi32, #tpu.memory_space<vmem>>
        %dma_start3A_620 = arith.constant 0 : i32
        %dma_start3A_621 = arith.constant 0 : i32
        %dma_start3A_622 = tpu.memref_slice %arg9[%dma_start3A_620, %dma_start3A_621] : memref<10000x128xf32, #tpu.memory_space<vmem_shared>> -> memref<10000x128xf32, #tpu.memory_space<vmem_shared>>
        %dma_start3A_623 = tpu.memref_slice %arg11[%dma_start3A_612] : memref<8x!tpu.dma_semaphore, #tpu.memory_space<semaphore_mem>> -> memref<1x!tpu.dma_semaphore, #tpu.memory_space<semaphore_mem>>
        %dma_start3A_624 = tpu.memref_squeeze %dma_start3A_623 : memref<1x!tpu.dma_semaphore, #tpu.memory_space<semaphore_mem>> -> memref<!tpu.dma_semaphore, #tpu.memory_space<semaphore_mem>>
        tpu.enqueue_indirect_dma source(%dma_start3A_616 : memref<40x128xf32, #tpu.memory_space<vmem>>) target(%dma_start3A_622 : memref<10000x128xf32, #tpu.memory_space<vmem_shared>>) offsets(%dma_start3A_619 : memref<40xi32, #tpu.memory_space<vmem>>) semaphore(%dma_start3A_624 : memref<!tpu.dma_semaphore, #tpu.memory_space<semaphore_mem>>) {add = true}
      } else {
      }
      %mul3A_419 = arith.constant 8 : i32
      %mul3A_420 = arith.muli %scan3A_349, %mul3A_419 : i32
      %add3A_421 = arith.constant 0 : i32
      %add3A_422 = arith.addi %mul3A_420, %add3A_421 : i32
      %add3A_423 = arith.constant 1 : i32
      %add3A_424 = arith.addi %scan3A_349, %add3A_423 : i32
      %mul3A_425 = arith.constant 8 : i32
      %mul3A_426 = arith.muli %add3A_424, %mul3A_425 : i32
      %add3A_427 = arith.constant 0 : i32
      %add3A_428 = arith.addi %mul3A_426, %add3A_427 : i32
      %lt3A_429 = arith.constant 250 : i32
      %lt3A_430 = arith.cmpi slt, %add3A_422, %lt3A_429 : i32
      %convert_element_type3A_431 = arith.extui %lt3A_430 : i1 to i32
      %cond3A_432 = arith.constant 0 : i32
      %cond3A_433 = arith.cmpi ne, %convert_element_type3A_431, %cond3A_432 : i32
      scf.if %cond3A_433 {
        %dma_wait3A = arith.constant 0 : i32
        %dma_wait3A_579 = arith.constant 0 : i32
        %dma_wait3A_580 = arith.constant 0 : i32
        %dma_wait3A_581 = arith.constant 0 : i32
        %dma_wait3A_582 = arith.constant 0 : i32
        %dma_wait3A_583 = tpu.memref_slice %arg6[%dma_wait3A, %dma_wait3A_581, %dma_wait3A_582] : memref<8x40x128xf32, #tpu.memory_space<vmem>> -> memref<1x40x128xf32, #tpu.memory_space<vmem>>
        %dma_wait3A_584 = tpu.memref_squeeze %dma_wait3A_583 : memref<1x40x128xf32, #tpu.memory_space<vmem>> -> memref<40x128xf32, #tpu.memory_space<vmem>>
        %dma_wait3A_585 = arith.constant 0 : i32
        %dma_wait3A_586 = tpu.memref_slice %arg5[%dma_wait3A_579, %dma_wait3A_585] : memref<8x40xi32, #tpu.memory_space<vmem>> -> memref<1x40xi32, #tpu.memory_space<vmem>>
        %dma_wait3A_587 = tpu.memref_squeeze %dma_wait3A_586 : memref<1x40xi32, #tpu.memory_space<vmem>> -> memref<40xi32, #tpu.memory_space<vmem>>
        %dma_wait3A_588 = arith.constant 0 : i32
        %dma_wait3A_589 = arith.constant 0 : i32
        %dma_wait3A_590 = tpu.memref_slice %arg9[%dma_wait3A_588, %dma_wait3A_589] : memref<10000x128xf32, #tpu.memory_space<vmem_shared>> -> memref<10000x128xf32, #tpu.memory_space<vmem_shared>>
        %dma_wait3A_591 = tpu.memref_slice %arg11[%dma_wait3A_580] : memref<8x!tpu.dma_semaphore, #tpu.memory_space<semaphore_mem>> -> memref<1x!tpu.dma_semaphore, #tpu.memory_space<semaphore_mem>>
        %dma_wait3A_592 = tpu.memref_squeeze %dma_wait3A_591 : memref<1x!tpu.dma_semaphore, #tpu.memory_space<semaphore_mem>> -> memref<!tpu.dma_semaphore, #tpu.memory_space<semaphore_mem>>
        tpu.wait_indirect_dma semaphore(%dma_wait3A_592 : memref<!tpu.dma_semaphore, #tpu.memory_space<semaphore_mem>>) src(%dma_wait3A_584 : memref<40x128xf32, #tpu.memory_space<vmem>>) dst(%dma_wait3A_590 : memref<10000x128xf32, #tpu.memory_space<vmem_shared>>)
      } else {
      }
      %lt3A_434 = arith.constant 250 : i32
      %lt3A_435 = arith.cmpi slt, %add3A_428, %lt3A_434 : i32
      %convert_element_type3A_436 = arith.extui %lt3A_435 : i1 to i32
      %cond3A_437 = arith.constant 0 : i32
      %cond3A_438 = arith.cmpi ne, %convert_element_type3A_436, %cond3A_437 : i32
      scf.if %cond3A_438 {
        %mul3A_579 = arith.constant 40 : i32
        %mul3A_580 = arith.muli %add3A_428, %mul3A_579 : i32
        %add3A_581 = arith.addi %add3A_4, %mul3A_580 : i32
        %multiple_of3A_582 = tpu.assume_multiple %add3A_581, 8 : i32
        %mul3A_583 = arith.constant 40 : i32
        %mul3A_584 = arith.muli %add3A_428, %mul3A_583 : i32
        %add3A_585 = arith.addi %mul3A_2, %mul3A_584 : i32
        %multiple_of3A_586 = tpu.assume_multiple %add3A_585, 8 : i32
        %dma_start3A_587 = arith.constant 0 : i32
        %dma_start3A_588 = arith.constant 0 : i32
        %dma_start3A_589 = arith.constant 0 : i32
        %dma_start3A_590 = tpu.memref_slice %arg5[%dma_start3A_587, %dma_start3A_589] : memref<8x40xi32, #tpu.memory_space<vmem>> -> memref<1x40xi32, #tpu.memory_space<vmem>>
        %dma_start3A_591 = tpu.memref_squeeze %dma_start3A_590 : memref<1x40xi32, #tpu.memory_space<vmem>> -> memref<40xi32, #tpu.memory_space<vmem>>
        %dma_start3A_592 = tpu.memref_slice %arg2[%multiple_of3A_582] : memref<640000xi32, #tpu.memory_space<hbm>> -> memref<40xi32, #tpu.memory_space<hbm>>
        %dma_start3A_593 = tpu.memref_slice %arg10[%dma_start3A_588] : memref<8x!tpu.dma_semaphore, #tpu.memory_space<semaphore_mem>> -> memref<1x!tpu.dma_semaphore, #tpu.memory_space<semaphore_mem>>
        %dma_start3A_594 = tpu.memref_squeeze %dma_start3A_593 : memref<1x!tpu.dma_semaphore, #tpu.memory_space<semaphore_mem>> -> memref<!tpu.dma_semaphore, #tpu.memory_space<semaphore_mem>>
        %dma_start3A_595 = arith.constant 0 : i32
        %dma_start3A_596 = tpu.memref_slice %arg5[%dma_start3A_587, %dma_start3A_595] : memref<8x40xi32, #tpu.memory_space<vmem>> -> memref<1x40xi32, #tpu.memory_space<vmem>>
        %dma_start3A_597 = tpu.memref_squeeze %dma_start3A_596 : memref<1x40xi32, #tpu.memory_space<vmem>> -> memref<40xi32, #tpu.memory_space<vmem>>
        %dma_start3A_598 = tpu.memref_slice %arg2[%multiple_of3A_582] : memref<640000xi32, #tpu.memory_space<hbm>> -> memref<40xi32, #tpu.memory_space<hbm>>
        tpu.enqueue_dma source(%dma_start3A_598 : memref<40xi32, #tpu.memory_space<hbm>>) target(%dma_start3A_597 : memref<40xi32, #tpu.memory_space<vmem>>) target_semaphore(%dma_start3A_594 : memref<!tpu.dma_semaphore, #tpu.memory_space<semaphore_mem>>)
        %dma_start3A_599 = arith.constant 0 : i32
        %dma_start3A_600 = arith.constant 0 : i32
        %dma_start3A_601 = arith.constant 0 : i32
        %dma_start3A_602 = arith.constant 0 : i32
        %dma_start3A_603 = tpu.memref_slice %arg6[%dma_start3A_599, %dma_start3A_601, %dma_start3A_602] : memref<8x40x128xf32, #tpu.memory_space<vmem>> -> memref<1x40x128xf32, #tpu.memory_space<vmem>>
        %dma_start3A_604 = tpu.memref_squeeze %dma_start3A_603 : memref<1x40x128xf32, #tpu.memory_space<vmem>> -> memref<40x128xf32, #tpu.memory_space<vmem>>
        %dma_start3A_605 = arith.constant 0 : i32
        %dma_start3A_606 = tpu.memref_slice %arg3[%multiple_of3A_586, %dma_start3A_605] : memref<320000x128xf32, #tpu.memory_space<hbm>> -> memref<40x128xf32, #tpu.memory_space<hbm>>
        %dma_start3A_607 = tpu.memref_slice %arg10[%dma_start3A_600] : memref<8x!tpu.dma_semaphore, #tpu.memory_space<semaphore_mem>> -> memref<1x!tpu.dma_semaphore, #tpu.memory_space<semaphore_mem>>
        %dma_start3A_608 = tpu.memref_squeeze %dma_start3A_607 : memref<1x!tpu.dma_semaphore, #tpu.memory_space<semaphore_mem>> -> memref<!tpu.dma_semaphore, #tpu.memory_space<semaphore_mem>>
        %dma_start3A_609 = arith.constant 0 : i32
        %dma_start3A_610 = arith.constant 0 : i32
        %dma_start3A_611 = tpu.memref_slice %arg6[%dma_start3A_599, %dma_start3A_609, %dma_start3A_610] : memref<8x40x128xf32, #tpu.memory_space<vmem>> -> memref<1x40x128xf32, #tpu.memory_space<vmem>>
        %dma_start3A_612 = tpu.memref_squeeze %dma_start3A_611 : memref<1x40x128xf32, #tpu.memory_space<vmem>> -> memref<40x128xf32, #tpu.memory_space<vmem>>
        %dma_start3A_613 = arith.constant 0 : i32
        %dma_start3A_614 = tpu.memref_slice %arg3[%multiple_of3A_586, %dma_start3A_613] : memref<320000x128xf32, #tpu.memory_space<hbm>> -> memref<40x128xf32, #tpu.memory_space<hbm>>
        tpu.enqueue_dma source(%dma_start3A_614 : memref<40x128xf32, #tpu.memory_space<hbm>>) target(%dma_start3A_612 : memref<40x128xf32, #tpu.memory_space<vmem>>) target_semaphore(%dma_start3A_608 : memref<!tpu.dma_semaphore, #tpu.memory_space<semaphore_mem>>)
      } else {
      }
      %mul3A_439 = arith.constant 8 : i32
      %mul3A_440 = arith.muli %scan3A_349, %mul3A_439 : i32
      %add3A_441 = arith.constant 1 : i32
      %add3A_442 = arith.addi %mul3A_440, %add3A_441 : i32
      %add3A_443 = arith.constant 1 : i32
      %add3A_444 = arith.addi %scan3A_349, %add3A_443 : i32
      %mul3A_445 = arith.constant 8 : i32
      %mul3A_446 = arith.muli %add3A_444, %mul3A_445 : i32
      %add3A_447 = arith.constant 1 : i32
      %add3A_448 = arith.addi %mul3A_446, %add3A_447 : i32
      %lt3A_449 = arith.constant 250 : i32
      %lt3A_450 = arith.cmpi slt, %add3A_442, %lt3A_449 : i32
      %convert_element_type3A_451 = arith.extui %lt3A_450 : i1 to i32
      %cond3A_452 = arith.constant 0 : i32
      %cond3A_453 = arith.cmpi ne, %convert_element_type3A_451, %cond3A_452 : i32
      scf.if %cond3A_453 {
        %dma_wait3A = arith.constant 1 : i32
        %dma_wait3A_579 = arith.constant 1 : i32
        %dma_wait3A_580 = arith.constant 1 : i32
        %dma_wait3A_581 = arith.constant 0 : i32
        %dma_wait3A_582 = arith.constant 0 : i32
        %dma_wait3A_583 = tpu.memref_slice %arg6[%dma_wait3A, %dma_wait3A_581, %dma_wait3A_582] : memref<8x40x128xf32, #tpu.memory_space<vmem>> -> memref<1x40x128xf32, #tpu.memory_space<vmem>>
        %dma_wait3A_584 = tpu.memref_squeeze %dma_wait3A_583 : memref<1x40x128xf32, #tpu.memory_space<vmem>> -> memref<40x128xf32, #tpu.memory_space<vmem>>
        %dma_wait3A_585 = arith.constant 0 : i32
        %dma_wait3A_586 = tpu.memref_slice %arg5[%dma_wait3A_579, %dma_wait3A_585] : memref<8x40xi32, #tpu.memory_space<vmem>> -> memref<1x40xi32, #tpu.memory_space<vmem>>
        %dma_wait3A_587 = tpu.memref_squeeze %dma_wait3A_586 : memref<1x40xi32, #tpu.memory_space<vmem>> -> memref<40xi32, #tpu.memory_space<vmem>>
        %dma_wait3A_588 = arith.constant 0 : i32
        %dma_wait3A_589 = arith.constant 0 : i32
        %dma_wait3A_590 = tpu.memref_slice %arg9[%dma_wait3A_588, %dma_wait3A_589] : memref<10000x128xf32, #tpu.memory_space<vmem_shared>> -> memref<10000x128xf32, #tpu.memory_space<vmem_shared>>
        %dma_wait3A_591 = tpu.memref_slice %arg11[%dma_wait3A_580] : memref<8x!tpu.dma_semaphore, #tpu.memory_space<semaphore_mem>> -> memref<1x!tpu.dma_semaphore, #tpu.memory_space<semaphore_mem>>
        %dma_wait3A_592 = tpu.memref_squeeze %dma_wait3A_591 : memref<1x!tpu.dma_semaphore, #tpu.memory_space<semaphore_mem>> -> memref<!tpu.dma_semaphore, #tpu.memory_space<semaphore_mem>>
        tpu.wait_indirect_dma semaphore(%dma_wait3A_592 : memref<!tpu.dma_semaphore, #tpu.memory_space<semaphore_mem>>) src(%dma_wait3A_584 : memref<40x128xf32, #tpu.memory_space<vmem>>) dst(%dma_wait3A_590 : memref<10000x128xf32, #tpu.memory_space<vmem_shared>>)
      } else {
      }
      %lt3A_454 = arith.constant 250 : i32
      %lt3A_455 = arith.cmpi slt, %add3A_448, %lt3A_454 : i32
      %convert_element_type3A_456 = arith.extui %lt3A_455 : i1 to i32
      %cond3A_457 = arith.constant 0 : i32
      %cond3A_458 = arith.cmpi ne, %convert_element_type3A_456, %cond3A_457 : i32
      scf.if %cond3A_458 {
        %mul3A_579 = arith.constant 40 : i32
        %mul3A_580 = arith.muli %add3A_448, %mul3A_579 : i32
        %add3A_581 = arith.addi %add3A_4, %mul3A_580 : i32
        %multiple_of3A_582 = tpu.assume_multiple %add3A_581, 8 : i32
        %mul3A_583 = arith.constant 40 : i32
        %mul3A_584 = arith.muli %add3A_448, %mul3A_583 : i32
        %add3A_585 = arith.addi %mul3A_2, %mul3A_584 : i32
        %multiple_of3A_586 = tpu.assume_multiple %add3A_585, 8 : i32
        %dma_start3A_587 = arith.constant 1 : i32
        %dma_start3A_588 = arith.constant 1 : i32
        %dma_start3A_589 = arith.constant 0 : i32
        %dma_start3A_590 = tpu.memref_slice %arg5[%dma_start3A_587, %dma_start3A_589] : memref<8x40xi32, #tpu.memory_space<vmem>> -> memref<1x40xi32, #tpu.memory_space<vmem>>
        %dma_start3A_591 = tpu.memref_squeeze %dma_start3A_590 : memref<1x40xi32, #tpu.memory_space<vmem>> -> memref<40xi32, #tpu.memory_space<vmem>>
        %dma_start3A_592 = tpu.memref_slice %arg2[%multiple_of3A_582] : memref<640000xi32, #tpu.memory_space<hbm>> -> memref<40xi32, #tpu.memory_space<hbm>>
        %dma_start3A_593 = tpu.memref_slice %arg10[%dma_start3A_588] : memref<8x!tpu.dma_semaphore, #tpu.memory_space<semaphore_mem>> -> memref<1x!tpu.dma_semaphore, #tpu.memory_space<semaphore_mem>>
        %dma_start3A_594 = tpu.memref_squeeze %dma_start3A_593 : memref<1x!tpu.dma_semaphore, #tpu.memory_space<semaphore_mem>> -> memref<!tpu.dma_semaphore, #tpu.memory_space<semaphore_mem>>
        %dma_start3A_595 = arith.constant 0 : i32
        %dma_start3A_596 = tpu.memref_slice %arg5[%dma_start3A_587, %dma_start3A_595] : memref<8x40xi32, #tpu.memory_space<vmem>> -> memref<1x40xi32, #tpu.memory_space<vmem>>
        %dma_start3A_597 = tpu.memref_squeeze %dma_start3A_596 : memref<1x40xi32, #tpu.memory_space<vmem>> -> memref<40xi32, #tpu.memory_space<vmem>>
        %dma_start3A_598 = tpu.memref_slice %arg2[%multiple_of3A_582] : memref<640000xi32, #tpu.memory_space<hbm>> -> memref<40xi32, #tpu.memory_space<hbm>>
        tpu.enqueue_dma source(%dma_start3A_598 : memref<40xi32, #tpu.memory_space<hbm>>) target(%dma_start3A_597 : memref<40xi32, #tpu.memory_space<vmem>>) target_semaphore(%dma_start3A_594 : memref<!tpu.dma_semaphore, #tpu.memory_space<semaphore_mem>>)
        %dma_start3A_599 = arith.constant 1 : i32
        %dma_start3A_600 = arith.constant 1 : i32
        %dma_start3A_601 = arith.constant 0 : i32
        %dma_start3A_602 = arith.constant 0 : i32
        %dma_start3A_603 = tpu.memref_slice %arg6[%dma_start3A_599, %dma_start3A_601, %dma_start3A_602] : memref<8x40x128xf32, #tpu.memory_space<vmem>> -> memref<1x40x128xf32, #tpu.memory_space<vmem>>
        %dma_start3A_604 = tpu.memref_squeeze %dma_start3A_603 : memref<1x40x128xf32, #tpu.memory_space<vmem>> -> memref<40x128xf32, #tpu.memory_space<vmem>>
        %dma_start3A_605 = arith.constant 0 : i32
        %dma_start3A_606 = tpu.memref_slice %arg3[%multiple_of3A_586, %dma_start3A_605] : memref<320000x128xf32, #tpu.memory_space<hbm>> -> memref<40x128xf32, #tpu.memory_space<hbm>>
        %dma_start3A_607 = tpu.memref_slice %arg10[%dma_start3A_600] : memref<8x!tpu.dma_semaphore, #tpu.memory_space<semaphore_mem>> -> memref<1x!tpu.dma_semaphore, #tpu.memory_space<semaphore_mem>>
        %dma_start3A_608 = tpu.memref_squeeze %dma_start3A_607 : memref<1x!tpu.dma_semaphore, #tpu.memory_space<semaphore_mem>> -> memref<!tpu.dma_semaphore, #tpu.memory_space<semaphore_mem>>
        %dma_start3A_609 = arith.constant 0 : i32
        %dma_start3A_610 = arith.constant 0 : i32
        %dma_start3A_611 = tpu.memref_slice %arg6[%dma_start3A_599, %dma_start3A_609, %dma_start3A_610] : memref<8x40x128xf32, #tpu.memory_space<vmem>> -> memref<1x40x128xf32, #tpu.memory_space<vmem>>
        %dma_start3A_612 = tpu.memref_squeeze %dma_start3A_611 : memref<1x40x128xf32, #tpu.memory_space<vmem>> -> memref<40x128xf32, #tpu.memory_space<vmem>>
        %dma_start3A_613 = arith.constant 0 : i32
        %dma_start3A_614 = tpu.memref_slice %arg3[%multiple_of3A_586, %dma_start3A_613] : memref<320000x128xf32, #tpu.memory_space<hbm>> -> memref<40x128xf32, #tpu.memory_space<hbm>>
        tpu.enqueue_dma source(%dma_start3A_614 : memref<40x128xf32, #tpu.memory_space<hbm>>) target(%dma_start3A_612 : memref<40x128xf32, #tpu.memory_space<vmem>>) target_semaphore(%dma_start3A_608 : memref<!tpu.dma_semaphore, #tpu.memory_space<semaphore_mem>>)
      } else {
      }
      %mul3A_459 = arith.constant 8 : i32
      %mul3A_460 = arith.muli %scan3A_349, %mul3A_459 : i32
      %add3A_461 = arith.constant 2 : i32
      %add3A_462 = arith.addi %mul3A_460, %add3A_461 : i32
      %add3A_463 = arith.constant 1 : i32
      %add3A_464 = arith.addi %scan3A_349, %add3A_463 : i32
      %mul3A_465 = arith.constant 8 : i32
      %mul3A_466 = arith.muli %add3A_464, %mul3A_465 : i32
      %add3A_467 = arith.constant 2 : i32
      %add3A_468 = arith.addi %mul3A_466, %add3A_467 : i32
      %lt3A_469 = arith.constant 250 : i32
      %lt3A_470 = arith.cmpi slt, %add3A_462, %lt3A_469 : i32
      %convert_element_type3A_471 = arith.extui %lt3A_470 : i1 to i32
      %cond3A_472 = arith.constant 0 : i32
      %cond3A_473 = arith.cmpi ne, %convert_element_type3A_471, %cond3A_472 : i32
      scf.if %cond3A_473 {
        %dma_wait3A = arith.constant 2 : i32
        %dma_wait3A_579 = arith.constant 2 : i32
        %dma_wait3A_580 = arith.constant 2 : i32
        %dma_wait3A_581 = arith.constant 0 : i32
        %dma_wait3A_582 = arith.constant 0 : i32
        %dma_wait3A_583 = tpu.memref_slice %arg6[%dma_wait3A, %dma_wait3A_581, %dma_wait3A_582] : memref<8x40x128xf32, #tpu.memory_space<vmem>> -> memref<1x40x128xf32, #tpu.memory_space<vmem>>
        %dma_wait3A_584 = tpu.memref_squeeze %dma_wait3A_583 : memref<1x40x128xf32, #tpu.memory_space<vmem>> -> memref<40x128xf32, #tpu.memory_space<vmem>>
        %dma_wait3A_585 = arith.constant 0 : i32
        %dma_wait3A_586 = tpu.memref_slice %arg5[%dma_wait3A_579, %dma_wait3A_585] : memref<8x40xi32, #tpu.memory_space<vmem>> -> memref<1x40xi32, #tpu.memory_space<vmem>>
        %dma_wait3A_587 = tpu.memref_squeeze %dma_wait3A_586 : memref<1x40xi32, #tpu.memory_space<vmem>> -> memref<40xi32, #tpu.memory_space<vmem>>
        %dma_wait3A_588 = arith.constant 0 : i32
        %dma_wait3A_589 = arith.constant 0 : i32
        %dma_wait3A_590 = tpu.memref_slice %arg9[%dma_wait3A_588, %dma_wait3A_589] : memref<10000x128xf32, #tpu.memory_space<vmem_shared>> -> memref<10000x128xf32, #tpu.memory_space<vmem_shared>>
        %dma_wait3A_591 = tpu.memref_slice %arg11[%dma_wait3A_580] : memref<8x!tpu.dma_semaphore, #tpu.memory_space<semaphore_mem>> -> memref<1x!tpu.dma_semaphore, #tpu.memory_space<semaphore_mem>>
        %dma_wait3A_592 = tpu.memref_squeeze %dma_wait3A_591 : memref<1x!tpu.dma_semaphore, #tpu.memory_space<semaphore_mem>> -> memref<!tpu.dma_semaphore, #tpu.memory_space<semaphore_mem>>
        tpu.wait_indirect_dma semaphore(%dma_wait3A_592 : memref<!tpu.dma_semaphore, #tpu.memory_space<semaphore_mem>>) src(%dma_wait3A_584 : memref<40x128xf32, #tpu.memory_space<vmem>>) dst(%dma_wait3A_590 : memref<10000x128xf32, #tpu.memory_space<vmem_shared>>)
      } else {
      }
      %lt3A_474 = arith.constant 250 : i32
      %lt3A_475 = arith.cmpi slt, %add3A_468, %lt3A_474 : i32
      %convert_element_type3A_476 = arith.extui %lt3A_475 : i1 to i32
      %cond3A_477 = arith.constant 0 : i32
      %cond3A_478 = arith.cmpi ne, %convert_element_type3A_476, %cond3A_477 : i32
      scf.if %cond3A_478 {
        %mul3A_579 = arith.constant 40 : i32
        %mul3A_580 = arith.muli %add3A_468, %mul3A_579 : i32
        %add3A_581 = arith.addi %add3A_4, %mul3A_580 : i32
        %multiple_of3A_582 = tpu.assume_multiple %add3A_581, 8 : i32
        %mul3A_583 = arith.constant 40 : i32
        %mul3A_584 = arith.muli %add3A_468, %mul3A_583 : i32
        %add3A_585 = arith.addi %mul3A_2, %mul3A_584 : i32
        %multiple_of3A_586 = tpu.assume_multiple %add3A_585, 8 : i32
        %dma_start3A_587 = arith.constant 2 : i32
        %dma_start3A_588 = arith.constant 2 : i32
        %dma_start3A_589 = arith.constant 0 : i32
        %dma_start3A_590 = tpu.memref_slice %arg5[%dma_start3A_587, %dma_start3A_589] : memref<8x40xi32, #tpu.memory_space<vmem>> -> memref<1x40xi32, #tpu.memory_space<vmem>>
        %dma_start3A_591 = tpu.memref_squeeze %dma_start3A_590 : memref<1x40xi32, #tpu.memory_space<vmem>> -> memref<40xi32, #tpu.memory_space<vmem>>
        %dma_start3A_592 = tpu.memref_slice %arg2[%multiple_of3A_582] : memref<640000xi32, #tpu.memory_space<hbm>> -> memref<40xi32, #tpu.memory_space<hbm>>
        %dma_start3A_593 = tpu.memref_slice %arg10[%dma_start3A_588] : memref<8x!tpu.dma_semaphore, #tpu.memory_space<semaphore_mem>> -> memref<1x!tpu.dma_semaphore, #tpu.memory_space<semaphore_mem>>
        %dma_start3A_594 = tpu.memref_squeeze %dma_start3A_593 : memref<1x!tpu.dma_semaphore, #tpu.memory_space<semaphore_mem>> -> memref<!tpu.dma_semaphore, #tpu.memory_space<semaphore_mem>>
        %dma_start3A_595 = arith.constant 0 : i32
        %dma_start3A_596 = tpu.memref_slice %arg5[%dma_start3A_587, %dma_start3A_595] : memref<8x40xi32, #tpu.memory_space<vmem>> -> memref<1x40xi32, #tpu.memory_space<vmem>>
        %dma_start3A_597 = tpu.memref_squeeze %dma_start3A_596 : memref<1x40xi32, #tpu.memory_space<vmem>> -> memref<40xi32, #tpu.memory_space<vmem>>
        %dma_start3A_598 = tpu.memref_slice %arg2[%multiple_of3A_582] : memref<640000xi32, #tpu.memory_space<hbm>> -> memref<40xi32, #tpu.memory_space<hbm>>
        tpu.enqueue_dma source(%dma_start3A_598 : memref<40xi32, #tpu.memory_space<hbm>>) target(%dma_start3A_597 : memref<40xi32, #tpu.memory_space<vmem>>) target_semaphore(%dma_start3A_594 : memref<!tpu.dma_semaphore, #tpu.memory_space<semaphore_mem>>)
        %dma_start3A_599 = arith.constant 2 : i32
        %dma_start3A_600 = arith.constant 2 : i32
        %dma_start3A_601 = arith.constant 0 : i32
        %dma_start3A_602 = arith.constant 0 : i32
        %dma_start3A_603 = tpu.memref_slice %arg6[%dma_start3A_599, %dma_start3A_601, %dma_start3A_602] : memref<8x40x128xf32, #tpu.memory_space<vmem>> -> memref<1x40x128xf32, #tpu.memory_space<vmem>>
        %dma_start3A_604 = tpu.memref_squeeze %dma_start3A_603 : memref<1x40x128xf32, #tpu.memory_space<vmem>> -> memref<40x128xf32, #tpu.memory_space<vmem>>
        %dma_start3A_605 = arith.constant 0 : i32
        %dma_start3A_606 = tpu.memref_slice %arg3[%multiple_of3A_586, %dma_start3A_605] : memref<320000x128xf32, #tpu.memory_space<hbm>> -> memref<40x128xf32, #tpu.memory_space<hbm>>
        %dma_start3A_607 = tpu.memref_slice %arg10[%dma_start3A_600] : memref<8x!tpu.dma_semaphore, #tpu.memory_space<semaphore_mem>> -> memref<1x!tpu.dma_semaphore, #tpu.memory_space<semaphore_mem>>
        %dma_start3A_608 = tpu.memref_squeeze %dma_start3A_607 : memref<1x!tpu.dma_semaphore, #tpu.memory_space<semaphore_mem>> -> memref<!tpu.dma_semaphore, #tpu.memory_space<semaphore_mem>>
        %dma_start3A_609 = arith.constant 0 : i32
        %dma_start3A_610 = arith.constant 0 : i32
        %dma_start3A_611 = tpu.memref_slice %arg6[%dma_start3A_599, %dma_start3A_609, %dma_start3A_610] : memref<8x40x128xf32, #tpu.memory_space<vmem>> -> memref<1x40x128xf32, #tpu.memory_space<vmem>>
        %dma_start3A_612 = tpu.memref_squeeze %dma_start3A_611 : memref<1x40x128xf32, #tpu.memory_space<vmem>> -> memref<40x128xf32, #tpu.memory_space<vmem>>
        %dma_start3A_613 = arith.constant 0 : i32
        %dma_start3A_614 = tpu.memref_slice %arg3[%multiple_of3A_586, %dma_start3A_613] : memref<320000x128xf32, #tpu.memory_space<hbm>> -> memref<40x128xf32, #tpu.memory_space<hbm>>
        tpu.enqueue_dma source(%dma_start3A_614 : memref<40x128xf32, #tpu.memory_space<hbm>>) target(%dma_start3A_612 : memref<40x128xf32, #tpu.memory_space<vmem>>) target_semaphore(%dma_start3A_608 : memref<!tpu.dma_semaphore, #tpu.memory_space<semaphore_mem>>)
      } else {
      }
      %mul3A_479 = arith.constant 8 : i32
      %mul3A_480 = arith.muli %scan3A_349, %mul3A_479 : i32
      %add3A_481 = arith.constant 3 : i32
      %add3A_482 = arith.addi %mul3A_480, %add3A_481 : i32
      %add3A_483 = arith.constant 1 : i32
      %add3A_484 = arith.addi %scan3A_349, %add3A_483 : i32
      %mul3A_485 = arith.constant 8 : i32
      %mul3A_486 = arith.muli %add3A_484, %mul3A_485 : i32
      %add3A_487 = arith.constant 3 : i32
      %add3A_488 = arith.addi %mul3A_486, %add3A_487 : i32
      %lt3A_489 = arith.constant 250 : i32
      %lt3A_490 = arith.cmpi slt, %add3A_482, %lt3A_489 : i32
      %convert_element_type3A_491 = arith.extui %lt3A_490 : i1 to i32
      %cond3A_492 = arith.constant 0 : i32
      %cond3A_493 = arith.cmpi ne, %convert_element_type3A_491, %cond3A_492 : i32
      scf.if %cond3A_493 {
        %dma_wait3A = arith.constant 3 : i32
        %dma_wait3A_579 = arith.constant 3 : i32
        %dma_wait3A_580 = arith.constant 3 : i32
        %dma_wait3A_581 = arith.constant 0 : i32
        %dma_wait3A_582 = arith.constant 0 : i32
        %dma_wait3A_583 = tpu.memref_slice %arg6[%dma_wait3A, %dma_wait3A_581, %dma_wait3A_582] : memref<8x40x128xf32, #tpu.memory_space<vmem>> -> memref<1x40x128xf32, #tpu.memory_space<vmem>>
        %dma_wait3A_584 = tpu.memref_squeeze %dma_wait3A_583 : memref<1x40x128xf32, #tpu.memory_space<vmem>> -> memref<40x128xf32, #tpu.memory_space<vmem>>
        %dma_wait3A_585 = arith.constant 0 : i32
        %dma_wait3A_586 = tpu.memref_slice %arg5[%dma_wait3A_579, %dma_wait3A_585] : memref<8x40xi32, #tpu.memory_space<vmem>> -> memref<1x40xi32, #tpu.memory_space<vmem>>
        %dma_wait3A_587 = tpu.memref_squeeze %dma_wait3A_586 : memref<1x40xi32, #tpu.memory_space<vmem>> -> memref<40xi32, #tpu.memory_space<vmem>>
        %dma_wait3A_588 = arith.constant 0 : i32
        %dma_wait3A_589 = arith.constant 0 : i32
        %dma_wait3A_590 = tpu.memref_slice %arg9[%dma_wait3A_588, %dma_wait3A_589] : memref<10000x128xf32, #tpu.memory_space<vmem_shared>> -> memref<10000x128xf32, #tpu.memory_space<vmem_shared>>
        %dma_wait3A_591 = tpu.memref_slice %arg11[%dma_wait3A_580] : memref<8x!tpu.dma_semaphore, #tpu.memory_space<semaphore_mem>> -> memref<1x!tpu.dma_semaphore, #tpu.memory_space<semaphore_mem>>
        %dma_wait3A_592 = tpu.memref_squeeze %dma_wait3A_591 : memref<1x!tpu.dma_semaphore, #tpu.memory_space<semaphore_mem>> -> memref<!tpu.dma_semaphore, #tpu.memory_space<semaphore_mem>>
        tpu.wait_indirect_dma semaphore(%dma_wait3A_592 : memref<!tpu.dma_semaphore, #tpu.memory_space<semaphore_mem>>) src(%dma_wait3A_584 : memref<40x128xf32, #tpu.memory_space<vmem>>) dst(%dma_wait3A_590 : memref<10000x128xf32, #tpu.memory_space<vmem_shared>>)
      } else {
      }
      %lt3A_494 = arith.constant 250 : i32
      %lt3A_495 = arith.cmpi slt, %add3A_488, %lt3A_494 : i32
      %convert_element_type3A_496 = arith.extui %lt3A_495 : i1 to i32
      %cond3A_497 = arith.constant 0 : i32
      %cond3A_498 = arith.cmpi ne, %convert_element_type3A_496, %cond3A_497 : i32
      scf.if %cond3A_498 {
        %mul3A_579 = arith.constant 40 : i32
        %mul3A_580 = arith.muli %add3A_488, %mul3A_579 : i32
        %add3A_581 = arith.addi %add3A_4, %mul3A_580 : i32
        %multiple_of3A_582 = tpu.assume_multiple %add3A_581, 8 : i32
        %mul3A_583 = arith.constant 40 : i32
        %mul3A_584 = arith.muli %add3A_488, %mul3A_583 : i32
        %add3A_585 = arith.addi %mul3A_2, %mul3A_584 : i32
        %multiple_of3A_586 = tpu.assume_multiple %add3A_585, 8 : i32
        %dma_start3A_587 = arith.constant 3 : i32
        %dma_start3A_588 = arith.constant 3 : i32
        %dma_start3A_589 = arith.constant 0 : i32
        %dma_start3A_590 = tpu.memref_slice %arg5[%dma_start3A_587, %dma_start3A_589] : memref<8x40xi32, #tpu.memory_space<vmem>> -> memref<1x40xi32, #tpu.memory_space<vmem>>
        %dma_start3A_591 = tpu.memref_squeeze %dma_start3A_590 : memref<1x40xi32, #tpu.memory_space<vmem>> -> memref<40xi32, #tpu.memory_space<vmem>>
        %dma_start3A_592 = tpu.memref_slice %arg2[%multiple_of3A_582] : memref<640000xi32, #tpu.memory_space<hbm>> -> memref<40xi32, #tpu.memory_space<hbm>>
        %dma_start3A_593 = tpu.memref_slice %arg10[%dma_start3A_588] : memref<8x!tpu.dma_semaphore, #tpu.memory_space<semaphore_mem>> -> memref<1x!tpu.dma_semaphore, #tpu.memory_space<semaphore_mem>>
        %dma_start3A_594 = tpu.memref_squeeze %dma_start3A_593 : memref<1x!tpu.dma_semaphore, #tpu.memory_space<semaphore_mem>> -> memref<!tpu.dma_semaphore, #tpu.memory_space<semaphore_mem>>
        %dma_start3A_595 = arith.constant 0 : i32
        %dma_start3A_596 = tpu.memref_slice %arg5[%dma_start3A_587, %dma_start3A_595] : memref<8x40xi32, #tpu.memory_space<vmem>> -> memref<1x40xi32, #tpu.memory_space<vmem>>
        %dma_start3A_597 = tpu.memref_squeeze %dma_start3A_596 : memref<1x40xi32, #tpu.memory_space<vmem>> -> memref<40xi32, #tpu.memory_space<vmem>>
        %dma_start3A_598 = tpu.memref_slice %arg2[%multiple_of3A_582] : memref<640000xi32, #tpu.memory_space<hbm>> -> memref<40xi32, #tpu.memory_space<hbm>>
        tpu.enqueue_dma source(%dma_start3A_598 : memref<40xi32, #tpu.memory_space<hbm>>) target(%dma_start3A_597 : memref<40xi32, #tpu.memory_space<vmem>>) target_semaphore(%dma_start3A_594 : memref<!tpu.dma_semaphore, #tpu.memory_space<semaphore_mem>>)
        %dma_start3A_599 = arith.constant 3 : i32
        %dma_start3A_600 = arith.constant 3 : i32
        %dma_start3A_601 = arith.constant 0 : i32
        %dma_start3A_602 = arith.constant 0 : i32
        %dma_start3A_603 = tpu.memref_slice %arg6[%dma_start3A_599, %dma_start3A_601, %dma_start3A_602] : memref<8x40x128xf32, #tpu.memory_space<vmem>> -> memref<1x40x128xf32, #tpu.memory_space<vmem>>
        %dma_start3A_604 = tpu.memref_squeeze %dma_start3A_603 : memref<1x40x128xf32, #tpu.memory_space<vmem>> -> memref<40x128xf32, #tpu.memory_space<vmem>>
        %dma_start3A_605 = arith.constant 0 : i32
        %dma_start3A_606 = tpu.memref_slice %arg3[%multiple_of3A_586, %dma_start3A_605] : memref<320000x128xf32, #tpu.memory_space<hbm>> -> memref<40x128xf32, #tpu.memory_space<hbm>>
        %dma_start3A_607 = tpu.memref_slice %arg10[%dma_start3A_600] : memref<8x!tpu.dma_semaphore, #tpu.memory_space<semaphore_mem>> -> memref<1x!tpu.dma_semaphore, #tpu.memory_space<semaphore_mem>>
        %dma_start3A_608 = tpu.memref_squeeze %dma_start3A_607 : memref<1x!tpu.dma_semaphore, #tpu.memory_space<semaphore_mem>> -> memref<!tpu.dma_semaphore, #tpu.memory_space<semaphore_mem>>
        %dma_start3A_609 = arith.constant 0 : i32
        %dma_start3A_610 = arith.constant 0 : i32
        %dma_start3A_611 = tpu.memref_slice %arg6[%dma_start3A_599, %dma_start3A_609, %dma_start3A_610] : memref<8x40x128xf32, #tpu.memory_space<vmem>> -> memref<1x40x128xf32, #tpu.memory_space<vmem>>
        %dma_start3A_612 = tpu.memref_squeeze %dma_start3A_611 : memref<1x40x128xf32, #tpu.memory_space<vmem>> -> memref<40x128xf32, #tpu.memory_space<vmem>>
        %dma_start3A_613 = arith.constant 0 : i32
        %dma_start3A_614 = tpu.memref_slice %arg3[%multiple_of3A_586, %dma_start3A_613] : memref<320000x128xf32, #tpu.memory_space<hbm>> -> memref<40x128xf32, #tpu.memory_space<hbm>>
        tpu.enqueue_dma source(%dma_start3A_614 : memref<40x128xf32, #tpu.memory_space<hbm>>) target(%dma_start3A_612 : memref<40x128xf32, #tpu.memory_space<vmem>>) target_semaphore(%dma_start3A_608 : memref<!tpu.dma_semaphore, #tpu.memory_space<semaphore_mem>>)
      } else {
      }
      %mul3A_499 = arith.constant 8 : i32
      %mul3A_500 = arith.muli %scan3A_349, %mul3A_499 : i32
      %add3A_501 = arith.constant 4 : i32
      %add3A_502 = arith.addi %mul3A_500, %add3A_501 : i32
      %add3A_503 = arith.constant 1 : i32
      %add3A_504 = arith.addi %scan3A_349, %add3A_503 : i32
      %mul3A_505 = arith.constant 8 : i32
      %mul3A_506 = arith.muli %add3A_504, %mul3A_505 : i32
      %add3A_507 = arith.constant 4 : i32
      %add3A_508 = arith.addi %mul3A_506, %add3A_507 : i32
      %lt3A_509 = arith.constant 250 : i32
      %lt3A_510 = arith.cmpi slt, %add3A_502, %lt3A_509 : i32
      %convert_element_type3A_511 = arith.extui %lt3A_510 : i1 to i32
      %cond3A_512 = arith.constant 0 : i32
      %cond3A_513 = arith.cmpi ne, %convert_element_type3A_511, %cond3A_512 : i32
      scf.if %cond3A_513 {
        %dma_wait3A = arith.constant 4 : i32
        %dma_wait3A_579 = arith.constant 4 : i32
        %dma_wait3A_580 = arith.constant 4 : i32
        %dma_wait3A_581 = arith.constant 0 : i32
        %dma_wait3A_582 = arith.constant 0 : i32
        %dma_wait3A_583 = tpu.memref_slice %arg6[%dma_wait3A, %dma_wait3A_581, %dma_wait3A_582] : memref<8x40x128xf32, #tpu.memory_space<vmem>> -> memref<1x40x128xf32, #tpu.memory_space<vmem>>
        %dma_wait3A_584 = tpu.memref_squeeze %dma_wait3A_583 : memref<1x40x128xf32, #tpu.memory_space<vmem>> -> memref<40x128xf32, #tpu.memory_space<vmem>>
        %dma_wait3A_585 = arith.constant 0 : i32
        %dma_wait3A_586 = tpu.memref_slice %arg5[%dma_wait3A_579, %dma_wait3A_585] : memref<8x40xi32, #tpu.memory_space<vmem>> -> memref<1x40xi32, #tpu.memory_space<vmem>>
        %dma_wait3A_587 = tpu.memref_squeeze %dma_wait3A_586 : memref<1x40xi32, #tpu.memory_space<vmem>> -> memref<40xi32, #tpu.memory_space<vmem>>
        %dma_wait3A_588 = arith.constant 0 : i32
        %dma_wait3A_589 = arith.constant 0 : i32
        %dma_wait3A_590 = tpu.memref_slice %arg9[%dma_wait3A_588, %dma_wait3A_589] : memref<10000x128xf32, #tpu.memory_space<vmem_shared>> -> memref<10000x128xf32, #tpu.memory_space<vmem_shared>>
        %dma_wait3A_591 = tpu.memref_slice %arg11[%dma_wait3A_580] : memref<8x!tpu.dma_semaphore, #tpu.memory_space<semaphore_mem>> -> memref<1x!tpu.dma_semaphore, #tpu.memory_space<semaphore_mem>>
        %dma_wait3A_592 = tpu.memref_squeeze %dma_wait3A_591 : memref<1x!tpu.dma_semaphore, #tpu.memory_space<semaphore_mem>> -> memref<!tpu.dma_semaphore, #tpu.memory_space<semaphore_mem>>
        tpu.wait_indirect_dma semaphore(%dma_wait3A_592 : memref<!tpu.dma_semaphore, #tpu.memory_space<semaphore_mem>>) src(%dma_wait3A_584 : memref<40x128xf32, #tpu.memory_space<vmem>>) dst(%dma_wait3A_590 : memref<10000x128xf32, #tpu.memory_space<vmem_shared>>)
      } else {
      }
      %lt3A_514 = arith.constant 250 : i32
      %lt3A_515 = arith.cmpi slt, %add3A_508, %lt3A_514 : i32
      %convert_element_type3A_516 = arith.extui %lt3A_515 : i1 to i32
      %cond3A_517 = arith.constant 0 : i32
      %cond3A_518 = arith.cmpi ne, %convert_element_type3A_516, %cond3A_517 : i32
      scf.if %cond3A_518 {
        %mul3A_579 = arith.constant 40 : i32
        %mul3A_580 = arith.muli %add3A_508, %mul3A_579 : i32
        %add3A_581 = arith.addi %add3A_4, %mul3A_580 : i32
        %multiple_of3A_582 = tpu.assume_multiple %add3A_581, 8 : i32
        %mul3A_583 = arith.constant 40 : i32
        %mul3A_584 = arith.muli %add3A_508, %mul3A_583 : i32
        %add3A_585 = arith.addi %mul3A_2, %mul3A_584 : i32
        %multiple_of3A_586 = tpu.assume_multiple %add3A_585, 8 : i32
        %dma_start3A_587 = arith.constant 4 : i32
        %dma_start3A_588 = arith.constant 4 : i32
        %dma_start3A_589 = arith.constant 0 : i32
        %dma_start3A_590 = tpu.memref_slice %arg5[%dma_start3A_587, %dma_start3A_589] : memref<8x40xi32, #tpu.memory_space<vmem>> -> memref<1x40xi32, #tpu.memory_space<vmem>>
        %dma_start3A_591 = tpu.memref_squeeze %dma_start3A_590 : memref<1x40xi32, #tpu.memory_space<vmem>> -> memref<40xi32, #tpu.memory_space<vmem>>
        %dma_start3A_592 = tpu.memref_slice %arg2[%multiple_of3A_582] : memref<640000xi32, #tpu.memory_space<hbm>> -> memref<40xi32, #tpu.memory_space<hbm>>
        %dma_start3A_593 = tpu.memref_slice %arg10[%dma_start3A_588] : memref<8x!tpu.dma_semaphore, #tpu.memory_space<semaphore_mem>> -> memref<1x!tpu.dma_semaphore, #tpu.memory_space<semaphore_mem>>
        %dma_start3A_594 = tpu.memref_squeeze %dma_start3A_593 : memref<1x!tpu.dma_semaphore, #tpu.memory_space<semaphore_mem>> -> memref<!tpu.dma_semaphore, #tpu.memory_space<semaphore_mem>>
        %dma_start3A_595 = arith.constant 0 : i32
        %dma_start3A_596 = tpu.memref_slice %arg5[%dma_start3A_587, %dma_start3A_595] : memref<8x40xi32, #tpu.memory_space<vmem>> -> memref<1x40xi32, #tpu.memory_space<vmem>>
        %dma_start3A_597 = tpu.memref_squeeze %dma_start3A_596 : memref<1x40xi32, #tpu.memory_space<vmem>> -> memref<40xi32, #tpu.memory_space<vmem>>
        %dma_start3A_598 = tpu.memref_slice %arg2[%multiple_of3A_582] : memref<640000xi32, #tpu.memory_space<hbm>> -> memref<40xi32, #tpu.memory_space<hbm>>
        tpu.enqueue_dma source(%dma_start3A_598 : memref<40xi32, #tpu.memory_space<hbm>>) target(%dma_start3A_597 : memref<40xi32, #tpu.memory_space<vmem>>) target_semaphore(%dma_start3A_594 : memref<!tpu.dma_semaphore, #tpu.memory_space<semaphore_mem>>)
        %dma_start3A_599 = arith.constant 4 : i32
        %dma_start3A_600 = arith.constant 4 : i32
        %dma_start3A_601 = arith.constant 0 : i32
        %dma_start3A_602 = arith.constant 0 : i32
        %dma_start3A_603 = tpu.memref_slice %arg6[%dma_start3A_599, %dma_start3A_601, %dma_start3A_602] : memref<8x40x128xf32, #tpu.memory_space<vmem>> -> memref<1x40x128xf32, #tpu.memory_space<vmem>>
        %dma_start3A_604 = tpu.memref_squeeze %dma_start3A_603 : memref<1x40x128xf32, #tpu.memory_space<vmem>> -> memref<40x128xf32, #tpu.memory_space<vmem>>
        %dma_start3A_605 = arith.constant 0 : i32
        %dma_start3A_606 = tpu.memref_slice %arg3[%multiple_of3A_586, %dma_start3A_605] : memref<320000x128xf32, #tpu.memory_space<hbm>> -> memref<40x128xf32, #tpu.memory_space<hbm>>
        %dma_start3A_607 = tpu.memref_slice %arg10[%dma_start3A_600] : memref<8x!tpu.dma_semaphore, #tpu.memory_space<semaphore_mem>> -> memref<1x!tpu.dma_semaphore, #tpu.memory_space<semaphore_mem>>
        %dma_start3A_608 = tpu.memref_squeeze %dma_start3A_607 : memref<1x!tpu.dma_semaphore, #tpu.memory_space<semaphore_mem>> -> memref<!tpu.dma_semaphore, #tpu.memory_space<semaphore_mem>>
        %dma_start3A_609 = arith.constant 0 : i32
        %dma_start3A_610 = arith.constant 0 : i32
        %dma_start3A_611 = tpu.memref_slice %arg6[%dma_start3A_599, %dma_start3A_609, %dma_start3A_610] : memref<8x40x128xf32, #tpu.memory_space<vmem>> -> memref<1x40x128xf32, #tpu.memory_space<vmem>>
        %dma_start3A_612 = tpu.memref_squeeze %dma_start3A_611 : memref<1x40x128xf32, #tpu.memory_space<vmem>> -> memref<40x128xf32, #tpu.memory_space<vmem>>
        %dma_start3A_613 = arith.constant 0 : i32
        %dma_start3A_614 = tpu.memref_slice %arg3[%multiple_of3A_586, %dma_start3A_613] : memref<320000x128xf32, #tpu.memory_space<hbm>> -> memref<40x128xf32, #tpu.memory_space<hbm>>
        tpu.enqueue_dma source(%dma_start3A_614 : memref<40x128xf32, #tpu.memory_space<hbm>>) target(%dma_start3A_612 : memref<40x128xf32, #tpu.memory_space<vmem>>) target_semaphore(%dma_start3A_608 : memref<!tpu.dma_semaphore, #tpu.memory_space<semaphore_mem>>)
      } else {
      }
      %mul3A_519 = arith.constant 8 : i32
      %mul3A_520 = arith.muli %scan3A_349, %mul3A_519 : i32
      %add3A_521 = arith.constant 5 : i32
      %add3A_522 = arith.addi %mul3A_520, %add3A_521 : i32
      %add3A_523 = arith.constant 1 : i32
      %add3A_524 = arith.addi %scan3A_349, %add3A_523 : i32
      %mul3A_525 = arith.constant 8 : i32
      %mul3A_526 = arith.muli %add3A_524, %mul3A_525 : i32
      %add3A_527 = arith.constant 5 : i32
      %add3A_528 = arith.addi %mul3A_526, %add3A_527 : i32
      %lt3A_529 = arith.constant 250 : i32
      %lt3A_530 = arith.cmpi slt, %add3A_522, %lt3A_529 : i32
      %convert_element_type3A_531 = arith.extui %lt3A_530 : i1 to i32
      %cond3A_532 = arith.constant 0 : i32
      %cond3A_533 = arith.cmpi ne, %convert_element_type3A_531, %cond3A_532 : i32
      scf.if %cond3A_533 {
        %dma_wait3A = arith.constant 5 : i32
        %dma_wait3A_579 = arith.constant 5 : i32
        %dma_wait3A_580 = arith.constant 5 : i32
        %dma_wait3A_581 = arith.constant 0 : i32
        %dma_wait3A_582 = arith.constant 0 : i32
        %dma_wait3A_583 = tpu.memref_slice %arg6[%dma_wait3A, %dma_wait3A_581, %dma_wait3A_582] : memref<8x40x128xf32, #tpu.memory_space<vmem>> -> memref<1x40x128xf32, #tpu.memory_space<vmem>>
        %dma_wait3A_584 = tpu.memref_squeeze %dma_wait3A_583 : memref<1x40x128xf32, #tpu.memory_space<vmem>> -> memref<40x128xf32, #tpu.memory_space<vmem>>
        %dma_wait3A_585 = arith.constant 0 : i32
        %dma_wait3A_586 = tpu.memref_slice %arg5[%dma_wait3A_579, %dma_wait3A_585] : memref<8x40xi32, #tpu.memory_space<vmem>> -> memref<1x40xi32, #tpu.memory_space<vmem>>
        %dma_wait3A_587 = tpu.memref_squeeze %dma_wait3A_586 : memref<1x40xi32, #tpu.memory_space<vmem>> -> memref<40xi32, #tpu.memory_space<vmem>>
        %dma_wait3A_588 = arith.constant 0 : i32
        %dma_wait3A_589 = arith.constant 0 : i32
        %dma_wait3A_590 = tpu.memref_slice %arg9[%dma_wait3A_588, %dma_wait3A_589] : memref<10000x128xf32, #tpu.memory_space<vmem_shared>> -> memref<10000x128xf32, #tpu.memory_space<vmem_shared>>
        %dma_wait3A_591 = tpu.memref_slice %arg11[%dma_wait3A_580] : memref<8x!tpu.dma_semaphore, #tpu.memory_space<semaphore_mem>> -> memref<1x!tpu.dma_semaphore, #tpu.memory_space<semaphore_mem>>
        %dma_wait3A_592 = tpu.memref_squeeze %dma_wait3A_591 : memref<1x!tpu.dma_semaphore, #tpu.memory_space<semaphore_mem>> -> memref<!tpu.dma_semaphore, #tpu.memory_space<semaphore_mem>>
        tpu.wait_indirect_dma semaphore(%dma_wait3A_592 : memref<!tpu.dma_semaphore, #tpu.memory_space<semaphore_mem>>) src(%dma_wait3A_584 : memref<40x128xf32, #tpu.memory_space<vmem>>) dst(%dma_wait3A_590 : memref<10000x128xf32, #tpu.memory_space<vmem_shared>>)
      } else {
      }
      %lt3A_534 = arith.constant 250 : i32
      %lt3A_535 = arith.cmpi slt, %add3A_528, %lt3A_534 : i32
      %convert_element_type3A_536 = arith.extui %lt3A_535 : i1 to i32
      %cond3A_537 = arith.constant 0 : i32
      %cond3A_538 = arith.cmpi ne, %convert_element_type3A_536, %cond3A_537 : i32
      scf.if %cond3A_538 {
        %mul3A_579 = arith.constant 40 : i32
        %mul3A_580 = arith.muli %add3A_528, %mul3A_579 : i32
        %add3A_581 = arith.addi %add3A_4, %mul3A_580 : i32
        %multiple_of3A_582 = tpu.assume_multiple %add3A_581, 8 : i32
        %mul3A_583 = arith.constant 40 : i32
        %mul3A_584 = arith.muli %add3A_528, %mul3A_583 : i32
        %add3A_585 = arith.addi %mul3A_2, %mul3A_584 : i32
        %multiple_of3A_586 = tpu.assume_multiple %add3A_585, 8 : i32
        %dma_start3A_587 = arith.constant 5 : i32
        %dma_start3A_588 = arith.constant 5 : i32
        %dma_start3A_589 = arith.constant 0 : i32
        %dma_start3A_590 = tpu.memref_slice %arg5[%dma_start3A_587, %dma_start3A_589] : memref<8x40xi32, #tpu.memory_space<vmem>> -> memref<1x40xi32, #tpu.memory_space<vmem>>
        %dma_start3A_591 = tpu.memref_squeeze %dma_start3A_590 : memref<1x40xi32, #tpu.memory_space<vmem>> -> memref<40xi32, #tpu.memory_space<vmem>>
        %dma_start3A_592 = tpu.memref_slice %arg2[%multiple_of3A_582] : memref<640000xi32, #tpu.memory_space<hbm>> -> memref<40xi32, #tpu.memory_space<hbm>>
        %dma_start3A_593 = tpu.memref_slice %arg10[%dma_start3A_588] : memref<8x!tpu.dma_semaphore, #tpu.memory_space<semaphore_mem>> -> memref<1x!tpu.dma_semaphore, #tpu.memory_space<semaphore_mem>>
        %dma_start3A_594 = tpu.memref_squeeze %dma_start3A_593 : memref<1x!tpu.dma_semaphore, #tpu.memory_space<semaphore_mem>> -> memref<!tpu.dma_semaphore, #tpu.memory_space<semaphore_mem>>
        %dma_start3A_595 = arith.constant 0 : i32
        %dma_start3A_596 = tpu.memref_slice %arg5[%dma_start3A_587, %dma_start3A_595] : memref<8x40xi32, #tpu.memory_space<vmem>> -> memref<1x40xi32, #tpu.memory_space<vmem>>
        %dma_start3A_597 = tpu.memref_squeeze %dma_start3A_596 : memref<1x40xi32, #tpu.memory_space<vmem>> -> memref<40xi32, #tpu.memory_space<vmem>>
        %dma_start3A_598 = tpu.memref_slice %arg2[%multiple_of3A_582] : memref<640000xi32, #tpu.memory_space<hbm>> -> memref<40xi32, #tpu.memory_space<hbm>>
        tpu.enqueue_dma source(%dma_start3A_598 : memref<40xi32, #tpu.memory_space<hbm>>) target(%dma_start3A_597 : memref<40xi32, #tpu.memory_space<vmem>>) target_semaphore(%dma_start3A_594 : memref<!tpu.dma_semaphore, #tpu.memory_space<semaphore_mem>>)
        %dma_start3A_599 = arith.constant 5 : i32
        %dma_start3A_600 = arith.constant 5 : i32
        %dma_start3A_601 = arith.constant 0 : i32
        %dma_start3A_602 = arith.constant 0 : i32
        %dma_start3A_603 = tpu.memref_slice %arg6[%dma_start3A_599, %dma_start3A_601, %dma_start3A_602] : memref<8x40x128xf32, #tpu.memory_space<vmem>> -> memref<1x40x128xf32, #tpu.memory_space<vmem>>
        %dma_start3A_604 = tpu.memref_squeeze %dma_start3A_603 : memref<1x40x128xf32, #tpu.memory_space<vmem>> -> memref<40x128xf32, #tpu.memory_space<vmem>>
        %dma_start3A_605 = arith.constant 0 : i32
        %dma_start3A_606 = tpu.memref_slice %arg3[%multiple_of3A_586, %dma_start3A_605] : memref<320000x128xf32, #tpu.memory_space<hbm>> -> memref<40x128xf32, #tpu.memory_space<hbm>>
        %dma_start3A_607 = tpu.memref_slice %arg10[%dma_start3A_600] : memref<8x!tpu.dma_semaphore, #tpu.memory_space<semaphore_mem>> -> memref<1x!tpu.dma_semaphore, #tpu.memory_space<semaphore_mem>>
        %dma_start3A_608 = tpu.memref_squeeze %dma_start3A_607 : memref<1x!tpu.dma_semaphore, #tpu.memory_space<semaphore_mem>> -> memref<!tpu.dma_semaphore, #tpu.memory_space<semaphore_mem>>
        %dma_start3A_609 = arith.constant 0 : i32
        %dma_start3A_610 = arith.constant 0 : i32
        %dma_start3A_611 = tpu.memref_slice %arg6[%dma_start3A_599, %dma_start3A_609, %dma_start3A_610] : memref<8x40x128xf32, #tpu.memory_space<vmem>> -> memref<1x40x128xf32, #tpu.memory_space<vmem>>
        %dma_start3A_612 = tpu.memref_squeeze %dma_start3A_611 : memref<1x40x128xf32, #tpu.memory_space<vmem>> -> memref<40x128xf32, #tpu.memory_space<vmem>>
        %dma_start3A_613 = arith.constant 0 : i32
        %dma_start3A_614 = tpu.memref_slice %arg3[%multiple_of3A_586, %dma_start3A_613] : memref<320000x128xf32, #tpu.memory_space<hbm>> -> memref<40x128xf32, #tpu.memory_space<hbm>>
        tpu.enqueue_dma source(%dma_start3A_614 : memref<40x128xf32, #tpu.memory_space<hbm>>) target(%dma_start3A_612 : memref<40x128xf32, #tpu.memory_space<vmem>>) target_semaphore(%dma_start3A_608 : memref<!tpu.dma_semaphore, #tpu.memory_space<semaphore_mem>>)
      } else {
      }
      %mul3A_539 = arith.constant 8 : i32
      %mul3A_540 = arith.muli %scan3A_349, %mul3A_539 : i32
      %add3A_541 = arith.constant 6 : i32
      %add3A_542 = arith.addi %mul3A_540, %add3A_541 : i32
      %add3A_543 = arith.constant 1 : i32
      %add3A_544 = arith.addi %scan3A_349, %add3A_543 : i32
      %mul3A_545 = arith.constant 8 : i32
      %mul3A_546 = arith.muli %add3A_544, %mul3A_545 : i32
      %add3A_547 = arith.constant 6 : i32
      %add3A_548 = arith.addi %mul3A_546, %add3A_547 : i32
      %lt3A_549 = arith.constant 250 : i32
      %lt3A_550 = arith.cmpi slt, %add3A_542, %lt3A_549 : i32
      %convert_element_type3A_551 = arith.extui %lt3A_550 : i1 to i32
      %cond3A_552 = arith.constant 0 : i32
      %cond3A_553 = arith.cmpi ne, %convert_element_type3A_551, %cond3A_552 : i32
      scf.if %cond3A_553 {
        %dma_wait3A = arith.constant 6 : i32
        %dma_wait3A_579 = arith.constant 6 : i32
        %dma_wait3A_580 = arith.constant 6 : i32
        %dma_wait3A_581 = arith.constant 0 : i32
        %dma_wait3A_582 = arith.constant 0 : i32
        %dma_wait3A_583 = tpu.memref_slice %arg6[%dma_wait3A, %dma_wait3A_581, %dma_wait3A_582] : memref<8x40x128xf32, #tpu.memory_space<vmem>> -> memref<1x40x128xf32, #tpu.memory_space<vmem>>
        %dma_wait3A_584 = tpu.memref_squeeze %dma_wait3A_583 : memref<1x40x128xf32, #tpu.memory_space<vmem>> -> memref<40x128xf32, #tpu.memory_space<vmem>>
        %dma_wait3A_585 = arith.constant 0 : i32
        %dma_wait3A_586 = tpu.memref_slice %arg5[%dma_wait3A_579, %dma_wait3A_585] : memref<8x40xi32, #tpu.memory_space<vmem>> -> memref<1x40xi32, #tpu.memory_space<vmem>>
        %dma_wait3A_587 = tpu.memref_squeeze %dma_wait3A_586 : memref<1x40xi32, #tpu.memory_space<vmem>> -> memref<40xi32, #tpu.memory_space<vmem>>
        %dma_wait3A_588 = arith.constant 0 : i32
        %dma_wait3A_589 = arith.constant 0 : i32
        %dma_wait3A_590 = tpu.memref_slice %arg9[%dma_wait3A_588, %dma_wait3A_589] : memref<10000x128xf32, #tpu.memory_space<vmem_shared>> -> memref<10000x128xf32, #tpu.memory_space<vmem_shared>>
        %dma_wait3A_591 = tpu.memref_slice %arg11[%dma_wait3A_580] : memref<8x!tpu.dma_semaphore, #tpu.memory_space<semaphore_mem>> -> memref<1x!tpu.dma_semaphore, #tpu.memory_space<semaphore_mem>>
        %dma_wait3A_592 = tpu.memref_squeeze %dma_wait3A_591 : memref<1x!tpu.dma_semaphore, #tpu.memory_space<semaphore_mem>> -> memref<!tpu.dma_semaphore, #tpu.memory_space<semaphore_mem>>
        tpu.wait_indirect_dma semaphore(%dma_wait3A_592 : memref<!tpu.dma_semaphore, #tpu.memory_space<semaphore_mem>>) src(%dma_wait3A_584 : memref<40x128xf32, #tpu.memory_space<vmem>>) dst(%dma_wait3A_590 : memref<10000x128xf32, #tpu.memory_space<vmem_shared>>)
      } else {
      }
      %lt3A_554 = arith.constant 250 : i32
      %lt3A_555 = arith.cmpi slt, %add3A_548, %lt3A_554 : i32
      %convert_element_type3A_556 = arith.extui %lt3A_555 : i1 to i32
      %cond3A_557 = arith.constant 0 : i32
      %cond3A_558 = arith.cmpi ne, %convert_element_type3A_556, %cond3A_557 : i32
      scf.if %cond3A_558 {
        %mul3A_579 = arith.constant 40 : i32
        %mul3A_580 = arith.muli %add3A_548, %mul3A_579 : i32
        %add3A_581 = arith.addi %add3A_4, %mul3A_580 : i32
        %multiple_of3A_582 = tpu.assume_multiple %add3A_581, 8 : i32
        %mul3A_583 = arith.constant 40 : i32
        %mul3A_584 = arith.muli %add3A_548, %mul3A_583 : i32
        %add3A_585 = arith.addi %mul3A_2, %mul3A_584 : i32
        %multiple_of3A_586 = tpu.assume_multiple %add3A_585, 8 : i32
        %dma_start3A_587 = arith.constant 6 : i32
        %dma_start3A_588 = arith.constant 6 : i32
        %dma_start3A_589 = arith.constant 0 : i32
        %dma_start3A_590 = tpu.memref_slice %arg5[%dma_start3A_587, %dma_start3A_589] : memref<8x40xi32, #tpu.memory_space<vmem>> -> memref<1x40xi32, #tpu.memory_space<vmem>>
        %dma_start3A_591 = tpu.memref_squeeze %dma_start3A_590 : memref<1x40xi32, #tpu.memory_space<vmem>> -> memref<40xi32, #tpu.memory_space<vmem>>
        %dma_start3A_592 = tpu.memref_slice %arg2[%multiple_of3A_582] : memref<640000xi32, #tpu.memory_space<hbm>> -> memref<40xi32, #tpu.memory_space<hbm>>
        %dma_start3A_593 = tpu.memref_slice %arg10[%dma_start3A_588] : memref<8x!tpu.dma_semaphore, #tpu.memory_space<semaphore_mem>> -> memref<1x!tpu.dma_semaphore, #tpu.memory_space<semaphore_mem>>
        %dma_start3A_594 = tpu.memref_squeeze %dma_start3A_593 : memref<1x!tpu.dma_semaphore, #tpu.memory_space<semaphore_mem>> -> memref<!tpu.dma_semaphore, #tpu.memory_space<semaphore_mem>>
        %dma_start3A_595 = arith.constant 0 : i32
        %dma_start3A_596 = tpu.memref_slice %arg5[%dma_start3A_587, %dma_start3A_595] : memref<8x40xi32, #tpu.memory_space<vmem>> -> memref<1x40xi32, #tpu.memory_space<vmem>>
        %dma_start3A_597 = tpu.memref_squeeze %dma_start3A_596 : memref<1x40xi32, #tpu.memory_space<vmem>> -> memref<40xi32, #tpu.memory_space<vmem>>
        %dma_start3A_598 = tpu.memref_slice %arg2[%multiple_of3A_582] : memref<640000xi32, #tpu.memory_space<hbm>> -> memref<40xi32, #tpu.memory_space<hbm>>
        tpu.enqueue_dma source(%dma_start3A_598 : memref<40xi32, #tpu.memory_space<hbm>>) target(%dma_start3A_597 : memref<40xi32, #tpu.memory_space<vmem>>) target_semaphore(%dma_start3A_594 : memref<!tpu.dma_semaphore, #tpu.memory_space<semaphore_mem>>)
        %dma_start3A_599 = arith.constant 6 : i32
        %dma_start3A_600 = arith.constant 6 : i32
        %dma_start3A_601 = arith.constant 0 : i32
        %dma_start3A_602 = arith.constant 0 : i32
        %dma_start3A_603 = tpu.memref_slice %arg6[%dma_start3A_599, %dma_start3A_601, %dma_start3A_602] : memref<8x40x128xf32, #tpu.memory_space<vmem>> -> memref<1x40x128xf32, #tpu.memory_space<vmem>>
        %dma_start3A_604 = tpu.memref_squeeze %dma_start3A_603 : memref<1x40x128xf32, #tpu.memory_space<vmem>> -> memref<40x128xf32, #tpu.memory_space<vmem>>
        %dma_start3A_605 = arith.constant 0 : i32
        %dma_start3A_606 = tpu.memref_slice %arg3[%multiple_of3A_586, %dma_start3A_605] : memref<320000x128xf32, #tpu.memory_space<hbm>> -> memref<40x128xf32, #tpu.memory_space<hbm>>
        %dma_start3A_607 = tpu.memref_slice %arg10[%dma_start3A_600] : memref<8x!tpu.dma_semaphore, #tpu.memory_space<semaphore_mem>> -> memref<1x!tpu.dma_semaphore, #tpu.memory_space<semaphore_mem>>
        %dma_start3A_608 = tpu.memref_squeeze %dma_start3A_607 : memref<1x!tpu.dma_semaphore, #tpu.memory_space<semaphore_mem>> -> memref<!tpu.dma_semaphore, #tpu.memory_space<semaphore_mem>>
        %dma_start3A_609 = arith.constant 0 : i32
        %dma_start3A_610 = arith.constant 0 : i32
        %dma_start3A_611 = tpu.memref_slice %arg6[%dma_start3A_599, %dma_start3A_609, %dma_start3A_610] : memref<8x40x128xf32, #tpu.memory_space<vmem>> -> memref<1x40x128xf32, #tpu.memory_space<vmem>>
        %dma_start3A_612 = tpu.memref_squeeze %dma_start3A_611 : memref<1x40x128xf32, #tpu.memory_space<vmem>> -> memref<40x128xf32, #tpu.memory_space<vmem>>
        %dma_start3A_613 = arith.constant 0 : i32
        %dma_start3A_614 = tpu.memref_slice %arg3[%multiple_of3A_586, %dma_start3A_613] : memref<320000x128xf32, #tpu.memory_space<hbm>> -> memref<40x128xf32, #tpu.memory_space<hbm>>
        tpu.enqueue_dma source(%dma_start3A_614 : memref<40x128xf32, #tpu.memory_space<hbm>>) target(%dma_start3A_612 : memref<40x128xf32, #tpu.memory_space<vmem>>) target_semaphore(%dma_start3A_608 : memref<!tpu.dma_semaphore, #tpu.memory_space<semaphore_mem>>)
      } else {
      }
      %mul3A_559 = arith.constant 8 : i32
      %mul3A_560 = arith.muli %scan3A_349, %mul3A_559 : i32
      %add3A_561 = arith.constant 7 : i32
      %add3A_562 = arith.addi %mul3A_560, %add3A_561 : i32
      %add3A_563 = arith.constant 1 : i32
      %add3A_564 = arith.addi %scan3A_349, %add3A_563 : i32
      %mul3A_565 = arith.constant 8 : i32
      %mul3A_566 = arith.muli %add3A_564, %mul3A_565 : i32
      %add3A_567 = arith.constant 7 : i32
      %add3A_568 = arith.addi %mul3A_566, %add3A_567 : i32
      %lt3A_569 = arith.constant 250 : i32
      %lt3A_570 = arith.cmpi slt, %add3A_562, %lt3A_569 : i32
      %convert_element_type3A_571 = arith.extui %lt3A_570 : i1 to i32
      %cond3A_572 = arith.constant 0 : i32
      %cond3A_573 = arith.cmpi ne, %convert_element_type3A_571, %cond3A_572 : i32
      scf.if %cond3A_573 {
        %dma_wait3A = arith.constant 7 : i32
        %dma_wait3A_579 = arith.constant 7 : i32
        %dma_wait3A_580 = arith.constant 7 : i32
        %dma_wait3A_581 = arith.constant 0 : i32
        %dma_wait3A_582 = arith.constant 0 : i32
        %dma_wait3A_583 = tpu.memref_slice %arg6[%dma_wait3A, %dma_wait3A_581, %dma_wait3A_582] : memref<8x40x128xf32, #tpu.memory_space<vmem>> -> memref<1x40x128xf32, #tpu.memory_space<vmem>>
        %dma_wait3A_584 = tpu.memref_squeeze %dma_wait3A_583 : memref<1x40x128xf32, #tpu.memory_space<vmem>> -> memref<40x128xf32, #tpu.memory_space<vmem>>
        %dma_wait3A_585 = arith.constant 0 : i32
        %dma_wait3A_586 = tpu.memref_slice %arg5[%dma_wait3A_579, %dma_wait3A_585] : memref<8x40xi32, #tpu.memory_space<vmem>> -> memref<1x40xi32, #tpu.memory_space<vmem>>
        %dma_wait3A_587 = tpu.memref_squeeze %dma_wait3A_586 : memref<1x40xi32, #tpu.memory_space<vmem>> -> memref<40xi32, #tpu.memory_space<vmem>>
        %dma_wait3A_588 = arith.constant 0 : i32
        %dma_wait3A_589 = arith.constant 0 : i32
        %dma_wait3A_590 = tpu.memref_slice %arg9[%dma_wait3A_588, %dma_wait3A_589] : memref<10000x128xf32, #tpu.memory_space<vmem_shared>> -> memref<10000x128xf32, #tpu.memory_space<vmem_shared>>
        %dma_wait3A_591 = tpu.memref_slice %arg11[%dma_wait3A_580] : memref<8x!tpu.dma_semaphore, #tpu.memory_space<semaphore_mem>> -> memref<1x!tpu.dma_semaphore, #tpu.memory_space<semaphore_mem>>
        %dma_wait3A_592 = tpu.memref_squeeze %dma_wait3A_591 : memref<1x!tpu.dma_semaphore, #tpu.memory_space<semaphore_mem>> -> memref<!tpu.dma_semaphore, #tpu.memory_space<semaphore_mem>>
        tpu.wait_indirect_dma semaphore(%dma_wait3A_592 : memref<!tpu.dma_semaphore, #tpu.memory_space<semaphore_mem>>) src(%dma_wait3A_584 : memref<40x128xf32, #tpu.memory_space<vmem>>) dst(%dma_wait3A_590 : memref<10000x128xf32, #tpu.memory_space<vmem_shared>>)
      } else {
      }
      %lt3A_574 = arith.constant 250 : i32
      %lt3A_575 = arith.cmpi slt, %add3A_568, %lt3A_574 : i32
      %convert_element_type3A_576 = arith.extui %lt3A_575 : i1 to i32
      %cond3A_577 = arith.constant 0 : i32
      %cond3A_578 = arith.cmpi ne, %convert_element_type3A_576, %cond3A_577 : i32
      scf.if %cond3A_578 {
        %mul3A_579 = arith.constant 40 : i32
        %mul3A_580 = arith.muli %add3A_568, %mul3A_579 : i32
        %add3A_581 = arith.addi %add3A_4, %mul3A_580 : i32
        %multiple_of3A_582 = tpu.assume_multiple %add3A_581, 8 : i32
        %mul3A_583 = arith.constant 40 : i32
        %mul3A_584 = arith.muli %add3A_568, %mul3A_583 : i32
        %add3A_585 = arith.addi %mul3A_2, %mul3A_584 : i32
        %multiple_of3A_586 = tpu.assume_multiple %add3A_585, 8 : i32
        %dma_start3A_587 = arith.constant 7 : i32
        %dma_start3A_588 = arith.constant 7 : i32
        %dma_start3A_589 = arith.constant 0 : i32
        %dma_start3A_590 = tpu.memref_slice %arg5[%dma_start3A_587, %dma_start3A_589] : memref<8x40xi32, #tpu.memory_space<vmem>> -> memref<1x40xi32, #tpu.memory_space<vmem>>
        %dma_start3A_591 = tpu.memref_squeeze %dma_start3A_590 : memref<1x40xi32, #tpu.memory_space<vmem>> -> memref<40xi32, #tpu.memory_space<vmem>>
        %dma_start3A_592 = tpu.memref_slice %arg2[%multiple_of3A_582] : memref<640000xi32, #tpu.memory_space<hbm>> -> memref<40xi32, #tpu.memory_space<hbm>>
        %dma_start3A_593 = tpu.memref_slice %arg10[%dma_start3A_588] : memref<8x!tpu.dma_semaphore, #tpu.memory_space<semaphore_mem>> -> memref<1x!tpu.dma_semaphore, #tpu.memory_space<semaphore_mem>>
        %dma_start3A_594 = tpu.memref_squeeze %dma_start3A_593 : memref<1x!tpu.dma_semaphore, #tpu.memory_space<semaphore_mem>> -> memref<!tpu.dma_semaphore, #tpu.memory_space<semaphore_mem>>
        %dma_start3A_595 = arith.constant 0 : i32
        %dma_start3A_596 = tpu.memref_slice %arg5[%dma_start3A_587, %dma_start3A_595] : memref<8x40xi32, #tpu.memory_space<vmem>> -> memref<1x40xi32, #tpu.memory_space<vmem>>
        %dma_start3A_597 = tpu.memref_squeeze %dma_start3A_596 : memref<1x40xi32, #tpu.memory_space<vmem>> -> memref<40xi32, #tpu.memory_space<vmem>>
        %dma_start3A_598 = tpu.memref_slice %arg2[%multiple_of3A_582] : memref<640000xi32, #tpu.memory_space<hbm>> -> memref<40xi32, #tpu.memory_space<hbm>>
        tpu.enqueue_dma source(%dma_start3A_598 : memref<40xi32, #tpu.memory_space<hbm>>) target(%dma_start3A_597 : memref<40xi32, #tpu.memory_space<vmem>>) target_semaphore(%dma_start3A_594 : memref<!tpu.dma_semaphore, #tpu.memory_space<semaphore_mem>>)
        %dma_start3A_599 = arith.constant 7 : i32
        %dma_start3A_600 = arith.constant 7 : i32
        %dma_start3A_601 = arith.constant 0 : i32
        %dma_start3A_602 = arith.constant 0 : i32
        %dma_start3A_603 = tpu.memref_slice %arg6[%dma_start3A_599, %dma_start3A_601, %dma_start3A_602] : memref<8x40x128xf32, #tpu.memory_space<vmem>> -> memref<1x40x128xf32, #tpu.memory_space<vmem>>
        %dma_start3A_604 = tpu.memref_squeeze %dma_start3A_603 : memref<1x40x128xf32, #tpu.memory_space<vmem>> -> memref<40x128xf32, #tpu.memory_space<vmem>>
        %dma_start3A_605 = arith.constant 0 : i32
        %dma_start3A_606 = tpu.memref_slice %arg3[%multiple_of3A_586, %dma_start3A_605] : memref<320000x128xf32, #tpu.memory_space<hbm>> -> memref<40x128xf32, #tpu.memory_space<hbm>>
        %dma_start3A_607 = tpu.memref_slice %arg10[%dma_start3A_600] : memref<8x!tpu.dma_semaphore, #tpu.memory_space<semaphore_mem>> -> memref<1x!tpu.dma_semaphore, #tpu.memory_space<semaphore_mem>>
        %dma_start3A_608 = tpu.memref_squeeze %dma_start3A_607 : memref<1x!tpu.dma_semaphore, #tpu.memory_space<semaphore_mem>> -> memref<!tpu.dma_semaphore, #tpu.memory_space<semaphore_mem>>
        %dma_start3A_609 = arith.constant 0 : i32
        %dma_start3A_610 = arith.constant 0 : i32
        %dma_start3A_611 = tpu.memref_slice %arg6[%dma_start3A_599, %dma_start3A_609, %dma_start3A_610] : memref<8x40x128xf32, #tpu.memory_space<vmem>> -> memref<1x40x128xf32, #tpu.memory_space<vmem>>
        %dma_start3A_612 = tpu.memref_squeeze %dma_start3A_611 : memref<1x40x128xf32, #tpu.memory_space<vmem>> -> memref<40x128xf32, #tpu.memory_space<vmem>>
        %dma_start3A_613 = arith.constant 0 : i32
        %dma_start3A_614 = tpu.memref_slice %arg3[%multiple_of3A_586, %dma_start3A_613] : memref<320000x128xf32, #tpu.memory_space<hbm>> -> memref<40x128xf32, #tpu.memory_space<hbm>>
        tpu.enqueue_dma source(%dma_start3A_614 : memref<40x128xf32, #tpu.memory_space<hbm>>) target(%dma_start3A_612 : memref<40x128xf32, #tpu.memory_space<vmem>>) target_semaphore(%dma_start3A_608 : memref<!tpu.dma_semaphore, #tpu.memory_space<semaphore_mem>>)
      } else {
      }
    }
    %scan3A_327 = arith.constant 32 : i32
    %barrier3A_328 = arith.constant 0 : index
    tpu.barrier barrier_id(%barrier3A_328)
    %while3A_329 = arith.constant 0 : i32
    %while3A_330 = arith.constant 0 : i32
    %while3A_331 = arith.subi %select_n3A, %while3A_330 : i32
    %while3A_332 = arith.addi %while3A_330, %while3A_331 : i32
    %while3A_333 = arith.constant 1 : i32
    %while3A_334 = arith.divsi %while3A_331, %while3A_333 : i32
    %while3A_335 = arith.muli %while3A_334, %while3A_333 : i32
    %while3A_336 = arith.addi %while3A_330, %while3A_335 : i32
    %while3A_337 = arith.constant 1 : i32
    scf.for %while3A_349 = %while3A_330 to %while3A_336 step %while3A_337  : i32 {
      %mul3A_350 = arith.constant 16 : i32
      %mul3A_351 = arith.muli %while3A_349, %mul3A_350 : i32
      %add3A_352 = arith.addi %arg1, %mul3A_351 : i32
      %mul3A_353 = arith.constant 40 : i32
      %mul3A_354 = arith.muli %add3A_352, %mul3A_353 : i32
      %multiple_of3A_355 = tpu.assume_multiple %mul3A_354, 8 : i32
      %dma_start3A_356 = arith.constant 0 : i32
      %dma_start3A_357 = tpu.memref_slice %arg11[%dma_start3A_356] : memref<8x!tpu.dma_semaphore, #tpu.memory_space<semaphore_mem>> -> memref<1x!tpu.dma_semaphore, #tpu.memory_space<semaphore_mem>>
      %dma_start3A_358 = tpu.memref_squeeze %dma_start3A_357 : memref<1x!tpu.dma_semaphore, #tpu.memory_space<semaphore_mem>> -> memref<!tpu.dma_semaphore, #tpu.memory_space<semaphore_mem>>
      %dma_start3A_359 = arith.constant 0 : i32
      %dma_start3A_360 = tpu.memref_slice %arg4[%arg0, %multiple_of3A_355, %dma_start3A_359] : memref<2x10000x128xf32, #tpu.memory_space<hbm>> -> memref<1x40x128xf32, #tpu.memory_space<hbm>>
      %dma_start3A_361 = tpu.memref_squeeze %dma_start3A_360 : memref<1x40x128xf32, #tpu.memory_space<hbm>> -> memref<40x128xf32, #tpu.memory_space<hbm>>
      %dma_start3A_362 = arith.constant 0 : i32
      %dma_start3A_363 = tpu.memref_slice %arg9[%multiple_of3A_355, %dma_start3A_362] : memref<10000x128xf32, #tpu.memory_space<vmem_shared>> -> memref<40x128xf32, #tpu.memory_space<vmem_shared>>
      tpu.enqueue_dma source(%dma_start3A_363 : memref<40x128xf32, #tpu.memory_space<vmem_shared>>) target(%dma_start3A_361 : memref<40x128xf32, #tpu.memory_space<hbm>>) target_semaphore(%dma_start3A_358 : memref<!tpu.dma_semaphore, #tpu.memory_space<semaphore_mem>>)
    }
    %while3A_338 = arith.constant 1 : i32
    scf.for %while3A_349 = %while3A_336 to %while3A_332 step %while3A_338  : i32 {
      %mul3A_350 = arith.constant 16 : i32
      %mul3A_351 = arith.muli %while3A_349, %mul3A_350 : i32
      %add3A_352 = arith.addi %arg1, %mul3A_351 : i32
      %mul3A_353 = arith.constant 40 : i32
      %mul3A_354 = arith.muli %add3A_352, %mul3A_353 : i32
      %multiple_of3A_355 = tpu.assume_multiple %mul3A_354, 8 : i32
      %dma_start3A_356 = arith.constant 0 : i32
      %dma_start3A_357 = tpu.memref_slice %arg11[%dma_start3A_356] : memref<8x!tpu.dma_semaphore, #tpu.memory_space<semaphore_mem>> -> memref<1x!tpu.dma_semaphore, #tpu.memory_space<semaphore_mem>>
      %dma_start3A_358 = tpu.memref_squeeze %dma_start3A_357 : memref<1x!tpu.dma_semaphore, #tpu.memory_space<semaphore_mem>> -> memref<!tpu.dma_semaphore, #tpu.memory_space<semaphore_mem>>
      %dma_start3A_359 = arith.constant 0 : i32
      %dma_start3A_360 = tpu.memref_slice %arg4[%arg0, %multiple_of3A_355, %dma_start3A_359] : memref<2x10000x128xf32, #tpu.memory_space<hbm>> -> memref<1x40x128xf32, #tpu.memory_space<hbm>>
      %dma_start3A_361 = tpu.memref_squeeze %dma_start3A_360 : memref<1x40x128xf32, #tpu.memory_space<hbm>> -> memref<40x128xf32, #tpu.memory_space<hbm>>
      %dma_start3A_362 = arith.constant 0 : i32
      %dma_start3A_363 = tpu.memref_slice %arg9[%multiple_of3A_355, %dma_start3A_362] : memref<10000x128xf32, #tpu.memory_space<vmem_shared>> -> memref<40x128xf32, #tpu.memory_space<vmem_shared>>
      tpu.enqueue_dma source(%dma_start3A_363 : memref<40x128xf32, #tpu.memory_space<vmem_shared>>) target(%dma_start3A_361 : memref<40x128xf32, #tpu.memory_space<hbm>>) target_semaphore(%dma_start3A_358 : memref<!tpu.dma_semaphore, #tpu.memory_space<semaphore_mem>>)
    }
    %while3A_339 = arith.constant 0 : i32
    %while3A_340 = arith.constant 0 : i32
    %while3A_341 = arith.subi %select_n3A, %while3A_340 : i32
    %while3A_342 = arith.addi %while3A_340, %while3A_341 : i32
    %while3A_343 = arith.constant 1 : i32
    %while3A_344 = arith.divsi %while3A_341, %while3A_343 : i32
    %while3A_345 = arith.muli %while3A_344, %while3A_343 : i32
    %while3A_346 = arith.addi %while3A_340, %while3A_345 : i32
    %while3A_347 = arith.constant 1 : i32
    scf.for %while3A_349 = %while3A_340 to %while3A_346 step %while3A_347  : i32 {
      %dma_wait3A = arith.constant 0 : i32
      %dma_wait3A_350 = tpu.memref_slice %arg11[%dma_wait3A] : memref<8x!tpu.dma_semaphore, #tpu.memory_space<semaphore_mem>> -> memref<1x!tpu.dma_semaphore, #tpu.memory_space<semaphore_mem>>
      %dma_wait3A_351 = tpu.memref_squeeze %dma_wait3A_350 : memref<1x!tpu.dma_semaphore, #tpu.memory_space<semaphore_mem>> -> memref<!tpu.dma_semaphore, #tpu.memory_space<semaphore_mem>>
      %dma_wait3A_352 = arith.constant 0 : i32
      %dma_wait3A_353 = arith.constant 0 : i32
      %dma_wait3A_354 = tpu.memref_slice %arg4[%arg0, %dma_wait3A_352, %dma_wait3A_353] : memref<2x10000x128xf32, #tpu.memory_space<hbm>> -> memref<1x40x128xf32, #tpu.memory_space<hbm>>
      %dma_wait3A_355 = tpu.memref_squeeze %dma_wait3A_354 : memref<1x40x128xf32, #tpu.memory_space<hbm>> -> memref<40x128xf32, #tpu.memory_space<hbm>>
      %dma_wait3A_356 = arith.constant 0 : i32
      %dma_wait3A_357 = arith.constant 0 : i32
      %dma_wait3A_358 = tpu.memref_slice %arg9[%dma_wait3A_356, %dma_wait3A_357] : memref<10000x128xf32, #tpu.memory_space<vmem_shared>> -> memref<40x128xf32, #tpu.memory_space<vmem_shared>>
      tpu.wait_dma2 semaphore(%dma_wait3A_351 : memref<!tpu.dma_semaphore, #tpu.memory_space<semaphore_mem>>) src(%dma_wait3A_358 : memref<40x128xf32, #tpu.memory_space<vmem_shared>>) dst(%dma_wait3A_355 : memref<40x128xf32, #tpu.memory_space<hbm>>)
    }
    %while3A_348 = arith.constant 1 : i32
    scf.for %while3A_349 = %while3A_346 to %while3A_342 step %while3A_348  : i32 {
      %dma_wait3A = arith.constant 0 : i32
      %dma_wait3A_350 = tpu.memref_slice %arg11[%dma_wait3A] : memref<8x!tpu.dma_semaphore, #tpu.memory_space<semaphore_mem>> -> memref<1x!tpu.dma_semaphore, #tpu.memory_space<semaphore_mem>>
      %dma_wait3A_351 = tpu.memref_squeeze %dma_wait3A_350 : memref<1x!tpu.dma_semaphore, #tpu.memory_space<semaphore_mem>> -> memref<!tpu.dma_semaphore, #tpu.memory_space<semaphore_mem>>
      %dma_wait3A_352 = arith.constant 0 : i32
      %dma_wait3A_353 = arith.constant 0 : i32
      %dma_wait3A_354 = tpu.memref_slice %arg4[%arg0, %dma_wait3A_352, %dma_wait3A_353] : memref<2x10000x128xf32, #tpu.memory_space<hbm>> -> memref<1x40x128xf32, #tpu.memory_space<hbm>>
      %dma_wait3A_355 = tpu.memref_squeeze %dma_wait3A_354 : memref<1x40x128xf32, #tpu.memory_space<hbm>> -> memref<40x128xf32, #tpu.memory_space<hbm>>
      %dma_wait3A_356 = arith.constant 0 : i32
      %dma_wait3A_357 = arith.constant 0 : i32
      %dma_wait3A_358 = tpu.memref_slice %arg9[%dma_wait3A_356, %dma_wait3A_357] : memref<10000x128xf32, #tpu.memory_space<vmem_shared>> -> memref<40x128xf32, #tpu.memory_space<vmem_shared>>
      tpu.wait_dma2 semaphore(%dma_wait3A_351 : memref<!tpu.dma_semaphore, #tpu.memory_space<semaphore_mem>>) src(%dma_wait3A_358 : memref<40x128xf32, #tpu.memory_space<vmem_shared>>) dst(%dma_wait3A_355 : memref<40x128xf32, #tpu.memory_space<hbm>>)
    }
    return
  }
}

module attributes {stable_mosaic.version = 14 : i64} {
  func.func @body(%arg0: i32, %arg1: memref<1000x128xf32, #tpu.memory_space<vmem>>, %arg2: memref<2x1000x128xf32, #tpu.memory_space<vmem>>, %arg3: memref<256x256xf32, #tpu.memory_space<vmem>>, %arg4: memref<1x256xf32, #tpu.memory_space<vmem>>, %arg5: memref<256x128xf32, #tpu.memory_space<vmem>>, %arg6: memref<1x128xf32, #tpu.memory_space<vmem>>, %arg7: memref<1000x128xf32, #tpu.memory_space<vmem>>) attributes {dimension_semantics = [#tpu.dimension_semantics<arbitrary>], iteration_bounds = array<i64: 10>, scalar_prefetch = 0 : i64, scratch_operands = 0 : i64, tpu.core_type = #tpu.core_type<tc>, window_params = [{transform_indices = @transform_0, window_bounds = array<i64: 1000, 128>}, {transform_indices = @transform_1, window_bounds = array<i64: 2, 1000, 128>}, {pipeline_mode = #tpu.pipeline_mode<synchronous>, transform_indices = @transform_2, window_bounds = array<i64: 256, 256>}, {pipeline_mode = #tpu.pipeline_mode<synchronous>, transform_indices = @transform_3, window_bounds = array<i64: 1, 256>}, {pipeline_mode = #tpu.pipeline_mode<synchronous>, transform_indices = @transform_4, window_bounds = array<i64: 256, 128>}, {pipeline_mode = #tpu.pipeline_mode<synchronous>, transform_indices = @transform_5, window_bounds = array<i64: 1, 128>}, {transform_indices = @transform_6, window_bounds = array<i64: 1000, 128>}]} {
    %get3A = arith.constant 0 : index
    %get3A_0 = arith.constant 0 : index
    %get3A_1 = arith.constant 0 : index
    %get3A_2 = vector.load %arg2[%get3A, %get3A_0, %get3A_1] : memref<2x1000x128xf32, #tpu.memory_space<vmem>>, vector<1x1000x128xf32>
    %get3A_3 = vector.shape_cast %get3A_2 : vector<1x1000x128xf32> to vector<1000x128xf32>
    %get3A_4 = arith.constant 1 : index
    %get3A_5 = arith.constant 0 : index
    %get3A_6 = arith.constant 0 : index
    %get3A_7 = vector.load %arg2[%get3A_4, %get3A_5, %get3A_6] : memref<2x1000x128xf32, #tpu.memory_space<vmem>>, vector<1x1000x128xf32>
    %get3A_8 = vector.shape_cast %get3A_7 : vector<1x1000x128xf32> to vector<1000x128xf32>
    %add3A = arith.addf %get3A_3, %get3A_8 : vector<1000x128xf32>
    %get3A_9 = arith.constant 0 : index
    %get3A_10 = arith.constant 0 : index
    %get3A_11 = vector.load %arg1[%get3A_9, %get3A_10] : memref<1000x128xf32, #tpu.memory_space<vmem>>, vector<1000x128xf32>
    %concatenate3A = tpu.concatenate %get3A_11, %add3A in 1 : vector<1000x128xf32>, vector<1000x128xf32> -> vector<1000x256xf32>
    %get3A_12 = arith.constant 0 : index
    %get3A_13 = arith.constant 0 : index
    %get3A_14 = vector.load %arg3[%get3A_12, %get3A_13] : memref<256x256xf32, #tpu.memory_space<vmem>>, vector<256x256xf32>
    %dot_general3A = arith.constant dense<0.000000e+00> : vector<1000x256xf32>
    %dot_general3A_15 = tpu.matmul %concatenate3A, %get3A_14, %dot_general3A {dimension_numbers = #tpu.dot_dimension_numbers<[1], [0], [0], [1], [0, 0, 1, 1], [], []>, transpose_lhs_hint = false} : vector<1000x256xf32>, vector<256x256xf32>, vector<1000x256xf32> -> vector<1000x256xf32>
    %get3A_16 = arith.constant 0 : index
    %get3A_17 = arith.constant 0 : index
    %get3A_18 = vector.load %arg4[%get3A_16, %get3A_17] : memref<1x256xf32, #tpu.memory_space<vmem>>, vector<1x256xf32>
    %add3A_19 = vector.broadcast %get3A_18 : vector<1x256xf32> to vector<1000x256xf32>
    %add3A_20 = arith.addf %dot_general3A_15, %add3A_19 : vector<1000x256xf32>
    %max3A = arith.constant 0.000000e+00 : f32
    %max3A_21 = vector.broadcast %max3A : f32 to vector<1000x256xf32>
    %max3A_22 = arith.maximumf %add3A_20, %max3A_21 : vector<1000x256xf32>
    %get3A_23 = arith.constant 0 : index
    %get3A_24 = arith.constant 0 : index
    %get3A_25 = vector.load %arg5[%get3A_23, %get3A_24] : memref<256x128xf32, #tpu.memory_space<vmem>>, vector<256x128xf32>
    %dot_general3A_26 = arith.constant dense<0.000000e+00> : vector<1000x128xf32>
    %dot_general3A_27 = tpu.matmul %max3A_22, %get3A_25, %dot_general3A_26 {dimension_numbers = #tpu.dot_dimension_numbers<[1], [0], [0], [1], [0, 0, 1, 1], [], []>, transpose_lhs_hint = false} : vector<1000x256xf32>, vector<256x128xf32>, vector<1000x128xf32> -> vector<1000x128xf32>
    %get3A_28 = arith.constant 0 : index
    %get3A_29 = arith.constant 0 : index
    %get3A_30 = vector.load %arg6[%get3A_28, %get3A_29] : memref<1x128xf32, #tpu.memory_space<vmem>>, vector<1x128xf32>
    %add3A_31 = vector.broadcast %get3A_30 : vector<1x128xf32> to vector<1000x128xf32>
    %add3A_32 = arith.addf %dot_general3A_27, %add3A_31 : vector<1000x128xf32>
    %get3A_33 = arith.constant 0 : index
    %get3A_34 = arith.constant 0 : index
    %get3A_35 = vector.load %arg1[%get3A_33, %get3A_34] : memref<1000x128xf32, #tpu.memory_space<vmem>>, vector<1000x128xf32>
    %add3A_36 = arith.addf %add3A_32, %get3A_35 : vector<1000x128xf32>
    %swap3A = arith.constant 0 : index
    %swap3A_37 = arith.constant 0 : index
    %swap3A_38 = vector.load %arg7[%swap3A, %swap3A_37] : memref<1000x128xf32, #tpu.memory_space<vmem>>, vector<1000x128xf32>
    tpu.vector_store %arg7[%swap3A, %swap3A_37], %add3A_36 {strides = array<i32>} : memref<1000x128xf32, #tpu.memory_space<vmem>>, vector<1000x128xf32>,
    return
  }
  func.func @transform_0(%arg0: i32) -> (i32, i32) {
    %c0_i32 = arith.constant 0 : i32
    %c0_i32_0 = arith.constant 0 : i32
    return %arg0, %c0_i32 : i32, i32
  }
  func.func @transform_1(%arg0: i32) -> (i32, i32, i32) {
    %c0_i32 = arith.constant 0 : i32
    %c0_i32_0 = arith.constant 0 : i32
    %c0_i32_1 = arith.constant 0 : i32
    return %c0_i32, %arg0, %c0_i32_0 : i32, i32, i32
  }
  func.func @transform_2(%arg0: i32) -> (i32, i32) {
    %c0_i32 = arith.constant 0 : i32
    %c0_i32_0 = arith.constant 0 : i32
    %c0_i32_1 = arith.constant 0 : i32
    return %c0_i32, %c0_i32_0 : i32, i32
  }
  func.func @transform_3(%arg0: i32) -> (i32, i32) {
    %c0_i32 = arith.constant 0 : i32
    %c0_i32_0 = arith.constant 0 : i32
    %c0_i32_1 = arith.constant 0 : i32
    return %c0_i32, %c0_i32_0 : i32, i32
  }
  func.func @transform_4(%arg0: i32) -> (i32, i32) {
    %c0_i32 = arith.constant 0 : i32
    %c0_i32_0 = arith.constant 0 : i32
    %c0_i32_1 = arith.constant 0 : i32
    return %c0_i32, %c0_i32_0 : i32, i32
  }
  func.func @transform_5(%arg0: i32) -> (i32, i32) {
    %c0_i32 = arith.constant 0 : i32
    %c0_i32_0 = arith.constant 0 : i32
    %c0_i32_1 = arith.constant 0 : i32
    return %c0_i32, %c0_i32_0 : i32, i32
  }
  func.func @transform_6(%arg0: i32) -> (i32, i32) {
    %c0_i32 = arith.constant 0 : i32
    %c0_i32_0 = arith.constant 0 : i32
    return %arg0, %c0_i32 : i32, i32
  }
}

</mosaic_0001>

<sc_bundles>
// kernel: kernel.4.cloned.1.call-start
scs
__scs_entry_jumppad:
0x0: {  	(pc) =	sbr.rel $0x88, $3  }
0x1: {  	(tag) =	ssettag $0x0;
	lr =	simm.s32 $0x1  }
0x2: {  	[smem:$0x3F9A] =	sst lr;
	_ =	strace $0xD0000000  }
0x3: {  	_ = 	snop  }
0x4: {  	_ = 	snop  }
0x5: {  	_ = 	snop  }
0x6: {  	_ = 	snop  }
0x7: {  	_ = 	snop  }
__scs_overlays_trampoline_lowered:
0x8: {  	[smem:$0x3FA9] =	sst s0  }
0x9: {  	[smem:$0x3FAA] =	sst s1  }
0xa: {  	[smem:$0x3FAB] =	sst s2  }
0xb: {  	[smem:$0x3FAC] =	sst s3  }
0xc: {  	[smem:$0x3FAD] =	sst s4  }
0xd: {  	[smem:$0x3FAE] =	sst s5  }
0xe: {  	[smem:$0x3FAF] =	sst s6  }
0xf: {  	[smem:$0x3FB0] =	sst s7  }
0x10: {  	[smem:$0x3FB1] =	sst s8  }
0x11: {  	[smem:$0x3FB2] =	sst s9;
	s0 =	simm.s32 @!p0 $0x0  }
0x12: {  	s1 =	sld [smem:$0x3F98];
	s0 =	simm.s32 @p0 $0x1  }
0x13: {  	[smem:$0x3FB3] =	sst s0;
	s0 =	simm.s32 @!p1 $0x0  }
0x14: {  	s2 =	sld [smem:$0x3F97];
	s0 =	simm.s32 @p1 $0x1  }
0x15: {  	[smem:$0x3FB4] =	sst s0;
	s0 =	simm.s32 @!p2 $0x0  }
0x16: {  	s3 =	sld [smem:$0x3FDB];
	s0 =	simm.s32 @p2 $0x1  }
0x17: {  	s4 =	simm.s32 $0x1BF5;
	[smem:$0x3FB6] =	sst s0  }
0x18: {  	s0 =	sld [smem:$0x3F99];
	_ =	swait.ge [sflag:s4], $0x0  }
0x19: {  	s7 =	sld [smem:$0x3F9A]  }
0x1a: {  	s8 =	sadd.s32 $0xFFFFE003, lr  }
0x1b: {  	s9 =	sadd.s32 $0xFFFFFEF7, lr;
	s5 =	simm.s32 $0xFFFFFFFF;
	p2 =	slt.u32 s8, $0xFFFFF086  }
0x1c: {  	p1 =	slt.u32 s9, $0xF7A;
	s5 =	simm.s32 @!p2 $0x0  }
0x1d: {  	s5 =	simm.s32 @p1 $0x1;
	p0 =	seq.s32 s7, s2  }
0x1e: {  	s7 =	smul.u32 @!p0 $0xF7A, s2;
	p2 =	seq.s32 @!p0 s5, $0x0  }
0x1f: {  	s9 =	smul.u32 $0xF7A, s1;
	s8 =	simm.s32 @!p0 $0x1BF5;
	p2 =	por !p2, p0  }
0x20: {  	[sflag:s8] =	ssyncset.s32 @!p0 $0xFFFFF086;
	s6 =	sadd.s32 @!p0 s3, s7;
	s7 =	simm.s32 @!p0 $0x108  }
0x21: {  	s3 =	sadd.s32 s3, s9;
	s6 =	sadd.s32 @!p0 $0x88, s6;
	s7 =	simm.s32 @p2 $0x1082  }
0x22: {  	[simem:s7], [sflag:s8] =	dma.local @!p0 [hbm:s6], $0xF7A  }
0x23: {  	s9 =	sor.u32 $0xD0000000, s2;
	s6 =	simm.s32 $0x108;
	_ =	swait.ge @!p0 [sflag:s8], $0x0  }
0x24: {  	s3 =	sadd.s32 $0x88, s3;
	s6 =	simm.s32 @!p1 $0x1082;
	[sflag:s4] =	ssyncset.s32 $0xFFFFF086  }
0x25: {  	[simem:s6], [sflag:s4] =	dma.local [hbm:s3], $0xF7A  }
0x26: {  	[smem:$0x3F9A] =	sst s1;
	(tag) =	ssettag s2;
	_ =	strace s9  }
0x27: {  	s1 =	sld [smem:$0x3FAA]  }
0x28: {  	s2 =	sld [smem:$0x3FAB]  }
0x29: {  	s4 =	sld [smem:$0x3FAD]  }
0x2a: {  	p0 =	seq.s32 s5, $0x0;
	s5 =	sld [smem:$0x3FAE]  }
0x2b: {  	s6 =	sld [smem:$0x3FAF]  }
0x2c: {  	s7 =	sld [smem:$0x3FB0]  }
0x2d: {  	s3 =	simm.s32 $0x108;
	s8 =	sld [smem:$0x3FB1]  }
0x2e: {  	s3 =	simm.s32 @!p0 $0x1082;
	s9 =	sld [smem:$0x3FB2]  }
0x2f: {  	lr =	sadd.s32 s0, s3;
	s0 =	sld [smem:$0x3FA9]  }
0x30: {  	s3 =	sld [smem:$0x3FAC]  }
0x31: {  	[smem:$0x3FB5] =	sst s10  }
0x32: {  	s10 =	sld [smem:$0x3FB3];
	_ =	sdelay $0x3  }
0x33: {  	p0 =	seq.s32 s10, $0x1;
	s10 =	sld [smem:$0x3FB5];
	_ =	sdelay $0x3  }
0x34: {  	[smem:$0x3FB5] =	sst s10  }
0x35: {  	s10 =	sld [smem:$0x3FB4];
	_ =	sdelay $0x3  }
0x36: {  	p1 =	seq.s32 s10, $0x1;
	s10 =	sld [smem:$0x3FB5];
	_ =	sdelay $0x3  }
0x37: {  	[smem:$0x3FB5] =	sst s10  }
0x38: {  	s10 =	sld [smem:$0x3FB6]  }
0x39: {  	_ = 	snop;
	(pc) =	sbr.ind lr, $3  }
0x3a: {  	_ = 	snop  }
0x3b: {  	_ = 	snop  }
0x3c: {  	p2 =	seq.s32 s10, $0x1;
	s10 =	sld [smem:$0x3FB5]  }
0x3d: {  	_ =	shalt  }
0x3e: {  	_ =	shalt  }
0x3f: {  	_ =	shalt  }
0x40: {  	_ =	shalt  }
0x41: {  	_ =	shalt  }
0x42: {  	_ =	shalt  }
0x43: {  	_ =	shalt  }
0x44: {  	_ =	shalt  }
0x45: {  	_ =	shalt  }
0x46: {  	_ =	shalt  }
0x47: {  	_ =	shalt  }
0x48: {  	_ =	shalt  }
0x49: {  	_ =	shalt  }
0x4a: {  	_ =	shalt  }
0x4b: {  	_ =	shalt  }
0x4c: {  	_ =	shalt  }
0x4d: {  	_ =	shalt  }
0x4e: {  	_ =	shalt  }
0x4f: {  	_ =	shalt  }
0x50: {  	_ =	shalt  }
0x51: {  	_ =	shalt  }
0x52: {  	_ =	shalt  }
0x53: {  	_ =	shalt  }
0x54: {  	_ =	shalt  }
0x55: {  	_ =	shalt  }
0x56: {  	_ =	shalt  }
0x57: {  	_ =	shalt  }
0x58: {  	_ =	shalt  }
0x59: {  	_ =	shalt  }
0x5a: {  	_ =	shalt  }
0x5b: {  	_ =	shalt  }
0x5c: {  	_ =	shalt  }
0x5d: {  	_ =	shalt  }
0x5e: {  	_ =	shalt  }
0x5f: {  	_ =	shalt  }
0x60: {  	_ =	shalt  }
0x61: {  	_ =	shalt  }
0x62: {  	_ =	shalt  }
0x63: {  	_ =	shalt  }
0x64: {  	_ =	shalt  }
0x65: {  	_ =	shalt  }
0x66: {  	_ =	shalt  }
0x67: {  	_ =	shalt  }
0x68: {  	_ =	shalt  }
0x69: {  	_ =	shalt  }
0x6a: {  	_ =	shalt  }
0x6b: {  	_ =	shalt  }
0x6c: {  	_ =	shalt  }
0x6d: {  	_ =	shalt  }
0x6e: {  	_ =	shalt  }
0x6f: {  	_ =	shalt  }
0x70: {  	_ =	shalt  }
0x71: {  	_ =	shalt  }
0x72: {  	_ =	shalt  }
0x73: {  	_ =	shalt  }
0x74: {  	_ =	shalt  }
0x75: {  	_ =	shalt  }
0x76: {  	_ =	shalt  }
0x77: {  	_ =	shalt  }
0x78: {  	_ =	shalt  }
0x79: {  	_ =	shalt  }
0x7a: {  	_ =	shalt  }
0x7b: {  	_ =	shalt  }
0x7c: {  	_ =	shalt  }
0x7d: {  	_ =	shalt  }
0x7e: {  	_ =	shalt  }
0x7f: {  	_ =	shalt  }
0x80: {  	_ =	shalt  }
0x81: {  	_ =	shalt  }
0x82: {  	_ =	shalt  }
0x83: {  	_ =	shalt  }
0x84: {  	_ =	shalt  }
0x85: {  	_ =	shalt  }
0x86: {  	_ =	shalt  }
0x87: {  	_ =	shalt  }
.Lfunc_end0:
.L_simem_size_0:
called_computation_lowered:
.L_overlay_start_0:
0x88: {  	s2 =	sld [smem:$0x3FD9]  }
0x89: {  	s3 =	sld [smem:$0x3FFE];
	_ =	sdelay $0x1  }
0x8a: {  	s1 =	srdreg.scid  }
0x8b: {  	s0 =	sand.u32 $0x1, s1  }
0x8c: {  	s17 =	sshll.u32 s0, $0xA;
	s2 =	sadd.s32 s3, s2  }
0x8d: {  	s2 =	sadd.s32 s2, s17  }
0x8e: {  	[smem:$0x3FC1] =	sst s2  }
0x8f: {  	_ = 	snop  }
0x90: {  	s2 =	sld [smem:$0x3FC7]  }
0x91: {  	s18 =	sld [smem:$0x3FD0];
	(tm) =	ssettm $0x1  }
0x92: {  	s4 =	sld [smem:$0x3FFB];
	_ =	sdelay $0x3  }
0x93: {  	_ =	strace s4  }
0x94: {  	s4 =	sld [smem:$0x3FFC];
	_ =	sdelay $0x3  }
0x95: {  	_ =	strace s4  }
0x96: {  	s4 =	sld [smem:$0x3FFD];
	_ =	sdelay $0x3  }
0x97: {  	_ =	strace s4  }
0x98: {  	_ =	strace $0x8FFFFFFF  }
0x99: {  	s19 =	sld [smem:$0x3FDB];
	_ =	sdelay $0x1  }
0x9a: {  	s5 =	simm.s32 $_scs_section_size  }
0x9b: {  	s6 =	simm.s32 $_size__tile_overlayer_lowered;
	s7 =	simm.s32 $_tile_overlayer_lowered  }
0x9c: {  	s22 =	simm.s32 $0x1BFF;
	s21 =	sshll.u32 s7, $0x1;
	s4 =	sadd.s32 s5, s19  }
0x9d: {  	s8 =	simm.s32 $0x0;
	s20 =	sshll.u32 s6, $0x1;
	s6 =	sadd.s32 s21, s4  }
0x9e: {  	[timem:s8], [sflag:s22] =	dma.local [hbm:s6], s20  }
0x9f: {  	_ =	swait.ge [sflag:s22], s20  }
0xa0: {  	s5 =	ssub.s32 $0x0, s20;
	[sflag:s22] =	ssyncset.done $0x0  }
0xa1: {  	[sflag:s22] =	ssyncadd.s32 s5;
	_ =	sdelay $0x1  }
0xa2: {  	s23 =	simm.s32 $0x1B8B  }
0xa3: {  	_ =	swait.ge [sflag:s23], $0x1  }
0xa4: {  	[sflag:s23] =	ssyncset.done $0x0  }
0xa5: {  	s25 =	simm.s32 $0x1B8E;
	s24 =	sld [smem:$0x3FFE];
	[sflag:s23] =	ssyncadd.s32 $0xFFFFFFFF  }
0xa6: {  	s26 =	simm.s32 $execute0_lowered;
	[smem:$0x3FD2] =	sst s25  }
0xa7: {  	s6 =	sshll.u32 s26, $0x1;
	_ =	strace $0x80000046;
	[dreg:$0x1] =	wrdreg $0xFFFFFFFF  }
0xa8: {  	s28 =	simm.s32 $_size_execute0_lowered;
	s4 =	sadd.s32 s4, s6;
	[dreg:$0x0] =	wrdreg $0x0  }
0xa9: {  	s6 =	sshll.u32 s28, $0x1;
	[dreg:$0x2] =	wrdreg s4  }
0xaa: {  	[dreg:$0x3] =	wrdreg s6  }
0xab: {  	[dreg:$0x4] =	wrdreg $0xC0  }
0xac: {  	_ =	task [dreg:s8], $0x5FFFF  }
0xad: {  	[dreg:$0x1] =	wrdreg $0xFFFFFFFF  }
0xae: {  	[dreg:$0x0] =	wrdreg $0x60  }
0xaf: {  	[dreg:$0x2] =	wrdreg s18  }
0xb0: {  	[dreg:$0x3] =	wrdreg s2  }
0xb1: {  	[dreg:$0x4] =	wrdreg s24  }
0xb2: {  	[dreg:$0x5] =	wrdreg $0xB8000  }
0xb3: {  	[dreg:$0x6] =	wrdreg $0x9  }
0xb4: {  	_ =	task.clear_ibuf [dreg:s8], $0x7FFFF;
	_ =	strace $0x90000046  }
0xb5: {  	s29 =	simm.s32 $0x9;
	_ =	strace $0x80000048  }
0xb6: {  	_ =	swait.ge [sflag:s29], $0x1  }
0xb7: {  	[sflag:s29] =	ssyncadd.s32 $0xFFFFFFFF  }
0xb8: {  	_ =	strace $0x90000048  }
0xb9: {  	_ =	sfence  }
0xba: {  	s30 =	sld [smem:$0x0];
	_ =	sdelay $0x2  }
0xbb: {  	s31 =	sshll.u32 s1, $0xD;
	s1 =	sshrl.u32 s1, $0x2  }
0xbc: {  	s3 =	sand.u32 $0x4000, s31;
	s1 =	sadd.s32 s1, s30  }
0xbd: {  	s0 =	sor.u32 s3, s0;
	s1 =	sshll.u32 s1, $0x11  }
0xbe: {  	s0 =	sor.u32 s1, s0  }
0xbf: {  	s0 =	sadd.s32 $0x8F2B, s0  }
0xc0: {  	[sflag:s0] =	ssyncadd.remote.s32 $0x1  }
0xc1: {  	_ =	sfence.sel $0xFFFF  }
0xc2: {  	[dreg:$0x0] =	wrdreg $0xFFFFFFFF;
	(pc) =	sbr.abs _section_cstart, $3  }
0xc3: {  	[dreg:$0x1] =	wrdreg $0xFFFFFFFF  }
0xc4: {  	_ =	task.clear_ibuf [dreg:s8], $0x2FFFF;
	_ =	strace $0x9FFFFFFF  }
0xc5: {  	(tm) =	ssettm $0x7FFFFFFF  }
tec
execute0_lowered:
.L_overlay_start_1:
0x0: {  	(tag) =	ssettag $0x1  }
0x1: {  	s11 =	rddreg [dreg:$0x0]  }
0x2: {  	s0 =	rddreg [dreg:$0x1]  }
0x3: {  	s1 =	srdreg.scid;
	s12 =	stileid.u32  }
0x4: {  	s2 =	rddreg [dreg:$0x2];
	s6 =	smul.u32 $0x1400, s12  }
0x5: {  	s3 =	rddreg [dreg:$0x3];
	s5 =	sand.u32 $0x1, s1;
	s24 =	smul.u32 $0x27100, s12  }
0x6: {  	s4 =	simm.s32 $0x0;
	s1 =	smul.u32 $0x138800, s5;
	s7 =	sshll.u32 s5, $0x4  }
0x7: {  	[smem:$0x7FF] =	sst s4;
	s23 =	smul.u32 $0x271000, s5;
	s25 =	sor.u32 s12, s7  }
0x8: {  	_ =	strace $0x80000047;
	s1 =	sadd.s32 s6, s1;
	s7 =	smul.u32 $0x2710, s25  }
0x9: {  	s26 =	ssub.s32 $0x2, s5;
	s10 =	smul.u32 $0x138800, s25;
	s1 =	sshrl.u32 s1, $0x3  }
0xa: {  	s8 =	sshrl.u32 s26, $0x1;
	s6 =	smul.u32 $0x27100, s25;
	s1 =	sadd.s32 s1, s2  }
0xb: {  	s9 =	sshrl.u32 s7, $0x3;
	s2 =	ssub.s32 s26, s8;
	s13 =	sadd.s32 $0x4E228, s7  }
0xc: {  	s10 =	sshrl.u32 s10, $0x3;
	s6 =	sadd.s32 s0, s6;
	s8 =	sadd.s32 s11, s9  }
0xd: {  	[dreg:$0x6] =	wrdreg s6;
	s14 =	sshrl.u32 s13, $0x3;
	s9 =	sadd.s32 $0x9C40, s8  }
0xe: {  	s15 =	sadd.s32 s0, s10;
	s6 =	sadd.s32 s11, s14;
	[dreg:$0x5] =	wrdreg s9  }
0xf: {  	s5 =	smul.u32 $0x27100, s5;
	s16 =	sadd.s32 $0x280, s15;
	[dreg:$0x7] =	wrdreg s6  }
0x10: {  	s17 =	sadd.s32 $0x4E278, s7;
	s18 =	sadd.s32 $0x9C4A, s8;
	[dreg:$0x8] =	wrdreg s16  }
0x11: {  	s21 =	sadd.s32 $0x4E2C8, s7;
	s19 =	sadd.s32 $0x500, s15;
	[dreg:$0x9] =	wrdreg s18  }
0x12: {  	s7 =	sadd.s32 $0x4E318, s7;
	s20 =	sadd.s32 $0x780, s15;
	[dreg:$0xa] =	wrdreg s19  }
0x13: {  	s26 =	smul.u32 $0x2710, s12;
	s22 =	sadd.s32 $0x9C54, s8;
	[dreg:$0xc] =	wrdreg s20  }
0x14: {  	s7 =	sshrl.u32 s7, $0x3;
	s13 =	sadd.s32 $0xA00, s15;
	[dreg:$0xd] =	wrdreg s22  }
0x15: {  	s0 =	sadd.s32 s23, s0;
	s25 =	sadd.s32 $0xC80, s15;
	[dreg:$0xe] =	wrdreg s13  }
0x16: {  	s1 =	sadd.s32 $0x1000, s1;
	s8 =	sadd.s32 $0x9C5E, s8;
	[dreg:$0x10] =	wrdreg s25  }
0x17: {  	s7 =	sadd.s32 s11, s7;
	s5 =	sadd.s32 s26, s5;
	[dreg:$0x11] =	wrdreg s8  }
0x18: {  	s10 =	sadd.s32 $0xF00, s15;
	s6 =	sshrl.u32 s17, $0x3;
	[dreg:$0x12] =	wrdreg s7  }
0x19: {  	s19 =	sadd.s32 s24, s0;
	s8 =	smul.u32 $0x5000, s12;
	[dreg:$0x13] =	wrdreg s10  }
0x1a: {  	s14 =	sadd.s32 $0x4E458, s5;
	s16 =	sadd.s32 $0x4E408, s5;
	s17 =	sadd.s32 $0x4E3E0, s5  }
0x1b: {  	s18 =	sadd.s32 $0x4E3B8, s5;
	s20 =	sadd.s32 $0x4E390, s5;
	s23 =	sadd.s32 $0x4E340, s5  }
0x1c: {  	s7 =	simm.s32 $0x1800;
	s9 =	simm.s32 $0x9;
	s10 =	simm.s32 $0x1  }
0x1d: {  	s6 =	sadd.s32 s11, s6;
	s25 =	sshrl.u32 s14, $0x3;
	s28 =	sshrl.u32 s16, $0x3  }
0x1e: {  	s29 =	sshrl.u32 s17, $0x3;
	s30 =	sshrl.u32 s18, $0x3;
	s31 =	sshrl.u32 s20, $0x3  }
0x1f: {  	s0 =	sshrl.u32 s23, $0x3;
	s14 =	simm.s32 $0x0;
	[dreg:$0xb] =	wrdreg s6  }
0x20: {  	s6 =	sshrl.u32 s21, $0x3;
	s13 =	sshrl.u32 s8, $0x2;
	s21 =	sadd.s32 $0x4E368, s5  }
0x21: {  	s8 =	simm.s32 $0xA400;
	s6 =	sadd.s32 s11, s6;
	s11 =	sadd.s32 $0x1180, s15  }
0x22: {  	s24 =	sadd.s32 s13, s3;
	s15 =	sadd.s32 $0x4E430, s5;
	s5 =	simm.s32 $0x400  }
0x23: {  	s13 =	simm.s32 $0xA;
	[dreg:$0xf] =	wrdreg s6;
	s6 =	ssub.s32 $0x109, s12  }
0x24: {  	[dreg:$0x14] =	wrdreg s11;
	s12 =	smax.u32 s2, $0x1;
	s26 =	sshrl.u32 s15, $0x3  }
0x25: {  	s2 =	sshrl.u32 s21, $0x3;
	s11 =	simm.s32 $0x28;
	s22 =	sshrl.u32 s6, $0x4  }
0x26: {  	v0 =	vimm.f32 $0.0e+00;
	[dreg:$0x15] =	wrdreg s12;
	s6 =	simm.s32 $0x80;
	s12 =	simm.s32 $0x2  }
.LBB2_1:
0x27: {  	s15 =	rddreg [dreg:$0x5]  }
0x28: {  	[tilespmem:s4], [sflag:$0x1] =	stream.linear.gather [hbm4b:s15+s4], $0x28, $0x38;
	[tilespmem:$0x1F080] =	vst v63  }
0x29: {  	s21 =	rddreg [dreg:$0x6]  }
0x2a: {  	[tilespmem:s5], [sflag:$0x1] =	stream.linear.gather [hbm4b:s21+s4], $0x1400, $0x38;
	[tilespmem:$0x1F080] =	vst v63  }
0x2b: {  	s23 =	rddreg [dreg:$0x7]  }
0x2c: {  	[tilespmem:s6], [sflag:$0x2] =	stream.linear.gather [hbm4b:s23+s4], $0x28, $0x38;
	[tilespmem:$0x1F080] =	vst v63  }
0x2d: {  	s16 =	rddreg [dreg:$0x8]  }
0x2e: {  	[tilespmem:s7], [sflag:$0x2] =	stream.linear.gather [hbm4b:s16+s4], $0x1400, $0x38;
	[tilespmem:$0x1F080] =	vst v63  }
0x2f: {  	s17 =	rddreg [dreg:$0x9];
	s16 =	simm.s32 $0x100  }
0x30: {  	[tilespmem:s16], [sflag:$0x3] =	stream.linear.gather [hbm4b:s17+s4], $0x28, $0x38;
	[tilespmem:$0x1F080] =	vst v63  }
0x31: {  	s18 =	rddreg [dreg:$0xa];
	s20 =	simm.s32 $0x2C00  }
0x32: {  	[tilespmem:s20], [sflag:$0x3] =	stream.linear.gather [hbm4b:s18+s4], $0x1400, $0x38;
	[tilespmem:$0x1F080] =	vst v63  }
0x33: {  	s21 =	rddreg [dreg:$0xb];
	s23 =	simm.s32 $0x180  }
0x34: {  	[tilespmem:s23], [sflag:$0x4] =	stream.linear.gather [hbm4b:s21+s4], $0x28, $0x38;
	[tilespmem:$0x1F080] =	vst v63  }
0x35: {  	s16 =	rddreg [dreg:$0xc];
	s17 =	simm.s32 $0x4000  }
0x36: {  	[tilespmem:s17], [sflag:$0x4] =	stream.linear.gather [hbm4b:s16+s4], $0x1400, $0x38;
	[tilespmem:$0x1F080] =	vst v63  }
0x37: {  	s18 =	rddreg [dreg:$0xd];
	s20 =	simm.s32 $0x200  }
0x38: {  	[tilespmem:s20], [sflag:$0x5] =	stream.linear.gather [hbm4b:s18+s4], $0x28, $0x38;
	[tilespmem:$0x1F080] =	vst v63  }
0x39: {  	s21 =	rddreg [dreg:$0xe];
	s23 =	simm.s32 $0x5400  }
0x3a: {  	[tilespmem:s23], [sflag:$0x5] =	stream.linear.gather [hbm4b:s21+s4], $0x1400, $0x38;
	[tilespmem:$0x1F080] =	vst v63  }
0x3b: {  	s16 =	rddreg [dreg:$0xf];
	s17 =	simm.s32 $0x280  }
0x3c: {  	[tilespmem:s17], [sflag:$0x6] =	stream.linear.gather [hbm4b:s16+s4], $0x28, $0x38;
	[tilespmem:$0x1F080] =	vst v63  }
0x3d: {  	s18 =	rddreg [dreg:$0x10];
	s20 =	simm.s32 $0x6800  }
0x3e: {  	[tilespmem:s20], [sflag:$0x6] =	stream.linear.gather [hbm4b:s18+s4], $0x1400, $0x38;
	[tilespmem:$0x1F080] =	vst v63  }
0x3f: {  	s21 =	rddreg [dreg:$0x11];
	s23 =	simm.s32 $0x300  }
0x40: {  	[tilespmem:s23], [sflag:$0x7] =	stream.linear.gather [hbm4b:s21+s4], $0x28, $0x38;
	[tilespmem:$0x1F080] =	vst v63  }
0x41: {  	s16 =	rddreg [dreg:$0x13];
	s17 =	simm.s32 $0x7C00  }
0x42: {  	[tilespmem:s17], [sflag:$0x7] =	stream.linear.gather [hbm4b:s16+s4], $0x1400, $0x38;
	[tilespmem:$0x1F080] =	vst v63  }
0x43: {  	s15 =	simm.s32 $0x70;
	s18 =	rddreg [dreg:$0x12];
	s20 =	simm.s32 $0x380  }
0x44: {  	[tilespmem:s20], [sflag:$0x8] =	stream.linear.gather [hbm4b:s18+s4], $0x28, $0x38;
	[tilespmem:$0x1F080] =	vst v63  }
0x45: {  	s21 =	rddreg [dreg:$0x14];
	s23 =	simm.s32 $0x9000;
	s16 =	simm.s32 $0x3C0  }
0x46: {  	[tilespmem:s23], [sflag:$0x8] =	stream.linear.gather [hbm4b:s21+s4], $0x1400, $0x38;
	[tilespmem:$0x1F080] =	vst v63  }
.LBB2_2:
0x47: {  	p0 =	sne.s32 s16, $0x4FC0;
	[tilespmem:s15+$0xA400] =	vst v0  }
0x48: {  	[tilespmem:s15+$0xA390] =	vst v0  }
0x49: {  	[tilespmem:s15+$0xA3A0] =	vst v0  }
.Ltmp0:
0x4a: {  	[tilespmem:s15+$0xA3B0] =	vst v0;
	(pc) =	sbr.rel @p0 .LBB2_2-.Ltmp0, $4  }
0x4b: {  	[tilespmem:s15+$0xA3C0] =	vst v0  }
0x4c: {  	[tilespmem:s15+$0xA3D0] =	vst v0  }
0x4d: {  	[tilespmem:s15+$0xA3E0] =	vst v0  }
0x4e: {  	[tilespmem:s15+$0xA3F0] =	vst v0;
	s15 =	sshra.s32 s16, $0x2;
	s16 =	sadd.s32 $0x200, s16  }
0x4f: {  	[tilespmem:s15+$0xA400] =	vst v0  }
0x50: {  	[tilespmem:s15+$0xA390] =	vst v0  }
0x51: {  	[tilespmem:s15+$0xA3A0] =	vst v0  }
0x52: {  	[tilespmem:s15+$0xA3B0] =	vst v0;
	p0 =	sne.s32 s22, $0x1  }
.Ltmp1:
0x53: {  	[tilespmem:s15+$0xA3C0] =	vst v0;
	(pc) =	sbr.rel @!p0 .LBB2_5-.Ltmp1, $4  }
0x54: {  	[tilespmem:s15+$0xA3D0] =	vst v0  }
0x55: {  	[tilespmem:s15+$0xA3E0] =	vst v0  }
0x56: {  	[tilespmem:s15+$0xA3F0] =	vst v0;
	s15 =	sadd.s32 $0xFFFFFFFF, s22;
	s16 =	smov.u32 s24  }
0x57: {  	[spmem:s24] =	stream.linear.scatter [tilespmem:s8], [sflag:$0x9], $0x1400, $0x38;
	[tilespmem:$0x1F080] =	vst v63  }
.LBB2_4:
0x58: {  	p1 =	sne.s32 s15, $0x1  }
.Ltmp2:
0x59: {  	_ = 	snop;
	(pc) =	sbr.rel @p1 .LBB2_4-.Ltmp2, $3  }
0x5a: {  	_ = 	snop  }
0x5b: {  	s15 =	sadd.s32 $0xFFFFFFFF, s15;
	s16 =	sadd.s32 $0x14000, s16;
	_ =	sdelay $0x1  }
0x5c: {  	[spmem:s16] =	stream.linear.scatter [tilespmem:s8], [sflag:$0x9], $0x1400, $0x38;
	[tilespmem:$0x1F080] =	vst v63  }
.LBB2_5:
.Ltmp3:
0x5d: {  	(pc) =	sbr.rel @!p0 .LBB2_7-.Ltmp3, $3  }
0x5e: {  	_ =	sdelay $0x1  }
0x5f: {  	_ =	swait.ge [sflag:s9], $0x1400  }
0x60: {  	s15 =	sadd.s32 $0xFFFFFFFF, s22;
	[sflag:s9] =	ssyncset.done $0x0  }
.LBB2_6:
0x61: {  	p1 =	sne.s32 s15, $0x1;
	s15 =	sadd.s32 $0xFFFFFFFF, s15;
	[sflag:s9] =	ssyncadd.s32 $0xFFFFEC00  }
.Ltmp4:
0x62: {  	(pc) =	sbr.rel @p1 .LBB2_6-.Ltmp4, $3  }
0x63: {  	_ =	sdelay $0x1  }
0x64: {  	_ =	swait.ge [sflag:s9], $0x1400  }
0x65: {  	[sflag:s9] =	ssyncset.done $0x0  }
.LBB2_7:
0x66: {  	[sflag:s9] =	ssyncadd.s32 $0xFFFFEC00  }
0x67: {  	s15 =	simm.s32 $0x0;
	[bflag:$0x0] =	sbarrier.arrive $0xFFFF  }
0x68: {  	s16 =	simm.s32 $0xF;
	s18 =	simm.s32 $0x0;
	s17 =	rddreg [dreg:$0x0]  }
.LBB2_8:
0x69: {  	_ =	swait.ge [sflag:s10], $0x28  }
0x6a: {  	[sflag:s10] =	ssyncset.done $0x0  }
0x6b: {  	[sflag:s10] =	ssyncadd.s32 $0xFFFFFFD8  }
0x6c: {  	_ =	swait.ge [sflag:s10], $0x1400  }
0x6d: {  	[sflag:s10] =	ssyncset.done $0x0  }
0x6e: {  	[sflag:s10] =	ssyncadd.s32 $0xFFFFEC00  }
0x6f: {  	[spmem:s3] =	stream.indirect.scatter.add.f32 [tilespmem:s5], [sflag:$0x9], $0x80, s4, s11, $0xb8;
	[tilespmem:$0x1F080] =	vst v63  }
0x70: {  	_ =	swait.ge [sflag:s12], $0x28  }
0x71: {  	[sflag:s12] =	ssyncset.done $0x0  }
0x72: {  	[sflag:s12] =	ssyncadd.s32 $0xFFFFFFD8  }
0x73: {  	_ =	swait.ge [sflag:s12], $0x1400  }
0x74: {  	p1 =	sgt.u32 s18, $0x1E;
	[sflag:s12] =	ssyncset.done $0x0  }
0x75: {  	s20 =	simm.s32 @!p1 $0x3;
	[sflag:s12] =	ssyncadd.s32 $0xFFFFEC00  }
0x76: {  	[spmem:s3] =	stream.indirect.scatter.add.f32 [tilespmem:s7], [sflag:$0xA], $0x80, s6, s11, $0xb8;
	[tilespmem:$0x1F080] =	vst v63  }
0x77: {  	_ =	swait.ge @!p1 [sflag:s20], $0x28  }
0x78: {  	[sflag:s20] =	ssyncset.done @!p1 $0x0  }
0x79: {  	[sflag:s20] =	ssyncadd.s32 @!p1 $0xFFFFFFD8  }
0x7a: {  	_ =	swait.ge @!p1 [sflag:s20], $0x1400  }
0x7b: {  	s21 =	simm.s32 @!p1 $0x100;
	[sflag:s20] =	ssyncset.done @!p1 $0x0  }
0x7c: {  	s23 =	simm.s32 @!p1 $0x2C00;
	[sflag:s20] =	ssyncadd.s32 @!p1 $0xFFFFEC00;
	s20 =	simm.s32 @!p1 $0x28  }
0x7d: {  	[spmem:s3] =	stream.indirect.scatter.add.f32 @!p1 [tilespmem:s23], [sflag:$0xB], $0x80, s21, s20, $0xb8;
	[tilespmem:$0x1F080] =	vst v63  }
0x7e: {  	s21 =	simm.s32 @!p1 $0x4  }
0x7f: {  	_ =	swait.ge @!p1 [sflag:s21], $0x28  }
0x80: {  	[sflag:s21] =	ssyncset.done @!p1 $0x0  }
0x81: {  	[sflag:s21] =	ssyncadd.s32 @!p1 $0xFFFFFFD8  }
0x82: {  	_ =	swait.ge @!p1 [sflag:s21], $0x1400  }
0x83: {  	[sflag:s21] =	ssyncset.done @!p1 $0x0  }
0x84: {  	s23 =	simm.s32 @!p1 $0x4000;
	[sflag:s21] =	ssyncadd.s32 @!p1 $0xFFFFEC00;
	s21 =	simm.s32 @!p1 $0x180  }
0x85: {  	[spmem:s3] =	stream.indirect.scatter.add.f32 @!p1 [tilespmem:s23], [sflag:$0xC], $0x80, s21, s20, $0xb8;
	[tilespmem:$0x1F080] =	vst v63  }
0x86: {  	s21 =	simm.s32 @!p1 $0x5  }
0x87: {  	_ =	swait.ge @!p1 [sflag:s21], $0x28  }
0x88: {  	[sflag:s21] =	ssyncset.done @!p1 $0x0  }
0x89: {  	[sflag:s21] =	ssyncadd.s32 @!p1 $0xFFFFFFD8  }
0x8a: {  	_ =	swait.ge @!p1 [sflag:s21], $0x1400  }
0x8b: {  	[sflag:s21] =	ssyncset.done @!p1 $0x0  }
0x8c: {  	s23 =	simm.s32 @!p1 $0x5400;
	[sflag:s21] =	ssyncadd.s32 @!p1 $0xFFFFEC00;
	s21 =	simm.s32 @!p1 $0x200  }
0x8d: {  	[spmem:s3] =	stream.indirect.scatter.add.f32 @!p1 [tilespmem:s23], [sflag:$0xD], $0x80, s21, s20, $0xb8;
	[tilespmem:$0x1F080] =	vst v63  }
0x8e: {  	s21 =	simm.s32 @!p1 $0x6  }
0x8f: {  	_ =	swait.ge @!p1 [sflag:s21], $0x28  }
0x90: {  	[sflag:s21] =	ssyncset.done @!p1 $0x0  }
0x91: {  	[sflag:s21] =	ssyncadd.s32 @!p1 $0xFFFFFFD8  }
0x92: {  	_ =	swait.ge @!p1 [sflag:s21], $0x1400  }
0x93: {  	[sflag:s21] =	ssyncset.done @!p1 $0x0  }
0x94: {  	s23 =	simm.s32 @!p1 $0x6800;
	[sflag:s21] =	ssyncadd.s32 @!p1 $0xFFFFEC00;
	s21 =	simm.s32 @!p1 $0x280  }
0x95: {  	[spmem:s3] =	stream.indirect.scatter.add.f32 @!p1 [tilespmem:s23], [sflag:$0xE], $0x80, s21, s20, $0xb8;
	[tilespmem:$0x1F080] =	vst v63  }
0x96: {  	s21 =	simm.s32 @!p1 $0x7  }
0x97: {  	_ =	swait.ge @!p1 [sflag:s21], $0x28  }
0x98: {  	[sflag:s21] =	ssyncset.done @!p1 $0x0  }
0x99: {  	[sflag:s21] =	ssyncadd.s32 @!p1 $0xFFFFFFD8  }
0x9a: {  	_ =	swait.ge @!p1 [sflag:s21], $0x1400  }
0x9b: {  	[sflag:s21] =	ssyncset.done @!p1 $0x0  }
0x9c: {  	s23 =	simm.s32 @!p1 $0x7C00;
	[sflag:s21] =	ssyncadd.s32 @!p1 $0xFFFFEC00;
	s21 =	simm.s32 @!p1 $0x300  }
0x9d: {  	[spmem:s3] =	stream.indirect.scatter.add.f32 @!p1 [tilespmem:s23], [sflag:$0xF], $0x80, s21, s20, $0xb8;
	[tilespmem:$0x1F080] =	vst v63  }
0x9e: {  	s21 =	simm.s32 @!p1 $0x8  }
0x9f: {  	_ =	swait.ge @!p1 [sflag:s21], $0x28  }
0xa0: {  	[sflag:s21] =	ssyncset.done @!p1 $0x0  }
0xa1: {  	[sflag:s21] =	ssyncadd.s32 @!p1 $0xFFFFFFD8  }
0xa2: {  	_ =	swait.ge @!p1 [sflag:s21], $0x1400  }
0xa3: {  	p2 =	sne.s32 s15, $0x26C00;
	s23 =	simm.s32 @!p1 $0x9000;
	[sflag:s21] =	ssyncset.done @!p1 $0x0  }
.Ltmp5:
0xa4: {  	[sflag:s21] =	ssyncadd.s32 @!p1 $0xFFFFEC00;
	s21 =	simm.s32 @!p1 $0x380;
	(pc) =	sbr.rel @!p2 .LBB2_9-.Ltmp5, $4  }
0xa5: {  	[spmem:s3] =	stream.indirect.scatter.add.f32 @!p1 [tilespmem:s23], [sflag:$0x10], $0x80, s21, s20, $0xb8;
	[tilespmem:$0x1F080] =	vst v63  }
0xa6: {  	_ =	swait.ge [sflag:s9], $0x1400  }
0xa7: {  	[sflag:s9] =	ssyncset.done $0x0  }
0xa8: {  	[sflag:s9] =	ssyncadd.s32 $0xFFFFEC00  }
0xa9: {  	s20 =	sadd.s32 s17, s0  }
0xaa: {  	[tilespmem:s4], [sflag:$0x1] =	stream.linear.gather [hbm4b:s20+s4], $0x28, $0x38;
	[tilespmem:$0x1F080] =	vst v63  }
0xab: {  	s20 =	sadd.s32 s15, s19  }
0xac: {  	s21 =	sadd.s32 $0x1400, s20  }
0xad: {  	[tilespmem:s5], [sflag:$0x1] =	stream.linear.gather [hbm4b:s21+s4], $0x1400, $0x38;
	[tilespmem:$0x1F080] =	vst v63  }
0xae: {  	_ =	swait.ge [sflag:s13], $0x1400  }
0xaf: {  	[sflag:s13] =	ssyncset.done $0x0  }
0xb0: {  	s23 =	sadd.s32 s17, s2;
	[sflag:s13] =	ssyncadd.s32 $0xFFFFEC00  }
0xb1: {  	[tilespmem:s6], [sflag:$0x2] =	stream.linear.gather [hbm4b:s23+s4], $0x28, $0x38;
	[tilespmem:$0x1F080] =	vst v63  }
0xb2: {  	s20 =	sadd.s32 $0x1680, s20  }
0xb3: {  	[tilespmem:s7], [sflag:$0x2] =	stream.linear.gather [hbm4b:s20+s4], $0x1400, $0x38;
	[tilespmem:$0x1F080] =	vst v63  }
0xb4: {  	s23 =	sadd.s32 $0xFFFFFFFB, s16;
	s20 =	simm.s32 @!p1 $0xB  }
0xb5: {  	p2 =	sgt.u32 s23, $0xF9;
	_ =	swait.ge @!p1 [sflag:s20], $0x1400  }
0xb6: {  	s21 =	simm.s32 @!p2 $0x0;
	[sflag:s20] =	ssyncset.done @!p1 $0x0  }
0xb7: {  	s23 =	simm.s32 @!p2 $0x100;
	[sflag:s20] =	ssyncadd.s32 @!p1 $0xFFFFEC00;
	s20 =	sadd.s32 @!p2 s17, s31  }
0xb8: {  	[tilespmem:s23], [sflag:$0x3] =	stream.linear.gather @!p2 [hbm4b:s20+s21], $0x28, $0x38;
	[tilespmem:$0x1F080] =	vst v63  }
0xb9: {  	s20 =	sadd.s32 @!p2 s15, s19  }
0xba: {  	s23 =	simm.s32 @!p2 $0x2C00;
	s20 =	sadd.s32 @!p2 $0x1900, s20  }
0xbb: {  	[tilespmem:s23], [sflag:$0x3] =	stream.linear.gather @!p2 [hbm4b:s20+s21], $0x1400, $0x38;
	[tilespmem:$0x1F080] =	vst v63  }
0xbc: {  	s20 =	simm.s32 @!p1 $0xC;
	s23 =	sadd.s32 $0xFFFFFFFC, s16  }
0xbd: {  	_ =	swait.ge @!p1 [sflag:s20], $0x1400;
	p2 =	sgt.u32 s23, $0xF9  }
0xbe: {  	[sflag:s20] =	ssyncset.done @!p1 $0x0;
	s21 =	simm.s32 @!p2 $0x0  }
0xbf: {  	s23 =	simm.s32 @!p2 $0x180;
	[sflag:s20] =	ssyncadd.s32 @!p1 $0xFFFFEC00;
	s20 =	sadd.s32 @!p2 s17, s30  }
0xc0: {  	[tilespmem:s23], [sflag:$0x4] =	stream.linear.gather @!p2 [hbm4b:s20+s21], $0x28, $0x38;
	[tilespmem:$0x1F080] =	vst v63  }
0xc1: {  	s20 =	sadd.s32 @!p2 s15, s19  }
0xc2: {  	s23 =	simm.s32 @!p2 $0x4000;
	s20 =	sadd.s32 @!p2 $0x1B80, s20  }
0xc3: {  	[tilespmem:s23], [sflag:$0x4] =	stream.linear.gather @!p2 [hbm4b:s20+s21], $0x1400, $0x38;
	[tilespmem:$0x1F080] =	vst v63  }
0xc4: {  	s20 =	simm.s32 @!p1 $0xD;
	s23 =	sadd.s32 $0xFFFFFFFD, s16  }
0xc5: {  	_ =	swait.ge @!p1 [sflag:s20], $0x1400;
	p2 =	sgt.u32 s23, $0xF9  }
0xc6: {  	[sflag:s20] =	ssyncset.done @!p1 $0x0;
	s21 =	simm.s32 @!p2 $0x0  }
0xc7: {  	s23 =	simm.s32 @!p2 $0x200;
	[sflag:s20] =	ssyncadd.s32 @!p1 $0xFFFFEC00;
	s20 =	sadd.s32 @!p2 s17, s29  }
0xc8: {  	[tilespmem:s23], [sflag:$0x5] =	stream.linear.gather @!p2 [hbm4b:s20+s21], $0x28, $0x38;
	[tilespmem:$0x1F080] =	vst v63  }
0xc9: {  	s20 =	sadd.s32 @!p2 s15, s19  }
0xca: {  	s23 =	simm.s32 @!p2 $0x5400;
	s20 =	sadd.s32 @!p2 $0x1E00, s20  }
0xcb: {  	[tilespmem:s23], [sflag:$0x5] =	stream.linear.gather @!p2 [hbm4b:s20+s21], $0x1400, $0x38;
	[tilespmem:$0x1F080] =	vst v63  }
0xcc: {  	s20 =	simm.s32 @!p1 $0xE;
	s23 =	sadd.s32 $0xFFFFFFFE, s16  }
0xcd: {  	_ =	swait.ge @!p1 [sflag:s20], $0x1400;
	p2 =	sgt.u32 s23, $0xF9  }
0xce: {  	[sflag:s20] =	ssyncset.done @!p1 $0x0;
	s21 =	simm.s32 @!p2 $0x0  }
0xcf: {  	s23 =	simm.s32 @!p2 $0x280;
	[sflag:s20] =	ssyncadd.s32 @!p1 $0xFFFFEC00;
	s20 =	sadd.s32 @!p2 s17, s28  }
0xd0: {  	[tilespmem:s23], [sflag:$0x6] =	stream.linear.gather @!p2 [hbm4b:s20+s21], $0x28, $0x38;
	[tilespmem:$0x1F080] =	vst v63  }
0xd1: {  	s20 =	sadd.s32 @!p2 s15, s19  }
0xd2: {  	s23 =	simm.s32 @!p2 $0x6800;
	s20 =	sadd.s32 @!p2 $0x2080, s20  }
0xd3: {  	[tilespmem:s23], [sflag:$0x6] =	stream.linear.gather @!p2 [hbm4b:s20+s21], $0x1400, $0x38;
	[tilespmem:$0x1F080] =	vst v63  }
0xd4: {  	s20 =	simm.s32 @!p1 $0xF;
	s23 =	sadd.s32 $0xFFFFFFFF, s16  }
0xd5: {  	_ =	swait.ge @!p1 [sflag:s20], $0x1400;
	p2 =	sgt.u32 s23, $0xF9  }
0xd6: {  	[sflag:s20] =	ssyncset.done @!p1 $0x0;
	s21 =	simm.s32 @!p2 $0x0  }
0xd7: {  	s23 =	simm.s32 @!p2 $0x300;
	[sflag:s20] =	ssyncadd.s32 @!p1 $0xFFFFEC00;
	s20 =	sadd.s32 @!p2 s17, s26  }
0xd8: {  	[tilespmem:s23], [sflag:$0x7] =	stream.linear.gather @!p2 [hbm4b:s20+s21], $0x28, $0x38;
	[tilespmem:$0x1F080] =	vst v63  }
0xd9: {  	s20 =	sadd.s32 @!p2 s15, s19  }
0xda: {  	s23 =	simm.s32 @!p2 $0x7C00;
	s20 =	sadd.s32 @!p2 $0x2300, s20  }
0xdb: {  	[tilespmem:s23], [sflag:$0x7] =	stream.linear.gather @!p2 [hbm4b:s20+s21], $0x1400, $0x38;
	[tilespmem:$0x1F080] =	vst v63  }
0xdc: {  	s20 =	simm.s32 @!p1 $0x10  }
0xdd: {  	_ =	swait.ge @!p1 [sflag:s20], $0x1400  }
0xde: {  	[sflag:s20] =	ssyncset.done @!p1 $0x0  }
0xdf: {  	[sflag:s20] =	ssyncadd.s32 @!p1 $0xFFFFEC00;
	p1 =	sgt.u32 s16, $0xF9  }
0xe0: {  	s20 =	sadd.s32 @!p1 s17, s25;
	s21 =	simm.s32 @!p1 $0x0;
	s23 =	simm.s32 @!p1 $0x380  }
0xe1: {  	[tilespmem:s23], [sflag:$0x8] =	stream.linear.gather @!p1 [hbm4b:s20+s21], $0x28, $0x38;
	[tilespmem:$0x1F080] =	vst v63  }
0xe2: {  	s20 =	sadd.s32 @!p1 s15, s19  }
0xe3: {  	s23 =	simm.s32 @!p1 $0x9000;
	s15 =	sadd.s32 $0x1400, s15;
	s20 =	sadd.s32 @!p1 $0x2580, s20  }
0xe4: {  	[tilespmem:s23], [sflag:$0x8] =	stream.linear.gather @!p1 [hbm4b:s20+s21], $0x1400, $0x38;
	[tilespmem:$0x1F080] =	vst v63  }
0xe5: {  	p1 =	sne.s32 s15, $0x28000  }
.Ltmp6:
0xe6: {  	_ = 	snop;
	(pc) =	sbr.rel @p1 .LBB2_8-.Ltmp6, $4  }
.Ltmp7:
0xe7: {  	_ = 	snop;
	(pc) =	sbr.rel @!p1 .LBB2_11-.Ltmp7, $4  }
0xe8: {  	_ = 	snop  }
0xe9: {  	_ = 	snop  }
0xea: {  	s18 =	sadd.s32 $0x1, s18;
	s16 =	sadd.s32 $0x8, s16;
	s17 =	sadd.s32 $0x28, s17  }
0xeb: {  	_ = 	snop  }
.LBB2_9:
0xec: {  	_ =	swait.ge [sflag:s13], $0x1400  }
0xed: {  	[sflag:s13] =	ssyncset.done $0x0  }
0xee: {  	[sflag:s13] =	ssyncadd.s32 $0xFFFFEC00  }
.LBB2_11:
.Ltmp8:
0xef: {  	s15 =	stileid.u32;
	(pc) =	sbr.rel @!p0 .LBB2_13-.Ltmp8, $4  }
0xf0: {  	s15 =	sshll.u32 s15, $0x6  }
0xf1: {  	[bflag:$0x0] =	sbarrier.arrive $0xFFFF;
	s16 =	sshrl.u32 s24, $0x3;
	s15 =	sor.u32 $0x1C09, s15  }
0xf2: {  	[hbm:s1], [sflag:s15] =	dma.local [spmem:s16], $0x280  }
0xf3: {  	s17 =	sadd.s32 $0x14000, s24;
	s18 =	smov.u32 s1;
	s16 =	sadd.s32 $0xFFFFFFFF, s22  }
.LBB2_12:
0xf4: {  	p1 =	sne.s32 s16, $0x1;
	s16 =	sadd.s32 $0xFFFFFFFF, s16  }
.Ltmp9:
0xf5: {  	s20 =	sshrl.u32 s17, $0x3;
	s18 =	sadd.s32 $0x2800, s18;
	(pc) =	sbr.rel @p1 .LBB2_12-.Ltmp9, $3  }
0xf6: {  	[hbm:s18], [sflag:s15] =	dma.local [spmem:s20], $0x280  }
0xf7: {  	_ =	sdelay $0x1  }
0xf8: {  	s17 =	sadd.s32 $0x14000, s17  }
.LBB2_13:
.Ltmp10:
0xf9: {  	(pc) =	sbr.rel @!p0 .LBB2_15-.Ltmp10, $3  }
0xfa: {  	_ =	sdelay $0x1  }
0xfb: {  	_ =	swait.ge [sflag:s9], $0x280  }
0xfc: {  	s15 =	sadd.s32 $0xFFFFFFFF, s22;
	[sflag:s9] =	ssyncset.done $0x0  }
.LBB2_14:
0xfd: {  	p0 =	sne.s32 s15, $0x1;
	s15 =	sadd.s32 $0xFFFFFFFF, s15;
	[sflag:s9] =	ssyncadd.s32 $0xFFFFFD80  }
.Ltmp11:
0xfe: {  	(pc) =	sbr.rel @p0 .LBB2_14-.Ltmp11, $3  }
0xff: {  	_ =	sdelay $0x1  }
0x100: {  	_ =	swait.ge [sflag:s9], $0x280  }
0x101: {  	[sflag:s9] =	ssyncset.done $0x0  }
.LBB2_15:
0x102: {  	s14 =	sadd.s32 $0x1, s14;
	s15 =	rddreg [dreg:$0x15]  }
0x103: {  	p0 =	sne.s32 s14, s15  }
.Ltmp12:
0x104: {  	_ = 	snop;
	(pc) =	sbr.rel @p0 .LBB2_1-.Ltmp12, $2  }
0x105: {  	_ =	sdelay $0x2  }
0x106: {  	[sflag:s9] =	ssyncadd.s32 $0xFFFFFD80  }
0x107: {  	_ =	sfence.sel $0x180000  }
0x108: {  	[bflag:$0x0] =	sbarrier.arrive $0xFFFF  }
0x109: {  	_ =	strace $0x90000047  }
0x10a: {  	s0 =	stileid.u32;
	[bflag:$0x2] =	sbarrier.arrive $0xFFFF  }
0x10b: {  	p0 =	sne.s32 s0, $0x0;
	s0 =	rddreg [dreg:$0x4]  }
0x10c: {  	s0 =	sadd.s32 @!p0 $0x100000, s0  }
0x10d: {  	[sflag:s0] =	ssyncadd.tile.s32 @!p0 $0x1;
	_ =	shalt  }
.Lfunc_end2:
_tile_overlayer_lowered:
.L_overlay_start_2:
0x10e: {  	(tag) =	ssettag $0x2  }
0x10f: {  	s0 =	rddreg [dreg:$0x0];
	s2 =	stileid.u32  }
0x110: {  	s1 =	rddreg [dreg:$0x1];
	p0 =	sne.s32 s2, $0x0  }
0x111: {  	s3 =	rddreg [dreg:$0x2];
	[bflag:$0x3] =	sbarrier.arrive $0xFFFF;
	s2 =	simm.s32 @!p0 $0x1C11  }
0x112: {  	[timem:s3], [sflag:s2] =	dma.local @!p0 [hbm:s0], s1  }
0x113: {  	s0 =	simm.s32 @!p0 $0x11  }
0x114: {  	_ =	swait.ge @!p0 [sflag:s0], s1  }
0x115: {  	s1 =	ssub.s32 @!p0 $0x0, s1;
	[sflag:s0] =	ssyncset.done @!p0 $0x0  }
0x116: {  	[sflag:s0] =	ssyncadd.s32 @!p0 s1  }
0x117: {  	[bflag:$0x3] =	sbarrier.arrive $0xFFFF  }
0x118: {  	_ =	shalt  }

</sc_bundles>
